<compile_context>
chip_gen: v7x
topology: tpu7x:2x2x1
jax: 0.10.2.dev20260603
libtpu: 0.0.44.dev20260713+nightly
codegen_flags: <defaults>
</compile_context>

<pallas_src>
import functools

import jax
import jax.numpy as jnp
from jax import lax
from jax.experimental import pallas as pl
from jax.experimental.pallas import tpu as pltpu
from jax.experimental.pallas import tpu_sc as plsc

_SELU_ALPHA = 1.6732632423543772
_SELU_SCALE = 1.0507009873554805


def _expm1(x):
    small = jnp.abs(x) < 0.1
    xs = jnp.where(small, x, 0.0)
    series = xs * (1.0 + xs * (0.5 + xs * (1.0 / 6.0 + xs * (1.0 / 24.0 + xs * (1.0 / 120.0)))))
    return jnp.where(small, series, jnp.exp(x) - 1.0)


def _scores_body(x_ref, wt_ref, b_ref, tw_ref, a_ref, comb_ref, sums_ref):
    x = x_ref[...]
    wt = wt_ref[...]
    scores = jnp.dot(x, wt, preferred_element_type=jnp.float32) + b_ref[...]
    a = a_ref[...]
    pre = jnp.where(scores >= 0, scores, a * scores)
    celu = jnp.where(pre > 0, pre, _expm1(pre))
    silu = pre * jax.nn.sigmoid(pre)
    gelu = pre * (lax.erf(pre / jnp.float32(1.4142135623730951)) + 1.0) * 0.5
    ts = celu * silu + gelu
    tw = tw_ref[...]
    wsel = _SELU_SCALE * jnp.where(tw > 0, tw, _SELU_ALPHA * _expm1(tw))
    comb = jnp.dot(ts, wsel.reshape(-1, 1), preferred_element_type=jnp.float32)
    ssum = ts[:, 0]
    for s in range(1, ts.shape[1]):
        ssum = ssum + ts[:, s]
    comb_ref[...] = comb.reshape(1, 1, -1)
    sums_ref[...] = ssum.reshape(1, 1, -1)


def _partner(x, d, lower):
    if d < 128:
        ax, s = 1, d
    else:
        ax, s = 0, d // 128
    sz = x.shape[ax]
    return jnp.where(lower, pltpu.roll(x, sz - s, ax), pltpu.roll(x, s, ax))


def _sort_body(comb_ref, sums_ref, tgt_ref, val_ref, *, batch, log2n):
    G, lanes = comb_ref.shape
    rows = G // batch
    n = rows * lanes

    parts = []
    for b in range(batch):
        blk = sums_ref[b * rows:(b + 1) * rows, :]
        m = jnp.max(blk)
        e = jnp.exp(blk - m)
        parts.append(e / jnp.sum(e))
    soft = jnp.concatenate(parts, axis=0)

    c = lax.broadcasted_iota(jnp.int32, (G, lanes), 1)
    g = lax.broadcasted_iota(jnp.int32, (G, lanes), 0)
    i = (g % rows) * lanes + c

    key = comb_ref[...]
    idx = i
    for kk in range(1, log2n + 1):
        asc = (i & (1 << kk)) == 0
        for jj in range(kk - 1, -1, -1):
            d = 1 << jj
            lower = (i & d) == 0
            ky = _partner(key, d, lower)
            iy = _partner(idx, d, lower)
            x_less = (key > ky) | ((key == ky) & (idx < iy))
            take_x = x_less == (asc == lower)
            key = jnp.where(take_x, key, ky)
            idx = jnp.where(take_x, idx, iy)

    tgt_ref[...] = idx + (g // rows) * n
    val_ref[...] = 1.0 + soft


def kernel(input_tensor, Ws, bs, token_weights, prelu_a):
    B, L, D = input_tensor.shape
    S = Ws.shape[0]
    LC = 2048
    BL = B * L
    x2 = input_tensor.reshape(BL, D)
    wt = Ws.T
    b2 = bs.reshape(1, S)
    tw2 = token_weights.reshape(1, S)
    a2 = prelu_a.reshape(1, 1)

    nblk = BL // LC
    comb, sums = pl.pallas_call(
        _scores_body,
        grid=(nblk,),
        in_specs=[
            pl.BlockSpec((LC, D), lambda i: (i, 0)),
            pl.BlockSpec((D, S), lambda i: (0, 0)),
            pl.BlockSpec((1, S), lambda i: (0, 0)),
            pl.BlockSpec((1, S), lambda i: (0, 0)),
            pl.BlockSpec((1, 1), lambda i: (0, 0)),
        ],
        out_specs=[
            pl.BlockSpec((1, 1, LC), lambda i: (i, 0, 0)),
            pl.BlockSpec((1, 1, LC), lambda i: (i, 0, 0)),
        ],
        out_shape=[jax.ShapeDtypeStruct((nblk, 1, LC), jnp.float32)] * 2,
    )(x2, wt, b2, tw2, a2)

    G = BL // 128
    log2n = (L - 1).bit_length()
    tgt, vals = pl.pallas_call(
        functools.partial(_sort_body, batch=B, log2n=log2n),
        out_shape=[jax.ShapeDtypeStruct((G, 128), jnp.int32),
                   jax.ShapeDtypeStruct((G, 128), jnp.float32)],
    )(comb.reshape(G, 128), sums.reshape(G, 128))

    out = _sc_scatter_call(tgt, vals, BL)
    return out.reshape(B, L, 1)


def _sc_scatter_call(tgt, vals, bl):
    info = plsc.get_sparse_core_info()
    nc, ns = info.num_cores, info.num_subcores
    nw = nc * ns
    g = tgt.shape[0]
    rows_per_w = g // nw

    @functools.partial(
        pl.kernel,
        out_type=jax.ShapeDtypeStruct((bl,), jnp.float32),
        mesh=plsc.VectorSubcoreMesh(core_axis_name="c", subcore_axis_name="s"),
        scratch_types=[
            pltpu.VMEM((rows_per_w, 128), jnp.int32),
            pltpu.VMEM((rows_per_w, 128), jnp.float32),
            pltpu.SemaphoreType.DMA,
        ],
    )
    def scatter_kernel(tgt_hbm, val_hbm, out_hbm, idx_v, val_v, sem):
        wid = lax.axis_index("s") * nc + lax.axis_index("c")
        r0 = wid * rows_per_w
        pltpu.sync_copy(tgt_hbm.at[pl.ds(r0, rows_per_w)], idx_v)
        pltpu.sync_copy(val_hbm.at[pl.ds(r0, rows_per_w)], val_v)
        copies = [
            pltpu.async_copy(val_v.at[j], out_hbm.at[idx_v.at[j]], sem)
            for j in range(rows_per_w)
        ]
        for c in copies:
            c.wait()

    return scatter_kernel(tgt, vals)

# --- scband reference (transcript-rebuilt; emitter-appended) ---
"""Pipeline reference for scband-token-selection-6708738917103 (READ-ONLY COPY).

The authoritative reference and input builder live on the scoring server;
editing this copy changes nothing except your own understanding.
"""

import jax, jax.numpy as jnp
import numpy as np

MODEL_DIM = 768
NUM_SEL = 8
B = 4
L = 8192


def setup_inputs(seed: int = 0) -> dict:
    key = jax.random.key(seed)
    k1, k2, k3 = jax.random.split(key, 3)
    input_tensor = jax.random.normal(k1, (B, L, MODEL_DIM), dtype=jnp.float32)
    # nn.Linear(model_dim, 1) weights stacked: [NUM_SEL, MODEL_DIM], biases [NUM_SEL]
    Ws = jax.random.normal(k2, (NUM_SEL, MODEL_DIM), dtype=jnp.float32) * (1.0 / np.sqrt(MODEL_DIM))
    bs = jnp.zeros((NUM_SEL,), dtype=jnp.float32)
    # token_weights: Parameter [NUM_SEL, 1], kaiming normal (linear) ~ N(0, 1/fan_in)
    token_weights = jax.random.normal(k3, (NUM_SEL, 1), dtype=jnp.float32)
    # PReLU default: single learnable scalar initialized to 0.25
    prelu_a = jnp.array(0.25, dtype=jnp.float32)
    return {"input_tensor": input_tensor, "Ws": Ws, "bs": bs, "token_weights": token_weights, "prelu_a": prelu_a}


def reference(input_tensor, Ws, bs, token_weights, prelu_a):
    # token_scores: stack of per-classifier scores -> [S, B, L]
    token_scores = jnp.einsum('sd,bld->sbl', Ws, input_tensor) + bs[:, None, None]
    # PReLU with scalar slope
    pre = jnp.where(token_scores >= 0, token_scores, prelu_a * token_scores)
    # celu(x)*silu(x) + gelu(x)  (torch F.gelu default is exact erf form)
    ts = jax.nn.celu(pre) * jax.nn.silu(pre) + jax.nn.gelu(pre, approximate=False)
    # combined_scores = einsum('s,s...->...', selu(token_weights.squeeze(-1)), ts) -> [B, L]
    w = jax.nn.selu(token_weights.squeeze(-1))
    combined = jnp.einsum('s,sbl->bl', w, ts)
    # topk with k = seq_len (full descending sort indices)
    k = input_tensor.shape[1]
    _, top_idx = jax.lax.top_k(combined, k)
    # scatter_add of token_scores.sum(0) into ones, along last dim per batch row
    sum_scores = ts.sum(0)  # [B, L]
    b_idx = jnp.arange(combined.shape[0])[:, None]
    importance = jnp.ones_like(combined).at[b_idx, top_idx].add(sum_scores)
    return 1 + jax.nn.softmax(importance, axis=-1)[..., None]

if __name__ == "__main__":
    import jax
    _d = setup_inputs()
    print(jax.jit(kernel)(*tuple(_d.values())))

</pallas_src>

<mosaic_0001>
#map = affine_map<(d0, d1) -> (0, 0)>
#map1 = affine_map<(d0, d1) -> (0)>
module attributes {stable_mosaic.version = 14 : i64} {
  func.func @scatter_kernel(%arg0: i32, %arg1: i32, %arg2: memref<256x128xi32, #tpu.memory_space<hbm>>, %arg3: memref<256x128xf32, #tpu.memory_space<hbm>>, %arg4: memref<32768xf32, #tpu.memory_space<hbm>>, %arg5: memref<8x128xi32, #tpu.memory_space<vmem>>, %arg6: memref<8x128xf32, #tpu.memory_space<vmem>>, %arg7: memref<!tpu.dma_semaphore, #tpu.memory_space<semaphore_mem>>) attributes {dimension_semantics = [#tpu.dimension_semantics<core_parallel>, #tpu.dimension_semantics<subcore_parallel>], iteration_bounds = array<i64: 2, 16>, scalar_prefetch = 0 : i64, scratch_operands = 3 : i64, tpu.core_type = #tpu.core_type<sc_vector_subcore>, window_params = [{transform_indices = #map}, {transform_indices = #map}, {transform_indices = #map1}]} {
    %mul3A = arith.constant 2 : i32
    %mul3A_0 = arith.muli %arg1, %mul3A : i32
    %add3A = arith.addi %mul3A_0, %arg0 : i32
    %mul3A_1 = arith.constant 8 : i32
    %mul3A_2 = arith.muli %add3A, %mul3A_1 : i32
    "tpu.region"() ({
      %run_scoped3A = tpu.sem_alloc : memref<!tpu.dma_semaphore, #tpu.memory_space<semaphore_mem>>
      %dma_start3A_161 = arith.constant 0 : i32
      %dma_start3A_162 = tpu.memref_slice %arg2[%mul3A_2, %dma_start3A_161] : memref<256x128xi32, #tpu.memory_space<hbm>> -> memref<8x128xi32, #tpu.memory_space<hbm>>
      %dma_start3A_163 = arith.constant 0 : i32
      %dma_start3A_164 = tpu.memref_slice %arg2[%mul3A_2, %dma_start3A_163] : memref<256x128xi32, #tpu.memory_space<hbm>> -> memref<8x128xi32, #tpu.memory_space<hbm>>
      tpu.enqueue_dma source(%dma_start3A_164 : memref<8x128xi32, #tpu.memory_space<hbm>>) target(%arg5 : memref<8x128xi32, #tpu.memory_space<vmem>>) target_semaphore(%run_scoped3A : memref<!tpu.dma_semaphore, #tpu.memory_space<semaphore_mem>>)
      %dma_wait3A_165 = arith.constant 0 : i32
      %dma_wait3A_166 = tpu.memref_slice %arg2[%mul3A_2, %dma_wait3A_165] : memref<256x128xi32, #tpu.memory_space<hbm>> -> memref<8x128xi32, #tpu.memory_space<hbm>>
      %dma_wait3A_167 = arith.constant 0 : i32
      %dma_wait3A_168 = tpu.memref_slice %arg2[%mul3A_2, %dma_wait3A_167] : memref<256x128xi32, #tpu.memory_space<hbm>> -> memref<8x128xi32, #tpu.memory_space<hbm>>
      tpu.wait_dma2 semaphore(%run_scoped3A : memref<!tpu.dma_semaphore, #tpu.memory_space<semaphore_mem>>) src(%dma_wait3A_168 : memref<8x128xi32, #tpu.memory_space<hbm>>) dst(%arg5 : memref<8x128xi32, #tpu.memory_space<vmem>>)
      tpu.yield
    }) : () -> ()
    "tpu.region"() ({
      %run_scoped3A = tpu.sem_alloc : memref<!tpu.dma_semaphore, #tpu.memory_space<semaphore_mem>>
      %dma_start3A_161 = arith.constant 0 : i32
      %dma_start3A_162 = tpu.memref_slice %arg3[%mul3A_2, %dma_start3A_161] : memref<256x128xf32, #tpu.memory_space<hbm>> -> memref<8x128xf32, #tpu.memory_space<hbm>>
      %dma_start3A_163 = arith.constant 0 : i32
      %dma_start3A_164 = tpu.memref_slice %arg3[%mul3A_2, %dma_start3A_163] : memref<256x128xf32, #tpu.memory_space<hbm>> -> memref<8x128xf32, #tpu.memory_space<hbm>>
      tpu.enqueue_dma source(%dma_start3A_164 : memref<8x128xf32, #tpu.memory_space<hbm>>) target(%arg6 : memref<8x128xf32, #tpu.memory_space<vmem>>) target_semaphore(%run_scoped3A : memref<!tpu.dma_semaphore, #tpu.memory_space<semaphore_mem>>)
      %dma_wait3A_165 = arith.constant 0 : i32
      %dma_wait3A_166 = tpu.memref_slice %arg3[%mul3A_2, %dma_wait3A_165] : memref<256x128xf32, #tpu.memory_space<hbm>> -> memref<8x128xf32, #tpu.memory_space<hbm>>
      %dma_wait3A_167 = arith.constant 0 : i32
      %dma_wait3A_168 = tpu.memref_slice %arg3[%mul3A_2, %dma_wait3A_167] : memref<256x128xf32, #tpu.memory_space<hbm>> -> memref<8x128xf32, #tpu.memory_space<hbm>>
      tpu.wait_dma2 semaphore(%run_scoped3A : memref<!tpu.dma_semaphore, #tpu.memory_space<semaphore_mem>>) src(%dma_wait3A_168 : memref<8x128xf32, #tpu.memory_space<hbm>>) dst(%arg6 : memref<8x128xf32, #tpu.memory_space<vmem>>)
      tpu.yield
    }) : () -> ()
    %dma_start3A = arith.constant 0 : i32
    %dma_start3A_3 = arith.constant 0 : i32
    %dma_start3A_4 = arith.constant 0 : i32
    %dma_start3A_5 = tpu.memref_slice %arg6[%dma_start3A, %dma_start3A_4] : memref<8x128xf32, #tpu.memory_space<vmem>> -> memref<1x128xf32, #tpu.memory_space<vmem>>
    %dma_start3A_6 = tpu.memref_squeeze %dma_start3A_5 : memref<1x128xf32, #tpu.memory_space<vmem>> -> memref<128xf32, #tpu.memory_space<vmem>>
    %dma_start3A_7 = arith.constant 0 : i32
    %dma_start3A_8 = tpu.memref_slice %arg5[%dma_start3A_3, %dma_start3A_7] : memref<8x128xi32, #tpu.memory_space<vmem>> -> memref<1x128xi32, #tpu.memory_space<vmem>>
    %dma_start3A_9 = tpu.memref_squeeze %dma_start3A_8 : memref<1x128xi32, #tpu.memory_space<vmem>> -> memref<128xi32, #tpu.memory_space<vmem>>
    %dma_start3A_10 = arith.constant 0 : i32
    %dma_start3A_11 = tpu.memref_slice %arg4[%dma_start3A_10] : memref<32768xf32, #tpu.memory_space<hbm>> -> memref<32768xf32, #tpu.memory_space<hbm>>
    tpu.enqueue_indirect_dma source(%dma_start3A_6 : memref<128xf32, #tpu.memory_space<vmem>>) target(%dma_start3A_11 : memref<32768xf32, #tpu.memory_space<hbm>>) offsets(%dma_start3A_9 : memref<128xi32, #tpu.memory_space<vmem>>) semaphore(%arg7 : memref<!tpu.dma_semaphore, #tpu.memory_space<semaphore_mem>>)
    %dma_start3A_12 = arith.constant 1 : i32
    %dma_start3A_13 = arith.constant 1 : i32
    %dma_start3A_14 = arith.constant 0 : i32
    %dma_start3A_15 = tpu.memref_slice %arg6[%dma_start3A_12, %dma_start3A_14] : memref<8x128xf32, #tpu.memory_space<vmem>> -> memref<1x128xf32, #tpu.memory_space<vmem>>
    %dma_start3A_16 = tpu.memref_squeeze %dma_start3A_15 : memref<1x128xf32, #tpu.memory_space<vmem>> -> memref<128xf32, #tpu.memory_space<vmem>>
    %dma_start3A_17 = arith.constant 0 : i32
    %dma_start3A_18 = tpu.memref_slice %arg5[%dma_start3A_13, %dma_start3A_17] : memref<8x128xi32, #tpu.memory_space<vmem>> -> memref<1x128xi32, #tpu.memory_space<vmem>>
    %dma_start3A_19 = tpu.memref_squeeze %dma_start3A_18 : memref<1x128xi32, #tpu.memory_space<vmem>> -> memref<128xi32, #tpu.memory_space<vmem>>
    %dma_start3A_20 = arith.constant 0 : i32
    %dma_start3A_21 = tpu.memref_slice %arg4[%dma_start3A_20] : memref<32768xf32, #tpu.memory_space<hbm>> -> memref<32768xf32, #tpu.memory_space<hbm>>
    tpu.enqueue_indirect_dma source(%dma_start3A_16 : memref<128xf32, #tpu.memory_space<vmem>>) target(%dma_start3A_21 : memref<32768xf32, #tpu.memory_space<hbm>>) offsets(%dma_start3A_19 : memref<128xi32, #tpu.memory_space<vmem>>) semaphore(%arg7 : memref<!tpu.dma_semaphore, #tpu.memory_space<semaphore_mem>>)
    %dma_start3A_22 = arith.constant 2 : i32
    %dma_start3A_23 = arith.constant 2 : i32
    %dma_start3A_24 = arith.constant 0 : i32
    %dma_start3A_25 = tpu.memref_slice %arg6[%dma_start3A_22, %dma_start3A_24] : memref<8x128xf32, #tpu.memory_space<vmem>> -> memref<1x128xf32, #tpu.memory_space<vmem>>
    %dma_start3A_26 = tpu.memref_squeeze %dma_start3A_25 : memref<1x128xf32, #tpu.memory_space<vmem>> -> memref<128xf32, #tpu.memory_space<vmem>>
    %dma_start3A_27 = arith.constant 0 : i32
    %dma_start3A_28 = tpu.memref_slice %arg5[%dma_start3A_23, %dma_start3A_27] : memref<8x128xi32, #tpu.memory_space<vmem>> -> memref<1x128xi32, #tpu.memory_space<vmem>>
    %dma_start3A_29 = tpu.memref_squeeze %dma_start3A_28 : memref<1x128xi32, #tpu.memory_space<vmem>> -> memref<128xi32, #tpu.memory_space<vmem>>
    %dma_start3A_30 = arith.constant 0 : i32
    %dma_start3A_31 = tpu.memref_slice %arg4[%dma_start3A_30] : memref<32768xf32, #tpu.memory_space<hbm>> -> memref<32768xf32, #tpu.memory_space<hbm>>
    tpu.enqueue_indirect_dma source(%dma_start3A_26 : memref<128xf32, #tpu.memory_space<vmem>>) target(%dma_start3A_31 : memref<32768xf32, #tpu.memory_space<hbm>>) offsets(%dma_start3A_29 : memref<128xi32, #tpu.memory_space<vmem>>) semaphore(%arg7 : memref<!tpu.dma_semaphore, #tpu.memory_space<semaphore_mem>>)
    %dma_start3A_32 = arith.constant 3 : i32
    %dma_start3A_33 = arith.constant 3 : i32
    %dma_start3A_34 = arith.constant 0 : i32
    %dma_start3A_35 = tpu.memref_slice %arg6[%dma_start3A_32, %dma_start3A_34] : memref<8x128xf32, #tpu.memory_space<vmem>> -> memref<1x128xf32, #tpu.memory_space<vmem>>
    %dma_start3A_36 = tpu.memref_squeeze %dma_start3A_35 : memref<1x128xf32, #tpu.memory_space<vmem>> -> memref<128xf32, #tpu.memory_space<vmem>>
    %dma_start3A_37 = arith.constant 0 : i32
    %dma_start3A_38 = tpu.memref_slice %arg5[%dma_start3A_33, %dma_start3A_37] : memref<8x128xi32, #tpu.memory_space<vmem>> -> memref<1x128xi32, #tpu.memory_space<vmem>>
    %dma_start3A_39 = tpu.memref_squeeze %dma_start3A_38 : memref<1x128xi32, #tpu.memory_space<vmem>> -> memref<128xi32, #tpu.memory_space<vmem>>
    %dma_start3A_40 = arith.constant 0 : i32
    %dma_start3A_41 = tpu.memref_slice %arg4[%dma_start3A_40] : memref<32768xf32, #tpu.memory_space<hbm>> -> memref<32768xf32, #tpu.memory_space<hbm>>
    tpu.enqueue_indirect_dma source(%dma_start3A_36 : memref<128xf32, #tpu.memory_space<vmem>>) target(%dma_start3A_41 : memref<32768xf32, #tpu.memory_space<hbm>>) offsets(%dma_start3A_39 : memref<128xi32, #tpu.memory_space<vmem>>) semaphore(%arg7 : memref<!tpu.dma_semaphore, #tpu.memory_space<semaphore_mem>>)
    %dma_start3A_42 = arith.constant 4 : i32
    %dma_start3A_43 = arith.constant 4 : i32
    %dma_start3A_44 = arith.constant 0 : i32
    %dma_start3A_45 = tpu.memref_slice %arg6[%dma_start3A_42, %dma_start3A_44] : memref<8x128xf32, #tpu.memory_space<vmem>> -> memref<1x128xf32, #tpu.memory_space<vmem>>
    %dma_start3A_46 = tpu.memref_squeeze %dma_start3A_45 : memref<1x128xf32, #tpu.memory_space<vmem>> -> memref<128xf32, #tpu.memory_space<vmem>>
    %dma_start3A_47 = arith.constant 0 : i32
    %dma_start3A_48 = tpu.memref_slice %arg5[%dma_start3A_43, %dma_start3A_47] : memref<8x128xi32, #tpu.memory_space<vmem>> -> memref<1x128xi32, #tpu.memory_space<vmem>>
    %dma_start3A_49 = tpu.memref_squeeze %dma_start3A_48 : memref<1x128xi32, #tpu.memory_space<vmem>> -> memref<128xi32, #tpu.memory_space<vmem>>
    %dma_start3A_50 = arith.constant 0 : i32
    %dma_start3A_51 = tpu.memref_slice %arg4[%dma_start3A_50] : memref<32768xf32, #tpu.memory_space<hbm>> -> memref<32768xf32, #tpu.memory_space<hbm>>
    tpu.enqueue_indirect_dma source(%dma_start3A_46 : memref<128xf32, #tpu.memory_space<vmem>>) target(%dma_start3A_51 : memref<32768xf32, #tpu.memory_space<hbm>>) offsets(%dma_start3A_49 : memref<128xi32, #tpu.memory_space<vmem>>) semaphore(%arg7 : memref<!tpu.dma_semaphore, #tpu.memory_space<semaphore_mem>>)
    %dma_start3A_52 = arith.constant 5 : i32
    %dma_start3A_53 = arith.constant 5 : i32
    %dma_start3A_54 = arith.constant 0 : i32
    %dma_start3A_55 = tpu.memref_slice %arg6[%dma_start3A_52, %dma_start3A_54] : memref<8x128xf32, #tpu.memory_space<vmem>> -> memref<1x128xf32, #tpu.memory_space<vmem>>
    %dma_start3A_56 = tpu.memref_squeeze %dma_start3A_55 : memref<1x128xf32, #tpu.memory_space<vmem>> -> memref<128xf32, #tpu.memory_space<vmem>>
    %dma_start3A_57 = arith.constant 0 : i32
    %dma_start3A_58 = tpu.memref_slice %arg5[%dma_start3A_53, %dma_start3A_57] : memref<8x128xi32, #tpu.memory_space<vmem>> -> memref<1x128xi32, #tpu.memory_space<vmem>>
    %dma_start3A_59 = tpu.memref_squeeze %dma_start3A_58 : memref<1x128xi32, #tpu.memory_space<vmem>> -> memref<128xi32, #tpu.memory_space<vmem>>
    %dma_start3A_60 = arith.constant 0 : i32
    %dma_start3A_61 = tpu.memref_slice %arg4[%dma_start3A_60] : memref<32768xf32, #tpu.memory_space<hbm>> -> memref<32768xf32, #tpu.memory_space<hbm>>
    tpu.enqueue_indirect_dma source(%dma_start3A_56 : memref<128xf32, #tpu.memory_space<vmem>>) target(%dma_start3A_61 : memref<32768xf32, #tpu.memory_space<hbm>>) offsets(%dma_start3A_59 : memref<128xi32, #tpu.memory_space<vmem>>) semaphore(%arg7 : memref<!tpu.dma_semaphore, #tpu.memory_space<semaphore_mem>>)
    %dma_start3A_62 = arith.constant 6 : i32
    %dma_start3A_63 = arith.constant 6 : i32
    %dma_start3A_64 = arith.constant 0 : i32
    %dma_start3A_65 = tpu.memref_slice %arg6[%dma_start3A_62, %dma_start3A_64] : memref<8x128xf32, #tpu.memory_space<vmem>> -> memref<1x128xf32, #tpu.memory_space<vmem>>
    %dma_start3A_66 = tpu.memref_squeeze %dma_start3A_65 : memref<1x128xf32, #tpu.memory_space<vmem>> -> memref<128xf32, #tpu.memory_space<vmem>>
    %dma_start3A_67 = arith.constant 0 : i32
    %dma_start3A_68 = tpu.memref_slice %arg5[%dma_start3A_63, %dma_start3A_67] : memref<8x128xi32, #tpu.memory_space<vmem>> -> memref<1x128xi32, #tpu.memory_space<vmem>>
    %dma_start3A_69 = tpu.memref_squeeze %dma_start3A_68 : memref<1x128xi32, #tpu.memory_space<vmem>> -> memref<128xi32, #tpu.memory_space<vmem>>
    %dma_start3A_70 = arith.constant 0 : i32
    %dma_start3A_71 = tpu.memref_slice %arg4[%dma_start3A_70] : memref<32768xf32, #tpu.memory_space<hbm>> -> memref<32768xf32, #tpu.memory_space<hbm>>
    tpu.enqueue_indirect_dma source(%dma_start3A_66 : memref<128xf32, #tpu.memory_space<vmem>>) target(%dma_start3A_71 : memref<32768xf32, #tpu.memory_space<hbm>>) offsets(%dma_start3A_69 : memref<128xi32, #tpu.memory_space<vmem>>) semaphore(%arg7 : memref<!tpu.dma_semaphore, #tpu.memory_space<semaphore_mem>>)
    %dma_start3A_72 = arith.constant 7 : i32
    %dma_start3A_73 = arith.constant 7 : i32
    %dma_start3A_74 = arith.constant 0 : i32
    %dma_start3A_75 = tpu.memref_slice %arg6[%dma_start3A_72, %dma_start3A_74] : memref<8x128xf32, #tpu.memory_space<vmem>> -> memref<1x128xf32, #tpu.memory_space<vmem>>
    %dma_start3A_76 = tpu.memref_squeeze %dma_start3A_75 : memref<1x128xf32, #tpu.memory_space<vmem>> -> memref<128xf32, #tpu.memory_space<vmem>>
    %dma_start3A_77 = arith.constant 0 : i32
    %dma_start3A_78 = tpu.memref_slice %arg5[%dma_start3A_73, %dma_start3A_77] : memref<8x128xi32, #tpu.memory_space<vmem>> -> memref<1x128xi32, #tpu.memory_space<vmem>>
    %dma_start3A_79 = tpu.memref_squeeze %dma_start3A_78 : memref<1x128xi32, #tpu.memory_space<vmem>> -> memref<128xi32, #tpu.memory_space<vmem>>
    %dma_start3A_80 = arith.constant 0 : i32
    %dma_start3A_81 = tpu.memref_slice %arg4[%dma_start3A_80] : memref<32768xf32, #tpu.memory_space<hbm>> -> memref<32768xf32, #tpu.memory_space<hbm>>
    tpu.enqueue_indirect_dma source(%dma_start3A_76 : memref<128xf32, #tpu.memory_space<vmem>>) target(%dma_start3A_81 : memref<32768xf32, #tpu.memory_space<hbm>>) offsets(%dma_start3A_79 : memref<128xi32, #tpu.memory_space<vmem>>) semaphore(%arg7 : memref<!tpu.dma_semaphore, #tpu.memory_space<semaphore_mem>>)
    %dma_wait3A = arith.constant 0 : i32
    %dma_wait3A_82 = arith.constant 0 : i32
    %dma_wait3A_83 = arith.constant 0 : i32
    %dma_wait3A_84 = tpu.memref_slice %arg6[%dma_wait3A, %dma_wait3A_83] : memref<8x128xf32, #tpu.memory_space<vmem>> -> memref<1x128xf32, #tpu.memory_space<vmem>>
    %dma_wait3A_85 = tpu.memref_squeeze %dma_wait3A_84 : memref<1x128xf32, #tpu.memory_space<vmem>> -> memref<128xf32, #tpu.memory_space<vmem>>
    %dma_wait3A_86 = arith.constant 0 : i32
    %dma_wait3A_87 = tpu.memref_slice %arg5[%dma_wait3A_82, %dma_wait3A_86] : memref<8x128xi32, #tpu.memory_space<vmem>> -> memref<1x128xi32, #tpu.memory_space<vmem>>
    %dma_wait3A_88 = tpu.memref_squeeze %dma_wait3A_87 : memref<1x128xi32, #tpu.memory_space<vmem>> -> memref<128xi32, #tpu.memory_space<vmem>>
    %dma_wait3A_89 = arith.constant 0 : i32
    %dma_wait3A_90 = tpu.memref_slice %arg4[%dma_wait3A_89] : memref<32768xf32, #tpu.memory_space<hbm>> -> memref<32768xf32, #tpu.memory_space<hbm>>
    tpu.wait_indirect_dma semaphore(%arg7 : memref<!tpu.dma_semaphore, #tpu.memory_space<semaphore_mem>>) src(%dma_wait3A_85 : memref<128xf32, #tpu.memory_space<vmem>>) dst(%dma_wait3A_90 : memref<32768xf32, #tpu.memory_space<hbm>>)
    %dma_wait3A_91 = arith.constant 1 : i32
    %dma_wait3A_92 = arith.constant 1 : i32
    %dma_wait3A_93 = arith.constant 0 : i32
    %dma_wait3A_94 = tpu.memref_slice %arg6[%dma_wait3A_91, %dma_wait3A_93] : memref<8x128xf32, #tpu.memory_space<vmem>> -> memref<1x128xf32, #tpu.memory_space<vmem>>
    %dma_wait3A_95 = tpu.memref_squeeze %dma_wait3A_94 : memref<1x128xf32, #tpu.memory_space<vmem>> -> memref<128xf32, #tpu.memory_space<vmem>>
    %dma_wait3A_96 = arith.constant 0 : i32
    %dma_wait3A_97 = tpu.memref_slice %arg5[%dma_wait3A_92, %dma_wait3A_96] : memref<8x128xi32, #tpu.memory_space<vmem>> -> memref<1x128xi32, #tpu.memory_space<vmem>>
    %dma_wait3A_98 = tpu.memref_squeeze %dma_wait3A_97 : memref<1x128xi32, #tpu.memory_space<vmem>> -> memref<128xi32, #tpu.memory_space<vmem>>
    %dma_wait3A_99 = arith.constant 0 : i32
    %dma_wait3A_100 = tpu.memref_slice %arg4[%dma_wait3A_99] : memref<32768xf32, #tpu.memory_space<hbm>> -> memref<32768xf32, #tpu.memory_space<hbm>>
    tpu.wait_indirect_dma semaphore(%arg7 : memref<!tpu.dma_semaphore, #tpu.memory_space<semaphore_mem>>) src(%dma_wait3A_95 : memref<128xf32, #tpu.memory_space<vmem>>) dst(%dma_wait3A_100 : memref<32768xf32, #tpu.memory_space<hbm>>)
    %dma_wait3A_101 = arith.constant 2 : i32
    %dma_wait3A_102 = arith.constant 2 : i32
    %dma_wait3A_103 = arith.constant 0 : i32
    %dma_wait3A_104 = tpu.memref_slice %arg6[%dma_wait3A_101, %dma_wait3A_103] : memref<8x128xf32, #tpu.memory_space<vmem>> -> memref<1x128xf32, #tpu.memory_space<vmem>>
    %dma_wait3A_105 = tpu.memref_squeeze %dma_wait3A_104 : memref<1x128xf32, #tpu.memory_space<vmem>> -> memref<128xf32, #tpu.memory_space<vmem>>
    %dma_wait3A_106 = arith.constant 0 : i32
    %dma_wait3A_107 = tpu.memref_slice %arg5[%dma_wait3A_102, %dma_wait3A_106] : memref<8x128xi32, #tpu.memory_space<vmem>> -> memref<1x128xi32, #tpu.memory_space<vmem>>
    %dma_wait3A_108 = tpu.memref_squeeze %dma_wait3A_107 : memref<1x128xi32, #tpu.memory_space<vmem>> -> memref<128xi32, #tpu.memory_space<vmem>>
    %dma_wait3A_109 = arith.constant 0 : i32
    %dma_wait3A_110 = tpu.memref_slice %arg4[%dma_wait3A_109] : memref<32768xf32, #tpu.memory_space<hbm>> -> memref<32768xf32, #tpu.memory_space<hbm>>
    tpu.wait_indirect_dma semaphore(%arg7 : memref<!tpu.dma_semaphore, #tpu.memory_space<semaphore_mem>>) src(%dma_wait3A_105 : memref<128xf32, #tpu.memory_space<vmem>>) dst(%dma_wait3A_110 : memref<32768xf32, #tpu.memory_space<hbm>>)
    %dma_wait3A_111 = arith.constant 3 : i32
    %dma_wait3A_112 = arith.constant 3 : i32
    %dma_wait3A_113 = arith.constant 0 : i32
    %dma_wait3A_114 = tpu.memref_slice %arg6[%dma_wait3A_111, %dma_wait3A_113] : memref<8x128xf32, #tpu.memory_space<vmem>> -> memref<1x128xf32, #tpu.memory_space<vmem>>
    %dma_wait3A_115 = tpu.memref_squeeze %dma_wait3A_114 : memref<1x128xf32, #tpu.memory_space<vmem>> -> memref<128xf32, #tpu.memory_space<vmem>>
    %dma_wait3A_116 = arith.constant 0 : i32
    %dma_wait3A_117 = tpu.memref_slice %arg5[%dma_wait3A_112, %dma_wait3A_116] : memref<8x128xi32, #tpu.memory_space<vmem>> -> memref<1x128xi32, #tpu.memory_space<vmem>>
    %dma_wait3A_118 = tpu.memref_squeeze %dma_wait3A_117 : memref<1x128xi32, #tpu.memory_space<vmem>> -> memref<128xi32, #tpu.memory_space<vmem>>
    %dma_wait3A_119 = arith.constant 0 : i32
    %dma_wait3A_120 = tpu.memref_slice %arg4[%dma_wait3A_119] : memref<32768xf32, #tpu.memory_space<hbm>> -> memref<32768xf32, #tpu.memory_space<hbm>>
    tpu.wait_indirect_dma semaphore(%arg7 : memref<!tpu.dma_semaphore, #tpu.memory_space<semaphore_mem>>) src(%dma_wait3A_115 : memref<128xf32, #tpu.memory_space<vmem>>) dst(%dma_wait3A_120 : memref<32768xf32, #tpu.memory_space<hbm>>)
    %dma_wait3A_121 = arith.constant 4 : i32
    %dma_wait3A_122 = arith.constant 4 : i32
    %dma_wait3A_123 = arith.constant 0 : i32
    %dma_wait3A_124 = tpu.memref_slice %arg6[%dma_wait3A_121, %dma_wait3A_123] : memref<8x128xf32, #tpu.memory_space<vmem>> -> memref<1x128xf32, #tpu.memory_space<vmem>>
    %dma_wait3A_125 = tpu.memref_squeeze %dma_wait3A_124 : memref<1x128xf32, #tpu.memory_space<vmem>> -> memref<128xf32, #tpu.memory_space<vmem>>
    %dma_wait3A_126 = arith.constant 0 : i32
    %dma_wait3A_127 = tpu.memref_slice %arg5[%dma_wait3A_122, %dma_wait3A_126] : memref<8x128xi32, #tpu.memory_space<vmem>> -> memref<1x128xi32, #tpu.memory_space<vmem>>
    %dma_wait3A_128 = tpu.memref_squeeze %dma_wait3A_127 : memref<1x128xi32, #tpu.memory_space<vmem>> -> memref<128xi32, #tpu.memory_space<vmem>>
    %dma_wait3A_129 = arith.constant 0 : i32
    %dma_wait3A_130 = tpu.memref_slice %arg4[%dma_wait3A_129] : memref<32768xf32, #tpu.memory_space<hbm>> -> memref<32768xf32, #tpu.memory_space<hbm>>
    tpu.wait_indirect_dma semaphore(%arg7 : memref<!tpu.dma_semaphore, #tpu.memory_space<semaphore_mem>>) src(%dma_wait3A_125 : memref<128xf32, #tpu.memory_space<vmem>>) dst(%dma_wait3A_130 : memref<32768xf32, #tpu.memory_space<hbm>>)
    %dma_wait3A_131 = arith.constant 5 : i32
    %dma_wait3A_132 = arith.constant 5 : i32
    %dma_wait3A_133 = arith.constant 0 : i32
    %dma_wait3A_134 = tpu.memref_slice %arg6[%dma_wait3A_131, %dma_wait3A_133] : memref<8x128xf32, #tpu.memory_space<vmem>> -> memref<1x128xf32, #tpu.memory_space<vmem>>
    %dma_wait3A_135 = tpu.memref_squeeze %dma_wait3A_134 : memref<1x128xf32, #tpu.memory_space<vmem>> -> memref<128xf32, #tpu.memory_space<vmem>>
    %dma_wait3A_136 = arith.constant 0 : i32
    %dma_wait3A_137 = tpu.memref_slice %arg5[%dma_wait3A_132, %dma_wait3A_136] : memref<8x128xi32, #tpu.memory_space<vmem>> -> memref<1x128xi32, #tpu.memory_space<vmem>>
    %dma_wait3A_138 = tpu.memref_squeeze %dma_wait3A_137 : memref<1x128xi32, #tpu.memory_space<vmem>> -> memref<128xi32, #tpu.memory_space<vmem>>
    %dma_wait3A_139 = arith.constant 0 : i32
    %dma_wait3A_140 = tpu.memref_slice %arg4[%dma_wait3A_139] : memref<32768xf32, #tpu.memory_space<hbm>> -> memref<32768xf32, #tpu.memory_space<hbm>>
    tpu.wait_indirect_dma semaphore(%arg7 : memref<!tpu.dma_semaphore, #tpu.memory_space<semaphore_mem>>) src(%dma_wait3A_135 : memref<128xf32, #tpu.memory_space<vmem>>) dst(%dma_wait3A_140 : memref<32768xf32, #tpu.memory_space<hbm>>)
    %dma_wait3A_141 = arith.constant 6 : i32
    %dma_wait3A_142 = arith.constant 6 : i32
    %dma_wait3A_143 = arith.constant 0 : i32
    %dma_wait3A_144 = tpu.memref_slice %arg6[%dma_wait3A_141, %dma_wait3A_143] : memref<8x128xf32, #tpu.memory_space<vmem>> -> memref<1x128xf32, #tpu.memory_space<vmem>>
    %dma_wait3A_145 = tpu.memref_squeeze %dma_wait3A_144 : memref<1x128xf32, #tpu.memory_space<vmem>> -> memref<128xf32, #tpu.memory_space<vmem>>
    %dma_wait3A_146 = arith.constant 0 : i32
    %dma_wait3A_147 = tpu.memref_slice %arg5[%dma_wait3A_142, %dma_wait3A_146] : memref<8x128xi32, #tpu.memory_space<vmem>> -> memref<1x128xi32, #tpu.memory_space<vmem>>
    %dma_wait3A_148 = tpu.memref_squeeze %dma_wait3A_147 : memref<1x128xi32, #tpu.memory_space<vmem>> -> memref<128xi32, #tpu.memory_space<vmem>>
    %dma_wait3A_149 = arith.constant 0 : i32
    %dma_wait3A_150 = tpu.memref_slice %arg4[%dma_wait3A_149] : memref<32768xf32, #tpu.memory_space<hbm>> -> memref<32768xf32, #tpu.memory_space<hbm>>
    tpu.wait_indirect_dma semaphore(%arg7 : memref<!tpu.dma_semaphore, #tpu.memory_space<semaphore_mem>>) src(%dma_wait3A_145 : memref<128xf32, #tpu.memory_space<vmem>>) dst(%dma_wait3A_150 : memref<32768xf32, #tpu.memory_space<hbm>>)
    %dma_wait3A_151 = arith.constant 7 : i32
    %dma_wait3A_152 = arith.constant 7 : i32
    %dma_wait3A_153 = arith.constant 0 : i32
    %dma_wait3A_154 = tpu.memref_slice %arg6[%dma_wait3A_151, %dma_wait3A_153] : memref<8x128xf32, #tpu.memory_space<vmem>> -> memref<1x128xf32, #tpu.memory_space<vmem>>
    %dma_wait3A_155 = tpu.memref_squeeze %dma_wait3A_154 : memref<1x128xf32, #tpu.memory_space<vmem>> -> memref<128xf32, #tpu.memory_space<vmem>>
    %dma_wait3A_156 = arith.constant 0 : i32
    %dma_wait3A_157 = tpu.memref_slice %arg5[%dma_wait3A_152, %dma_wait3A_156] : memref<8x128xi32, #tpu.memory_space<vmem>> -> memref<1x128xi32, #tpu.memory_space<vmem>>
    %dma_wait3A_158 = tpu.memref_squeeze %dma_wait3A_157 : memref<1x128xi32, #tpu.memory_space<vmem>> -> memref<128xi32, #tpu.memory_space<vmem>>
    %dma_wait3A_159 = arith.constant 0 : i32
    %dma_wait3A_160 = tpu.memref_slice %arg4[%dma_wait3A_159] : memref<32768xf32, #tpu.memory_space<hbm>> -> memref<32768xf32, #tpu.memory_space<hbm>>
    tpu.wait_indirect_dma semaphore(%arg7 : memref<!tpu.dma_semaphore, #tpu.memory_space<semaphore_mem>>) src(%dma_wait3A_155 : memref<128xf32, #tpu.memory_space<vmem>>) dst(%dma_wait3A_160 : memref<32768xf32, #tpu.memory_space<hbm>>)
    return
  }
}

module attributes {stable_mosaic.version = 14 : i64} {
  func.func @_scores_body(%arg0: i32, %arg1: memref<2048x768xf32, #tpu.memory_space<vmem>>, %arg2: memref<768x8xf32, #tpu.memory_space<vmem>>, %arg3: memref<1x8xf32, #tpu.memory_space<vmem>>, %arg4: memref<1x8xf32, #tpu.memory_space<vmem>>, %arg5: memref<1x1xf32, #tpu.memory_space<vmem>>, %arg6: memref<1x1x2048xf32, #tpu.memory_space<vmem>>, %arg7: memref<1x1x2048xf32, #tpu.memory_space<vmem>>) attributes {dimension_semantics = [#tpu.dimension_semantics<arbitrary>], iteration_bounds = array<i64: 16>, scalar_prefetch = 0 : i64, scratch_operands = 0 : i64, tpu.core_type = #tpu.core_type<tc>, window_params = [{transform_indices = @transform_0, window_bounds = array<i64: 2048, 768>}, {pipeline_mode = #tpu.pipeline_mode<synchronous>, transform_indices = @transform_1, window_bounds = array<i64: 768, 8>}, {pipeline_mode = #tpu.pipeline_mode<synchronous>, transform_indices = @transform_2, window_bounds = array<i64: 1, 8>}, {pipeline_mode = #tpu.pipeline_mode<synchronous>, transform_indices = @transform_3, window_bounds = array<i64: 1, 8>}, {pipeline_mode = #tpu.pipeline_mode<synchronous>, transform_indices = @transform_4, window_bounds = array<i64: 1, 1>}, {transform_indices = @transform_5, window_bounds = array<i64: 1, 1, 2048>}, {transform_indices = @transform_6, window_bounds = array<i64: 1, 1, 2048>}]} {
    %get3A = arith.constant 0 : index
    %get3A_0 = arith.constant 0 : index
    %get3A_1 = vector.load %arg1[%get3A, %get3A_0] : memref<2048x768xf32, #tpu.memory_space<vmem>>, vector<2048x768xf32>
    %get3A_2 = arith.constant 0 : index
    %get3A_3 = arith.constant 0 : index
    %get3A_4 = vector.load %arg2[%get3A_2, %get3A_3] : memref<768x8xf32, #tpu.memory_space<vmem>>, vector<768x8xf32>
    %dot_general3A = arith.constant dense<0.000000e+00> : vector<2048x8xf32>
    %dot_general3A_5 = tpu.matmul %get3A_1, %get3A_4, %dot_general3A {dimension_numbers = #tpu.dot_dimension_numbers<[1], [0], [0], [1], [0, 0, 1, 1], [], []>, transpose_lhs_hint = false} : vector<2048x768xf32>, vector<768x8xf32>, vector<2048x8xf32> -> vector<2048x8xf32>
    %get3A_6 = arith.constant 0 : index
    %get3A_7 = arith.constant 0 : index
    %get3A_8 = vector.load %arg3[%get3A_6, %get3A_7] : memref<1x8xf32, #tpu.memory_space<vmem>>, vector<1x8xf32>
    %add3A = vector.broadcast %get3A_8 : vector<1x8xf32> to vector<2048x8xf32>
    %add3A_9 = arith.addf %dot_general3A_5, %add3A : vector<2048x8xf32>
    %get3A_10 = arith.constant 0 : index
    %get3A_11 = arith.constant 0 : index
    %get3A_12 = vector.load %arg5[%get3A_10, %get3A_11] : memref<1x1xf32, #tpu.memory_space<vmem>>, vector<1x1xf32>
    %ge3A = arith.constant 0.000000e+00 : f32
    %ge3A_13 = vector.broadcast %ge3A : f32 to vector<2048x8xf32>
    %ge3A_14 = arith.cmpf oge, %add3A_9, %ge3A_13 : vector<2048x8xf32>
    %mul3A = vector.broadcast %get3A_12 : vector<1x1xf32> to vector<2048x8xf32>
    %mul3A_15 = arith.mulf %mul3A, %add3A_9 : vector<2048x8xf32>
    %select_n3A = arith.select %ge3A_14, %add3A_9, %mul3A_15 : vector<2048x8xi1>, vector<2048x8xf32>
    %gt3A = arith.constant 0.000000e+00 : f32
    %gt3A_16 = vector.broadcast %gt3A : f32 to vector<2048x8xf32>
    %gt3A_17 = arith.cmpf ogt, %select_n3A, %gt3A_16 : vector<2048x8xf32>
    %abs3A = math.absf %select_n3A : vector<2048x8xf32>
    %lt3A = arith.constant 1.000000e-01 : f32
    %lt3A_18 = vector.broadcast %lt3A : f32 to vector<2048x8xf32>
    %lt3A_19 = arith.cmpf olt, %abs3A, %lt3A_18 : vector<2048x8xf32>
    %jit3A = arith.constant 0.000000e+00 : f32
    %broadcast_in_dim3A = vector.broadcast %jit3A : f32 to vector<2048x8xf32>
    %select_n3A_20 = arith.select %lt3A_19, %select_n3A, %broadcast_in_dim3A : vector<2048x8xi1>, vector<2048x8xf32>
    %mul3A_21 = arith.constant 0.00833333377 : f32
    %mul3A_22 = vector.broadcast %mul3A_21 : f32 to vector<2048x8xf32>
    %mul3A_23 = arith.mulf %select_n3A_20, %mul3A_22 : vector<2048x8xf32>
    %add3A_24 = arith.constant 0.0416666679 : f32
    %add3A_25 = vector.broadcast %add3A_24 : f32 to vector<2048x8xf32>
    %add3A_26 = arith.addf %add3A_25, %mul3A_23 : vector<2048x8xf32>
    %mul3A_27 = arith.mulf %select_n3A_20, %add3A_26 : vector<2048x8xf32>
    %add3A_28 = arith.constant 0.166666672 : f32
    %add3A_29 = vector.broadcast %add3A_28 : f32 to vector<2048x8xf32>
    %add3A_30 = arith.addf %add3A_29, %mul3A_27 : vector<2048x8xf32>
    %mul3A_31 = arith.mulf %select_n3A_20, %add3A_30 : vector<2048x8xf32>
    %add3A_32 = arith.constant 5.000000e-01 : f32
    %add3A_33 = vector.broadcast %add3A_32 : f32 to vector<2048x8xf32>
    %add3A_34 = arith.addf %add3A_33, %mul3A_31 : vector<2048x8xf32>
    %mul3A_35 = arith.mulf %select_n3A_20, %add3A_34 : vector<2048x8xf32>
    %add3A_36 = arith.constant 1.000000e+00 : f32
    %add3A_37 = vector.broadcast %add3A_36 : f32 to vector<2048x8xf32>
    %add3A_38 = arith.addf %add3A_37, %mul3A_35 : vector<2048x8xf32>
    %mul3A_39 = arith.mulf %select_n3A_20, %add3A_38 : vector<2048x8xf32>
    %exp3A = math.exp %select_n3A : vector<2048x8xf32>
    %sub3A = arith.constant 1.000000e+00 : f32
    %sub3A_40 = vector.broadcast %sub3A : f32 to vector<2048x8xf32>
    %sub3A_41 = arith.subf %exp3A, %sub3A_40 : vector<2048x8xf32>
    %select_n3A_42 = arith.select %lt3A_19, %mul3A_39, %sub3A_41 : vector<2048x8xi1>, vector<2048x8xf32>
    %select_n3A_43 = arith.select %gt3A_17, %select_n3A, %select_n3A_42 : vector<2048x8xi1>, vector<2048x8xf32>
    %logistic3A = arith.negf %select_n3A : vector<2048x8xf32>
    %logistic3A_44 = math.exp %logistic3A : vector<2048x8xf32>
    %logistic3A_45 = arith.constant 1.000000e+00 : f32
    %logistic3A_46 = vector.broadcast %logistic3A_45 : f32 to vector<2048x8xf32>
    %logistic3A_47 = arith.addf %logistic3A_46, %logistic3A_44 : vector<2048x8xf32>
    %logistic3A_48 = arith.divf %logistic3A_46, %logistic3A_47 : vector<2048x8xf32>
    %mul3A_49 = arith.mulf %select_n3A, %logistic3A_48 : vector<2048x8xf32>
    %div3A = arith.constant 1.41421354 : f32
    %div3A_50 = vector.broadcast %div3A : f32 to vector<2048x8xf32>
    %div3A_51 = arith.divf %select_n3A, %div3A_50 : vector<2048x8xf32>
    %erf3A = math.erf %div3A_51 : vector<2048x8xf32>
    %add3A_52 = arith.constant 1.000000e+00 : f32
    %add3A_53 = vector.broadcast %add3A_52 : f32 to vector<2048x8xf32>
    %add3A_54 = arith.addf %erf3A, %add3A_53 : vector<2048x8xf32>
    %mul3A_55 = arith.mulf %select_n3A, %add3A_54 : vector<2048x8xf32>
    %mul3A_56 = arith.constant 5.000000e-01 : f32
    %mul3A_57 = vector.broadcast %mul3A_56 : f32 to vector<2048x8xf32>
    %mul3A_58 = arith.mulf %mul3A_55, %mul3A_57 : vector<2048x8xf32>
    %mul3A_59 = arith.mulf %select_n3A_43, %mul3A_49 : vector<2048x8xf32>
    %add3A_60 = arith.addf %mul3A_59, %mul3A_58 : vector<2048x8xf32>
    %get3A_61 = arith.constant 0 : index
    %get3A_62 = arith.constant 0 : index
    %get3A_63 = vector.load %arg4[%get3A_61, %get3A_62] : memref<1x8xf32, #tpu.memory_space<vmem>>, vector<1x8xf32>
    %gt3A_64 = arith.constant 0.000000e+00 : f32
    %gt3A_65 = vector.broadcast %gt3A_64 : f32 to vector<1x8xf32>
    %gt3A_66 = arith.cmpf ogt, %get3A_63, %gt3A_65 : vector<1x8xf32>
    %abs3A_67 = math.absf %get3A_63 : vector<1x8xf32>
    %lt3A_68 = arith.constant 1.000000e-01 : f32
    %lt3A_69 = vector.broadcast %lt3A_68 : f32 to vector<1x8xf32>
    %lt3A_70 = arith.cmpf olt, %abs3A_67, %lt3A_69 : vector<1x8xf32>
    %jit3A_71 = arith.constant 0.000000e+00 : f32
    %broadcast_in_dim3A_72 = vector.broadcast %jit3A_71 : f32 to vector<1x8xf32>
    %select_n3A_73 = arith.select %lt3A_70, %get3A_63, %broadcast_in_dim3A_72 : vector<1x8xi1>, vector<1x8xf32>
    %mul3A_74 = arith.constant 0.00833333377 : f32
    %mul3A_75 = vector.broadcast %mul3A_74 : f32 to vector<1x8xf32>
    %mul3A_76 = arith.mulf %select_n3A_73, %mul3A_75 : vector<1x8xf32>
    %add3A_77 = arith.constant 0.0416666679 : f32
    %add3A_78 = vector.broadcast %add3A_77 : f32 to vector<1x8xf32>
    %add3A_79 = arith.addf %add3A_78, %mul3A_76 : vector<1x8xf32>
    %mul3A_80 = arith.mulf %select_n3A_73, %add3A_79 : vector<1x8xf32>
    %add3A_81 = arith.constant 0.166666672 : f32
    %add3A_82 = vector.broadcast %add3A_81 : f32 to vector<1x8xf32>
    %add3A_83 = arith.addf %add3A_82, %mul3A_80 : vector<1x8xf32>
    %mul3A_84 = arith.mulf %select_n3A_73, %add3A_83 : vector<1x8xf32>
    %add3A_85 = arith.constant 5.000000e-01 : f32
    %add3A_86 = vector.broadcast %add3A_85 : f32 to vector<1x8xf32>
    %add3A_87 = arith.addf %add3A_86, %mul3A_84 : vector<1x8xf32>
    %mul3A_88 = arith.mulf %select_n3A_73, %add3A_87 : vector<1x8xf32>
    %add3A_89 = arith.constant 1.000000e+00 : f32
    %add3A_90 = vector.broadcast %add3A_89 : f32 to vector<1x8xf32>
    %add3A_91 = arith.addf %add3A_90, %mul3A_88 : vector<1x8xf32>
    %mul3A_92 = arith.mulf %select_n3A_73, %add3A_91 : vector<1x8xf32>
    %exp3A_93 = math.exp %get3A_63 : vector<1x8xf32>
    %sub3A_94 = arith.constant 1.000000e+00 : f32
    %sub3A_95 = vector.broadcast %sub3A_94 : f32 to vector<1x8xf32>
    %sub3A_96 = arith.subf %exp3A_93, %sub3A_95 : vector<1x8xf32>
    %select_n3A_97 = arith.select %lt3A_70, %mul3A_92, %sub3A_96 : vector<1x8xi1>, vector<1x8xf32>
    %mul3A_98 = arith.constant 1.67326319 : f32
    %mul3A_99 = vector.broadcast %mul3A_98 : f32 to vector<1x8xf32>
    %mul3A_100 = arith.mulf %mul3A_99, %select_n3A_97 : vector<1x8xf32>
    %select_n3A_101 = arith.select %gt3A_66, %get3A_63, %mul3A_100 : vector<1x8xi1>, vector<1x8xf32>
    %mul3A_102 = arith.constant 1.05070102 : f32
    %mul3A_103 = vector.broadcast %mul3A_102 : f32 to vector<1x8xf32>
    %mul3A_104 = arith.mulf %mul3A_103, %select_n3A_101 : vector<1x8xf32>
    %reshape3A = vector.shape_cast %mul3A_104 : vector<1x8xf32> to vector<8x1xf32>
    %dot_general3A_105 = arith.constant dense<0.000000e+00> : vector<2048x1xf32>
    %dot_general3A_106 = tpu.matmul %add3A_60, %reshape3A, %dot_general3A_105 {dimension_numbers = #tpu.dot_dimension_numbers<[1], [0], [0], [1], [0, 0, 1, 1], [], []>, transpose_lhs_hint = false} : vector<2048x8xf32>, vector<8x1xf32>, vector<2048x1xf32> -> vector<2048x1xf32>
    %slice3A = vector.extract_strided_slice %add3A_60 {offsets = [0, 0], sizes = [2048, 1], strides = [1, 1]} : vector<2048x8xf32> to vector<2048x1xf32>
    %squeeze3A = vector.shape_cast %slice3A : vector<2048x1xf32> to vector<2048xf32>
    %slice3A_107 = vector.extract_strided_slice %add3A_60 {offsets = [0, 1], sizes = [2048, 1], strides = [1, 1]} : vector<2048x8xf32> to vector<2048x1xf32>
    %squeeze3A_108 = vector.shape_cast %slice3A_107 : vector<2048x1xf32> to vector<2048xf32>
    %add3A_109 = arith.addf %squeeze3A, %squeeze3A_108 : vector<2048xf32>
    %slice3A_110 = vector.extract_strided_slice %add3A_60 {offsets = [0, 2], sizes = [2048, 1], strides = [1, 1]} : vector<2048x8xf32> to vector<2048x1xf32>
    %squeeze3A_111 = vector.shape_cast %slice3A_110 : vector<2048x1xf32> to vector<2048xf32>
    %add3A_112 = arith.addf %add3A_109, %squeeze3A_111 : vector<2048xf32>
    %slice3A_113 = vector.extract_strided_slice %add3A_60 {offsets = [0, 3], sizes = [2048, 1], strides = [1, 1]} : vector<2048x8xf32> to vector<2048x1xf32>
    %squeeze3A_114 = vector.shape_cast %slice3A_113 : vector<2048x1xf32> to vector<2048xf32>
    %add3A_115 = arith.addf %add3A_112, %squeeze3A_114 : vector<2048xf32>
    %slice3A_116 = vector.extract_strided_slice %add3A_60 {offsets = [0, 4], sizes = [2048, 1], strides = [1, 1]} : vector<2048x8xf32> to vector<2048x1xf32>
    %squeeze3A_117 = vector.shape_cast %slice3A_116 : vector<2048x1xf32> to vector<2048xf32>
    %add3A_118 = arith.addf %add3A_115, %squeeze3A_117 : vector<2048xf32>
    %slice3A_119 = vector.extract_strided_slice %add3A_60 {offsets = [0, 5], sizes = [2048, 1], strides = [1, 1]} : vector<2048x8xf32> to vector<2048x1xf32>
    %squeeze3A_120 = vector.shape_cast %slice3A_119 : vector<2048x1xf32> to vector<2048xf32>
    %add3A_121 = arith.addf %add3A_118, %squeeze3A_120 : vector<2048xf32>
    %slice3A_122 = vector.extract_strided_slice %add3A_60 {offsets = [0, 6], sizes = [2048, 1], strides = [1, 1]} : vector<2048x8xf32> to vector<2048x1xf32>
    %squeeze3A_123 = vector.shape_cast %slice3A_122 : vector<2048x1xf32> to vector<2048xf32>
    %add3A_124 = arith.addf %add3A_121, %squeeze3A_123 : vector<2048xf32>
    %slice3A_125 = vector.extract_strided_slice %add3A_60 {offsets = [0, 7], sizes = [2048, 1], strides = [1, 1]} : vector<2048x8xf32> to vector<2048x1xf32>
    %squeeze3A_126 = vector.shape_cast %slice3A_125 : vector<2048x1xf32> to vector<2048xf32>
    %add3A_127 = arith.addf %add3A_124, %squeeze3A_126 : vector<2048xf32>
    %reshape3A_128 = vector.shape_cast %dot_general3A_106 : vector<2048x1xf32> to vector<1x1x2048xf32>
    %swap3A = arith.constant 0 : index
    %swap3A_129 = arith.constant 0 : index
    %swap3A_130 = arith.constant 0 : index
    %swap3A_131 = vector.load %arg6[%swap3A, %swap3A_129, %swap3A_130] : memref<1x1x2048xf32, #tpu.memory_space<vmem>>, vector<1x1x2048xf32>
    tpu.vector_store %arg6[%swap3A, %swap3A_129, %swap3A_130], %reshape3A_128 {strides = array<i32>} : memref<1x1x2048xf32, #tpu.memory_space<vmem>>, vector<1x1x2048xf32>,
    %reshape3A_132 = vector.shape_cast %add3A_127 : vector<2048xf32> to vector<1x1x2048xf32>
    %swap3A_133 = arith.constant 0 : index
    %swap3A_134 = arith.constant 0 : index
    %swap3A_135 = arith.constant 0 : index
    %swap3A_136 = vector.load %arg7[%swap3A_133, %swap3A_134, %swap3A_135] : memref<1x1x2048xf32, #tpu.memory_space<vmem>>, vector<1x1x2048xf32>
    tpu.vector_store %arg7[%swap3A_133, %swap3A_134, %swap3A_135], %reshape3A_132 {strides = array<i32>} : memref<1x1x2048xf32, #tpu.memory_space<vmem>>, vector<1x1x2048xf32>,
    return
  }
  func.func @transform_0(%arg0: i32) -> (i32, i32) {
    %c0_i32 = arith.constant 0 : i32
    %c0_i32_0 = arith.constant 0 : i32
    return %arg0, %c0_i32 : i32, i32
  }
  func.func @transform_1(%arg0: i32) -> (i32, i32) {
    %c0_i32 = arith.constant 0 : i32
    %c0_i32_0 = arith.constant 0 : i32
    %c0_i32_1 = arith.constant 0 : i32
    return %c0_i32, %c0_i32_0 : i32, i32
  }
  func.func @transform_2(%arg0: i32) -> (i32, i32) {
    %c0_i32 = arith.constant 0 : i32
    %c0_i32_0 = arith.constant 0 : i32
    %c0_i32_1 = arith.constant 0 : i32
    return %c0_i32, %c0_i32_0 : i32, i32
  }
  func.func @transform_3(%arg0: i32) -> (i32, i32) {
    %c0_i32 = arith.constant 0 : i32
    %c0_i32_0 = arith.constant 0 : i32
    %c0_i32_1 = arith.constant 0 : i32
    return %c0_i32, %c0_i32_0 : i32, i32
  }
  func.func @transform_4(%arg0: i32) -> (i32, i32) {
    %c0_i32 = arith.constant 0 : i32
    %c0_i32_0 = arith.constant 0 : i32
    %c0_i32_1 = arith.constant 0 : i32
    return %c0_i32, %c0_i32_0 : i32, i32
  }
  func.func @transform_5(%arg0: i32) -> (i32, i32, i32) {
    %c0_i32 = arith.constant 0 : i32
    %c0_i32_0 = arith.constant 0 : i32
    %c0_i32_1 = arith.constant 0 : i32
    return %arg0, %c0_i32, %c0_i32_0 : i32, i32, i32
  }
  func.func @transform_6(%arg0: i32) -> (i32, i32, i32) {
    %c0_i32 = arith.constant 0 : i32
    %c0_i32_0 = arith.constant 0 : i32
    %c0_i32_1 = arith.constant 0 : i32
    return %arg0, %c0_i32, %c0_i32_0 : i32, i32, i32
  }
}

module attributes {stable_mosaic.version = 14 : i64} {
  func.func @_sort_body(%arg0: memref<256x128xf32, #tpu.memory_space<vmem>>, %arg1: memref<256x128xf32, #tpu.memory_space<vmem>>, %arg2: memref<256x128xi32, #tpu.memory_space<vmem>>, %arg3: memref<256x128xf32, #tpu.memory_space<vmem>>) attributes {dimension_semantics = [], scalar_prefetch = 0 : i64, scratch_operands = 0 : i64, tpu.core_type = #tpu.core_type<tc>} {
    %get3A = arith.constant 0 : index
    %get3A_0 = arith.constant 0 : index
    %get3A_1 = vector.load %arg1[%get3A, %get3A_0] : memref<256x128xf32, #tpu.memory_space<vmem>>, vector<64x128xf32>
    %reduce_max3A = vector.shape_cast %get3A_1 : vector<64x128xf32> to vector<1x64x128xf32>
    %reduce_max3A_2 = arith.constant dense<0xFF800000> : vector<1xf32>
    %reduce_max3A_3 = vector.multi_reduction <maximumf>, %reduce_max3A, %reduce_max3A_2 [1, 2] : vector<1x64x128xf32> to vector<1xf32>
    %reduce_max3A_4 = vector.shape_cast %reduce_max3A_3 : vector<1xf32> to vector<1x1x1xf32>
    %reduce_max3A_5 = vector.extract %reduce_max3A_4[0, 0, 0] : f32 from vector<1x1x1xf32>
    %sub3A = vector.broadcast %reduce_max3A_5 : f32 to vector<64x128xf32>
    %sub3A_6 = arith.subf %get3A_1, %sub3A : vector<64x128xf32>
    %exp3A = math.exp %sub3A_6 : vector<64x128xf32>
    %reduce_sum3A = vector.shape_cast %exp3A : vector<64x128xf32> to vector<1x64x128xf32>
    %reduce_sum3A_7 = arith.constant dense<0.000000e+00> : vector<1xf32>
    %reduce_sum3A_8 = vector.multi_reduction <add>, %reduce_sum3A, %reduce_sum3A_7 [1, 2] : vector<1x64x128xf32> to vector<1xf32>
    %reduce_sum3A_9 = vector.shape_cast %reduce_sum3A_8 : vector<1xf32> to vector<1x1x1xf32>
    %reduce_sum3A_10 = vector.extract %reduce_sum3A_9[0, 0, 0] : f32 from vector<1x1x1xf32>
    %div3A = vector.broadcast %reduce_sum3A_10 : f32 to vector<64x128xf32>
    %div3A_11 = arith.divf %exp3A, %div3A : vector<64x128xf32>
    %get3A_12 = arith.constant 64 : index
    %get3A_13 = arith.constant 0 : index
    %get3A_14 = vector.load %arg1[%get3A_12, %get3A_13] : memref<256x128xf32, #tpu.memory_space<vmem>>, vector<64x128xf32>
    %reduce_max3A_15 = vector.shape_cast %get3A_14 : vector<64x128xf32> to vector<1x64x128xf32>
    %reduce_max3A_16 = arith.constant dense<0xFF800000> : vector<1xf32>
    %reduce_max3A_17 = vector.multi_reduction <maximumf>, %reduce_max3A_15, %reduce_max3A_16 [1, 2] : vector<1x64x128xf32> to vector<1xf32>
    %reduce_max3A_18 = vector.shape_cast %reduce_max3A_17 : vector<1xf32> to vector<1x1x1xf32>
    %reduce_max3A_19 = vector.extract %reduce_max3A_18[0, 0, 0] : f32 from vector<1x1x1xf32>
    %sub3A_20 = vector.broadcast %reduce_max3A_19 : f32 to vector<64x128xf32>
    %sub3A_21 = arith.subf %get3A_14, %sub3A_20 : vector<64x128xf32>
    %exp3A_22 = math.exp %sub3A_21 : vector<64x128xf32>
    %reduce_sum3A_23 = vector.shape_cast %exp3A_22 : vector<64x128xf32> to vector<1x64x128xf32>
    %reduce_sum3A_24 = arith.constant dense<0.000000e+00> : vector<1xf32>
    %reduce_sum3A_25 = vector.multi_reduction <add>, %reduce_sum3A_23, %reduce_sum3A_24 [1, 2] : vector<1x64x128xf32> to vector<1xf32>
    %reduce_sum3A_26 = vector.shape_cast %reduce_sum3A_25 : vector<1xf32> to vector<1x1x1xf32>
    %reduce_sum3A_27 = vector.extract %reduce_sum3A_26[0, 0, 0] : f32 from vector<1x1x1xf32>
    %div3A_28 = vector.broadcast %reduce_sum3A_27 : f32 to vector<64x128xf32>
    %div3A_29 = arith.divf %exp3A_22, %div3A_28 : vector<64x128xf32>
    %get3A_30 = arith.constant 128 : index
    %get3A_31 = arith.constant 0 : index
    %get3A_32 = vector.load %arg1[%get3A_30, %get3A_31] : memref<256x128xf32, #tpu.memory_space<vmem>>, vector<64x128xf32>
    %reduce_max3A_33 = vector.shape_cast %get3A_32 : vector<64x128xf32> to vector<1x64x128xf32>
    %reduce_max3A_34 = arith.constant dense<0xFF800000> : vector<1xf32>
    %reduce_max3A_35 = vector.multi_reduction <maximumf>, %reduce_max3A_33, %reduce_max3A_34 [1, 2] : vector<1x64x128xf32> to vector<1xf32>
    %reduce_max3A_36 = vector.shape_cast %reduce_max3A_35 : vector<1xf32> to vector<1x1x1xf32>
    %reduce_max3A_37 = vector.extract %reduce_max3A_36[0, 0, 0] : f32 from vector<1x1x1xf32>
    %sub3A_38 = vector.broadcast %reduce_max3A_37 : f32 to vector<64x128xf32>
    %sub3A_39 = arith.subf %get3A_32, %sub3A_38 : vector<64x128xf32>
    %exp3A_40 = math.exp %sub3A_39 : vector<64x128xf32>
    %reduce_sum3A_41 = vector.shape_cast %exp3A_40 : vector<64x128xf32> to vector<1x64x128xf32>
    %reduce_sum3A_42 = arith.constant dense<0.000000e+00> : vector<1xf32>
    %reduce_sum3A_43 = vector.multi_reduction <add>, %reduce_sum3A_41, %reduce_sum3A_42 [1, 2] : vector<1x64x128xf32> to vector<1xf32>
    %reduce_sum3A_44 = vector.shape_cast %reduce_sum3A_43 : vector<1xf32> to vector<1x1x1xf32>
    %reduce_sum3A_45 = vector.extract %reduce_sum3A_44[0, 0, 0] : f32 from vector<1x1x1xf32>
    %div3A_46 = vector.broadcast %reduce_sum3A_45 : f32 to vector<64x128xf32>
    %div3A_47 = arith.divf %exp3A_40, %div3A_46 : vector<64x128xf32>
    %get3A_48 = arith.constant 192 : index
    %get3A_49 = arith.constant 0 : index
    %get3A_50 = vector.load %arg1[%get3A_48, %get3A_49] : memref<256x128xf32, #tpu.memory_space<vmem>>, vector<64x128xf32>
    %reduce_max3A_51 = vector.shape_cast %get3A_50 : vector<64x128xf32> to vector<1x64x128xf32>
    %reduce_max3A_52 = arith.constant dense<0xFF800000> : vector<1xf32>
    %reduce_max3A_53 = vector.multi_reduction <maximumf>, %reduce_max3A_51, %reduce_max3A_52 [1, 2] : vector<1x64x128xf32> to vector<1xf32>
    %reduce_max3A_54 = vector.shape_cast %reduce_max3A_53 : vector<1xf32> to vector<1x1x1xf32>
    %reduce_max3A_55 = vector.extract %reduce_max3A_54[0, 0, 0] : f32 from vector<1x1x1xf32>
    %sub3A_56 = vector.broadcast %reduce_max3A_55 : f32 to vector<64x128xf32>
    %sub3A_57 = arith.subf %get3A_50, %sub3A_56 : vector<64x128xf32>
    %exp3A_58 = math.exp %sub3A_57 : vector<64x128xf32>
    %reduce_sum3A_59 = vector.shape_cast %exp3A_58 : vector<64x128xf32> to vector<1x64x128xf32>
    %reduce_sum3A_60 = arith.constant dense<0.000000e+00> : vector<1xf32>
    %reduce_sum3A_61 = vector.multi_reduction <add>, %reduce_sum3A_59, %reduce_sum3A_60 [1, 2] : vector<1x64x128xf32> to vector<1xf32>
    %reduce_sum3A_62 = vector.shape_cast %reduce_sum3A_61 : vector<1xf32> to vector<1x1x1xf32>
    %reduce_sum3A_63 = vector.extract %reduce_sum3A_62[0, 0, 0] : f32 from vector<1x1x1xf32>
    %div3A_64 = vector.broadcast %reduce_sum3A_63 : f32 to vector<64x128xf32>
    %div3A_65 = arith.divf %exp3A_58, %div3A_64 : vector<64x128xf32>
    %concatenate3A = tpu.concatenate %div3A_11, %div3A_29, %div3A_47, %div3A_65 in 0 : vector<64x128xf32>, vector<64x128xf32>, vector<64x128xf32>, vector<64x128xf32> -> vector<256x128xf32>
    %iota3A = tpu.iota {dimensions = array<i32: 1>} : vector<256x128xi32>
    %iota3A_66 = tpu.iota {dimensions = array<i32: 0>} : vector<256x128xi32>
    %jit3A = arith.constant 64 : i32
    %eq3A = arith.constant 0 : i32
    %eq3A_67 = arith.cmpi eq, %jit3A, %eq3A : i32
    %jit3A_68 = arith.constant 1 : i32
    %select_n3A = arith.select %eq3A_67, %jit3A_68, %jit3A : i32
    %rem3A = vector.broadcast %select_n3A : i32 to vector<256x128xi32>
    %rem3A_69 = arith.remsi %iota3A_66, %rem3A : vector<256x128xi32>
    %ne3A = arith.constant 0 : i32
    %ne3A_70 = vector.broadcast %ne3A : i32 to vector<256x128xi32>
    %ne3A_71 = arith.cmpi ne, %rem3A_69, %ne3A_70 : vector<256x128xi32>
    %lt3A = arith.constant 0 : i32
    %lt3A_72 = vector.broadcast %lt3A : i32 to vector<256x128xi32>
    %lt3A_73 = arith.cmpi slt, %rem3A_69, %lt3A_72 : vector<256x128xi32>
    %lt3A_74 = arith.constant 0 : i32
    %lt3A_75 = arith.cmpi slt, %select_n3A, %lt3A_74 : i32
    %ne3A_76 = vector.broadcast %lt3A_75 : i1 to vector<256x128xi1>
    %ne3A_77 = vector.broadcast %ne3A_76 : vector<256x128xi1> to vector<256x128xi1>
    %ne3A_78 = arith.xori %lt3A_73, %ne3A_77 : vector<256x128xi1>
    %and3A = arith.andi %ne3A_78, %ne3A_71 : vector<256x128xi1>
    %add3A = vector.broadcast %select_n3A : i32 to vector<256x128xi32>
    %add3A_79 = arith.addi %rem3A_69, %add3A : vector<256x128xi32>
    %select_n3A_80 = arith.select %and3A, %add3A_79, %rem3A_69 : vector<256x128xi1>, vector<256x128xi32>
    %mul3A = arith.constant 128 : i32
    %mul3A_81 = vector.broadcast %mul3A : i32 to vector<256x128xi32>
    %mul3A_82 = arith.muli %select_n3A_80, %mul3A_81 : vector<256x128xi32>
    %add3A_83 = arith.addi %mul3A_82, %iota3A : vector<256x128xi32>
    %get3A_84 = arith.constant 0 : index
    %get3A_85 = arith.constant 0 : index
    %get3A_86 = vector.load %arg0[%get3A_84, %get3A_85] : memref<256x128xf32, #tpu.memory_space<vmem>>, vector<256x128xf32>
    %and3A_87 = arith.constant 2 : i32
    %and3A_88 = vector.broadcast %and3A_87 : i32 to vector<256x128xi32>
    %and3A_89 = arith.andi %add3A_83, %and3A_88 : vector<256x128xi32>
    %eq3A_90 = arith.constant 0 : i32
    %eq3A_91 = vector.broadcast %eq3A_90 : i32 to vector<256x128xi32>
    %eq3A_92 = arith.cmpi eq, %and3A_89, %eq3A_91 : vector<256x128xi32>
    %and3A_93 = arith.constant 1 : i32
    %and3A_94 = vector.broadcast %and3A_93 : i32 to vector<256x128xi32>
    %and3A_95 = arith.andi %add3A_83, %and3A_94 : vector<256x128xi32>
    %eq3A_96 = arith.constant 0 : i32
    %eq3A_97 = vector.broadcast %eq3A_96 : i32 to vector<256x128xi32>
    %eq3A_98 = arith.cmpi eq, %and3A_95, %eq3A_97 : vector<256x128xi32>
    %roll3A = arith.constant 127 : i32
    %roll3A_99 = tpu.dynamic_rotate %get3A_86 by %roll3A dim 1 : vector<256x128xf32>, i32 -> vector<256x128xf32>
    %roll3A_100 = arith.constant 1 : i32
    %roll3A_101 = tpu.dynamic_rotate %get3A_86 by %roll3A_100 dim 1 : vector<256x128xf32>, i32 -> vector<256x128xf32>
    %select_n3A_102 = arith.select %eq3A_98, %roll3A_99, %roll3A_101 : vector<256x128xi1>, vector<256x128xf32>
    %roll3A_103 = arith.constant 127 : i32
    %roll3A_104 = tpu.dynamic_rotate %add3A_83 by %roll3A_103 dim 1 : vector<256x128xi32>, i32 -> vector<256x128xi32>
    %roll3A_105 = arith.constant 1 : i32
    %roll3A_106 = tpu.dynamic_rotate %add3A_83 by %roll3A_105 dim 1 : vector<256x128xi32>, i32 -> vector<256x128xi32>
    %select_n3A_107 = arith.select %eq3A_98, %roll3A_104, %roll3A_106 : vector<256x128xi1>, vector<256x128xi32>
    %gt3A = arith.cmpf ogt, %get3A_86, %select_n3A_102 : vector<256x128xf32>
    %eq3A_108 = arith.cmpf oeq, %get3A_86, %select_n3A_102 : vector<256x128xf32>
    %lt3A_109 = arith.cmpi slt, %add3A_83, %select_n3A_107 : vector<256x128xi32>
    %and3A_110 = arith.andi %eq3A_108, %lt3A_109 : vector<256x128xi1>
    %or3A = arith.ori %gt3A, %and3A_110 : vector<256x128xi1>
    %eq3A_111 = arith.xori %eq3A_92, %eq3A_98 : vector<256x128xi1>
    %eq3A_112 = arith.constant dense<true> : vector<256x128xi1>
    %eq3A_113 = arith.xori %eq3A_111, %eq3A_112 : vector<256x128xi1>
    %eq3A_114 = arith.xori %or3A, %eq3A_113 : vector<256x128xi1>
    %eq3A_115 = arith.constant dense<true> : vector<256x128xi1>
    %eq3A_116 = arith.xori %eq3A_114, %eq3A_115 : vector<256x128xi1>
    %select_n3A_117 = arith.select %eq3A_116, %get3A_86, %select_n3A_102 : vector<256x128xi1>, vector<256x128xf32>
    %select_n3A_118 = arith.select %eq3A_116, %add3A_83, %select_n3A_107 : vector<256x128xi1>, vector<256x128xi32>
    %and3A_119 = arith.constant 4 : i32
    %and3A_120 = vector.broadcast %and3A_119 : i32 to vector<256x128xi32>
    %and3A_121 = arith.andi %add3A_83, %and3A_120 : vector<256x128xi32>
    %eq3A_122 = arith.constant 0 : i32
    %eq3A_123 = vector.broadcast %eq3A_122 : i32 to vector<256x128xi32>
    %eq3A_124 = arith.cmpi eq, %and3A_121, %eq3A_123 : vector<256x128xi32>
    %and3A_125 = arith.constant 2 : i32
    %and3A_126 = vector.broadcast %and3A_125 : i32 to vector<256x128xi32>
    %and3A_127 = arith.andi %add3A_83, %and3A_126 : vector<256x128xi32>
    %eq3A_128 = arith.constant 0 : i32
    %eq3A_129 = vector.broadcast %eq3A_128 : i32 to vector<256x128xi32>
    %eq3A_130 = arith.cmpi eq, %and3A_127, %eq3A_129 : vector<256x128xi32>
    %roll3A_131 = arith.constant 126 : i32
    %roll3A_132 = tpu.dynamic_rotate %select_n3A_117 by %roll3A_131 dim 1 : vector<256x128xf32>, i32 -> vector<256x128xf32>
    %roll3A_133 = arith.constant 2 : i32
    %roll3A_134 = tpu.dynamic_rotate %select_n3A_117 by %roll3A_133 dim 1 : vector<256x128xf32>, i32 -> vector<256x128xf32>
    %select_n3A_135 = arith.select %eq3A_130, %roll3A_132, %roll3A_134 : vector<256x128xi1>, vector<256x128xf32>
    %roll3A_136 = arith.constant 126 : i32
    %roll3A_137 = tpu.dynamic_rotate %select_n3A_118 by %roll3A_136 dim 1 : vector<256x128xi32>, i32 -> vector<256x128xi32>
    %roll3A_138 = arith.constant 2 : i32
    %roll3A_139 = tpu.dynamic_rotate %select_n3A_118 by %roll3A_138 dim 1 : vector<256x128xi32>, i32 -> vector<256x128xi32>
    %select_n3A_140 = arith.select %eq3A_130, %roll3A_137, %roll3A_139 : vector<256x128xi1>, vector<256x128xi32>
    %gt3A_141 = arith.cmpf ogt, %select_n3A_117, %select_n3A_135 : vector<256x128xf32>
    %eq3A_142 = arith.cmpf oeq, %select_n3A_117, %select_n3A_135 : vector<256x128xf32>
    %lt3A_143 = arith.cmpi slt, %select_n3A_118, %select_n3A_140 : vector<256x128xi32>
    %and3A_144 = arith.andi %eq3A_142, %lt3A_143 : vector<256x128xi1>
    %or3A_145 = arith.ori %gt3A_141, %and3A_144 : vector<256x128xi1>
    %eq3A_146 = arith.xori %eq3A_124, %eq3A_130 : vector<256x128xi1>
    %eq3A_147 = arith.constant dense<true> : vector<256x128xi1>
    %eq3A_148 = arith.xori %eq3A_146, %eq3A_147 : vector<256x128xi1>
    %eq3A_149 = arith.xori %or3A_145, %eq3A_148 : vector<256x128xi1>
    %eq3A_150 = arith.constant dense<true> : vector<256x128xi1>
    %eq3A_151 = arith.xori %eq3A_149, %eq3A_150 : vector<256x128xi1>
    %select_n3A_152 = arith.select %eq3A_151, %select_n3A_117, %select_n3A_135 : vector<256x128xi1>, vector<256x128xf32>
    %select_n3A_153 = arith.select %eq3A_151, %select_n3A_118, %select_n3A_140 : vector<256x128xi1>, vector<256x128xi32>
    %and3A_154 = arith.constant 1 : i32
    %and3A_155 = vector.broadcast %and3A_154 : i32 to vector<256x128xi32>
    %and3A_156 = arith.andi %add3A_83, %and3A_155 : vector<256x128xi32>
    %eq3A_157 = arith.constant 0 : i32
    %eq3A_158 = vector.broadcast %eq3A_157 : i32 to vector<256x128xi32>
    %eq3A_159 = arith.cmpi eq, %and3A_156, %eq3A_158 : vector<256x128xi32>
    %roll3A_160 = arith.constant 127 : i32
    %roll3A_161 = tpu.dynamic_rotate %select_n3A_152 by %roll3A_160 dim 1 : vector<256x128xf32>, i32 -> vector<256x128xf32>
    %roll3A_162 = arith.constant 1 : i32
    %roll3A_163 = tpu.dynamic_rotate %select_n3A_152 by %roll3A_162 dim 1 : vector<256x128xf32>, i32 -> vector<256x128xf32>
    %select_n3A_164 = arith.select %eq3A_159, %roll3A_161, %roll3A_163 : vector<256x128xi1>, vector<256x128xf32>
    %roll3A_165 = arith.constant 127 : i32
    %roll3A_166 = tpu.dynamic_rotate %select_n3A_153 by %roll3A_165 dim 1 : vector<256x128xi32>, i32 -> vector<256x128xi32>
    %roll3A_167 = arith.constant 1 : i32
    %roll3A_168 = tpu.dynamic_rotate %select_n3A_153 by %roll3A_167 dim 1 : vector<256x128xi32>, i32 -> vector<256x128xi32>
    %select_n3A_169 = arith.select %eq3A_159, %roll3A_166, %roll3A_168 : vector<256x128xi1>, vector<256x128xi32>
    %gt3A_170 = arith.cmpf ogt, %select_n3A_152, %select_n3A_164 : vector<256x128xf32>
    %eq3A_171 = arith.cmpf oeq, %select_n3A_152, %select_n3A_164 : vector<256x128xf32>
    %lt3A_172 = arith.cmpi slt, %select_n3A_153, %select_n3A_169 : vector<256x128xi32>
    %and3A_173 = arith.andi %eq3A_171, %lt3A_172 : vector<256x128xi1>
    %or3A_174 = arith.ori %gt3A_170, %and3A_173 : vector<256x128xi1>
    %eq3A_175 = arith.xori %eq3A_124, %eq3A_159 : vector<256x128xi1>
    %eq3A_176 = arith.constant dense<true> : vector<256x128xi1>
    %eq3A_177 = arith.xori %eq3A_175, %eq3A_176 : vector<256x128xi1>
    %eq3A_178 = arith.xori %or3A_174, %eq3A_177 : vector<256x128xi1>
    %eq3A_179 = arith.constant dense<true> : vector<256x128xi1>
    %eq3A_180 = arith.xori %eq3A_178, %eq3A_179 : vector<256x128xi1>
    %select_n3A_181 = arith.select %eq3A_180, %select_n3A_152, %select_n3A_164 : vector<256x128xi1>, vector<256x128xf32>
    %select_n3A_182 = arith.select %eq3A_180, %select_n3A_153, %select_n3A_169 : vector<256x128xi1>, vector<256x128xi32>
    %and3A_183 = arith.constant 8 : i32
    %and3A_184 = vector.broadcast %and3A_183 : i32 to vector<256x128xi32>
    %and3A_185 = arith.andi %add3A_83, %and3A_184 : vector<256x128xi32>
    %eq3A_186 = arith.constant 0 : i32
    %eq3A_187 = vector.broadcast %eq3A_186 : i32 to vector<256x128xi32>
    %eq3A_188 = arith.cmpi eq, %and3A_185, %eq3A_187 : vector<256x128xi32>
    %and3A_189 = arith.constant 4 : i32
    %and3A_190 = vector.broadcast %and3A_189 : i32 to vector<256x128xi32>
    %and3A_191 = arith.andi %add3A_83, %and3A_190 : vector<256x128xi32>
    %eq3A_192 = arith.constant 0 : i32
    %eq3A_193 = vector.broadcast %eq3A_192 : i32 to vector<256x128xi32>
    %eq3A_194 = arith.cmpi eq, %and3A_191, %eq3A_193 : vector<256x128xi32>
    %roll3A_195 = arith.constant 124 : i32
    %roll3A_196 = tpu.dynamic_rotate %select_n3A_181 by %roll3A_195 dim 1 : vector<256x128xf32>, i32 -> vector<256x128xf32>
    %roll3A_197 = arith.constant 4 : i32
    %roll3A_198 = tpu.dynamic_rotate %select_n3A_181 by %roll3A_197 dim 1 : vector<256x128xf32>, i32 -> vector<256x128xf32>
    %select_n3A_199 = arith.select %eq3A_194, %roll3A_196, %roll3A_198 : vector<256x128xi1>, vector<256x128xf32>
    %roll3A_200 = arith.constant 124 : i32
    %roll3A_201 = tpu.dynamic_rotate %select_n3A_182 by %roll3A_200 dim 1 : vector<256x128xi32>, i32 -> vector<256x128xi32>
    %roll3A_202 = arith.constant 4 : i32
    %roll3A_203 = tpu.dynamic_rotate %select_n3A_182 by %roll3A_202 dim 1 : vector<256x128xi32>, i32 -> vector<256x128xi32>
    %select_n3A_204 = arith.select %eq3A_194, %roll3A_201, %roll3A_203 : vector<256x128xi1>, vector<256x128xi32>
    %gt3A_205 = arith.cmpf ogt, %select_n3A_181, %select_n3A_199 : vector<256x128xf32>
    %eq3A_206 = arith.cmpf oeq, %select_n3A_181, %select_n3A_199 : vector<256x128xf32>
    %lt3A_207 = arith.cmpi slt, %select_n3A_182, %select_n3A_204 : vector<256x128xi32>
    %and3A_208 = arith.andi %eq3A_206, %lt3A_207 : vector<256x128xi1>
    %or3A_209 = arith.ori %gt3A_205, %and3A_208 : vector<256x128xi1>
    %eq3A_210 = arith.xori %eq3A_188, %eq3A_194 : vector<256x128xi1>
    %eq3A_211 = arith.constant dense<true> : vector<256x128xi1>
    %eq3A_212 = arith.xori %eq3A_210, %eq3A_211 : vector<256x128xi1>
    %eq3A_213 = arith.xori %or3A_209, %eq3A_212 : vector<256x128xi1>
    %eq3A_214 = arith.constant dense<true> : vector<256x128xi1>
    %eq3A_215 = arith.xori %eq3A_213, %eq3A_214 : vector<256x128xi1>
    %select_n3A_216 = arith.select %eq3A_215, %select_n3A_181, %select_n3A_199 : vector<256x128xi1>, vector<256x128xf32>
    %select_n3A_217 = arith.select %eq3A_215, %select_n3A_182, %select_n3A_204 : vector<256x128xi1>, vector<256x128xi32>
    %and3A_218 = arith.constant 2 : i32
    %and3A_219 = vector.broadcast %and3A_218 : i32 to vector<256x128xi32>
    %and3A_220 = arith.andi %add3A_83, %and3A_219 : vector<256x128xi32>
    %eq3A_221 = arith.constant 0 : i32
    %eq3A_222 = vector.broadcast %eq3A_221 : i32 to vector<256x128xi32>
    %eq3A_223 = arith.cmpi eq, %and3A_220, %eq3A_222 : vector<256x128xi32>
    %roll3A_224 = arith.constant 126 : i32
    %roll3A_225 = tpu.dynamic_rotate %select_n3A_216 by %roll3A_224 dim 1 : vector<256x128xf32>, i32 -> vector<256x128xf32>
    %roll3A_226 = arith.constant 2 : i32
    %roll3A_227 = tpu.dynamic_rotate %select_n3A_216 by %roll3A_226 dim 1 : vector<256x128xf32>, i32 -> vector<256x128xf32>
    %select_n3A_228 = arith.select %eq3A_223, %roll3A_225, %roll3A_227 : vector<256x128xi1>, vector<256x128xf32>
    %roll3A_229 = arith.constant 126 : i32
    %roll3A_230 = tpu.dynamic_rotate %select_n3A_217 by %roll3A_229 dim 1 : vector<256x128xi32>, i32 -> vector<256x128xi32>
    %roll3A_231 = arith.constant 2 : i32
    %roll3A_232 = tpu.dynamic_rotate %select_n3A_217 by %roll3A_231 dim 1 : vector<256x128xi32>, i32 -> vector<256x128xi32>
    %select_n3A_233 = arith.select %eq3A_223, %roll3A_230, %roll3A_232 : vector<256x128xi1>, vector<256x128xi32>
    %gt3A_234 = arith.cmpf ogt, %select_n3A_216, %select_n3A_228 : vector<256x128xf32>
    %eq3A_235 = arith.cmpf oeq, %select_n3A_216, %select_n3A_228 : vector<256x128xf32>
    %lt3A_236 = arith.cmpi slt, %select_n3A_217, %select_n3A_233 : vector<256x128xi32>
    %and3A_237 = arith.andi %eq3A_235, %lt3A_236 : vector<256x128xi1>
    %or3A_238 = arith.ori %gt3A_234, %and3A_237 : vector<256x128xi1>
    %eq3A_239 = arith.xori %eq3A_188, %eq3A_223 : vector<256x128xi1>
    %eq3A_240 = arith.constant dense<true> : vector<256x128xi1>
    %eq3A_241 = arith.xori %eq3A_239, %eq3A_240 : vector<256x128xi1>
    %eq3A_242 = arith.xori %or3A_238, %eq3A_241 : vector<256x128xi1>
    %eq3A_243 = arith.constant dense<true> : vector<256x128xi1>
    %eq3A_244 = arith.xori %eq3A_242, %eq3A_243 : vector<256x128xi1>
    %select_n3A_245 = arith.select %eq3A_244, %select_n3A_216, %select_n3A_228 : vector<256x128xi1>, vector<256x128xf32>
    %select_n3A_246 = arith.select %eq3A_244, %select_n3A_217, %select_n3A_233 : vector<256x128xi1>, vector<256x128xi32>
    %and3A_247 = arith.constant 1 : i32
    %and3A_248 = vector.broadcast %and3A_247 : i32 to vector<256x128xi32>
    %and3A_249 = arith.andi %add3A_83, %and3A_248 : vector<256x128xi32>
    %eq3A_250 = arith.constant 0 : i32
    %eq3A_251 = vector.broadcast %eq3A_250 : i32 to vector<256x128xi32>
    %eq3A_252 = arith.cmpi eq, %and3A_249, %eq3A_251 : vector<256x128xi32>
    %roll3A_253 = arith.constant 127 : i32
    %roll3A_254 = tpu.dynamic_rotate %select_n3A_245 by %roll3A_253 dim 1 : vector<256x128xf32>, i32 -> vector<256x128xf32>
    %roll3A_255 = arith.constant 1 : i32
    %roll3A_256 = tpu.dynamic_rotate %select_n3A_245 by %roll3A_255 dim 1 : vector<256x128xf32>, i32 -> vector<256x128xf32>
    %select_n3A_257 = arith.select %eq3A_252, %roll3A_254, %roll3A_256 : vector<256x128xi1>, vector<256x128xf32>
    %roll3A_258 = arith.constant 127 : i32
    %roll3A_259 = tpu.dynamic_rotate %select_n3A_246 by %roll3A_258 dim 1 : vector<256x128xi32>, i32 -> vector<256x128xi32>
    %roll3A_260 = arith.constant 1 : i32
    %roll3A_261 = tpu.dynamic_rotate %select_n3A_246 by %roll3A_260 dim 1 : vector<256x128xi32>, i32 -> vector<256x128xi32>
    %select_n3A_262 = arith.select %eq3A_252, %roll3A_259, %roll3A_261 : vector<256x128xi1>, vector<256x128xi32>
    %gt3A_263 = arith.cmpf ogt, %select_n3A_245, %select_n3A_257 : vector<256x128xf32>
    %eq3A_264 = arith.cmpf oeq, %select_n3A_245, %select_n3A_257 : vector<256x128xf32>
    %lt3A_265 = arith.cmpi slt, %select_n3A_246, %select_n3A_262 : vector<256x128xi32>
    %and3A_266 = arith.andi %eq3A_264, %lt3A_265 : vector<256x128xi1>
    %or3A_267 = arith.ori %gt3A_263, %and3A_266 : vector<256x128xi1>
    %eq3A_268 = arith.xori %eq3A_188, %eq3A_252 : vector<256x128xi1>
    %eq3A_269 = arith.constant dense<true> : vector<256x128xi1>
    %eq3A_270 = arith.xori %eq3A_268, %eq3A_269 : vector<256x128xi1>
    %eq3A_271 = arith.xori %or3A_267, %eq3A_270 : vector<256x128xi1>
    %eq3A_272 = arith.constant dense<true> : vector<256x128xi1>
    %eq3A_273 = arith.xori %eq3A_271, %eq3A_272 : vector<256x128xi1>
    %select_n3A_274 = arith.select %eq3A_273, %select_n3A_245, %select_n3A_257 : vector<256x128xi1>, vector<256x128xf32>
    %select_n3A_275 = arith.select %eq3A_273, %select_n3A_246, %select_n3A_262 : vector<256x128xi1>, vector<256x128xi32>
    %and3A_276 = arith.constant 16 : i32
    %and3A_277 = vector.broadcast %and3A_276 : i32 to vector<256x128xi32>
    %and3A_278 = arith.andi %add3A_83, %and3A_277 : vector<256x128xi32>
    %eq3A_279 = arith.constant 0 : i32
    %eq3A_280 = vector.broadcast %eq3A_279 : i32 to vector<256x128xi32>
    %eq3A_281 = arith.cmpi eq, %and3A_278, %eq3A_280 : vector<256x128xi32>
    %and3A_282 = arith.constant 8 : i32
    %and3A_283 = vector.broadcast %and3A_282 : i32 to vector<256x128xi32>
    %and3A_284 = arith.andi %add3A_83, %and3A_283 : vector<256x128xi32>
    %eq3A_285 = arith.constant 0 : i32
    %eq3A_286 = vector.broadcast %eq3A_285 : i32 to vector<256x128xi32>
    %eq3A_287 = arith.cmpi eq, %and3A_284, %eq3A_286 : vector<256x128xi32>
    %roll3A_288 = arith.constant 120 : i32
    %roll3A_289 = tpu.dynamic_rotate %select_n3A_274 by %roll3A_288 dim 1 : vector<256x128xf32>, i32 -> vector<256x128xf32>
    %roll3A_290 = arith.constant 8 : i32
    %roll3A_291 = tpu.dynamic_rotate %select_n3A_274 by %roll3A_290 dim 1 : vector<256x128xf32>, i32 -> vector<256x128xf32>
    %select_n3A_292 = arith.select %eq3A_287, %roll3A_289, %roll3A_291 : vector<256x128xi1>, vector<256x128xf32>
    %roll3A_293 = arith.constant 120 : i32
    %roll3A_294 = tpu.dynamic_rotate %select_n3A_275 by %roll3A_293 dim 1 : vector<256x128xi32>, i32 -> vector<256x128xi32>
    %roll3A_295 = arith.constant 8 : i32
    %roll3A_296 = tpu.dynamic_rotate %select_n3A_275 by %roll3A_295 dim 1 : vector<256x128xi32>, i32 -> vector<256x128xi32>
    %select_n3A_297 = arith.select %eq3A_287, %roll3A_294, %roll3A_296 : vector<256x128xi1>, vector<256x128xi32>
    %gt3A_298 = arith.cmpf ogt, %select_n3A_274, %select_n3A_292 : vector<256x128xf32>
    %eq3A_299 = arith.cmpf oeq, %select_n3A_274, %select_n3A_292 : vector<256x128xf32>
    %lt3A_300 = arith.cmpi slt, %select_n3A_275, %select_n3A_297 : vector<256x128xi32>
    %and3A_301 = arith.andi %eq3A_299, %lt3A_300 : vector<256x128xi1>
    %or3A_302 = arith.ori %gt3A_298, %and3A_301 : vector<256x128xi1>
    %eq3A_303 = arith.xori %eq3A_281, %eq3A_287 : vector<256x128xi1>
    %eq3A_304 = arith.constant dense<true> : vector<256x128xi1>
    %eq3A_305 = arith.xori %eq3A_303, %eq3A_304 : vector<256x128xi1>
    %eq3A_306 = arith.xori %or3A_302, %eq3A_305 : vector<256x128xi1>
    %eq3A_307 = arith.constant dense<true> : vector<256x128xi1>
    %eq3A_308 = arith.xori %eq3A_306, %eq3A_307 : vector<256x128xi1>
    %select_n3A_309 = arith.select %eq3A_308, %select_n3A_274, %select_n3A_292 : vector<256x128xi1>, vector<256x128xf32>
    %select_n3A_310 = arith.select %eq3A_308, %select_n3A_275, %select_n3A_297 : vector<256x128xi1>, vector<256x128xi32>
    %and3A_311 = arith.constant 4 : i32
    %and3A_312 = vector.broadcast %and3A_311 : i32 to vector<256x128xi32>
    %and3A_313 = arith.andi %add3A_83, %and3A_312 : vector<256x128xi32>
    %eq3A_314 = arith.constant 0 : i32
    %eq3A_315 = vector.broadcast %eq3A_314 : i32 to vector<256x128xi32>
    %eq3A_316 = arith.cmpi eq, %and3A_313, %eq3A_315 : vector<256x128xi32>
    %roll3A_317 = arith.constant 124 : i32
    %roll3A_318 = tpu.dynamic_rotate %select_n3A_309 by %roll3A_317 dim 1 : vector<256x128xf32>, i32 -> vector<256x128xf32>
    %roll3A_319 = arith.constant 4 : i32
    %roll3A_320 = tpu.dynamic_rotate %select_n3A_309 by %roll3A_319 dim 1 : vector<256x128xf32>, i32 -> vector<256x128xf32>
    %select_n3A_321 = arith.select %eq3A_316, %roll3A_318, %roll3A_320 : vector<256x128xi1>, vector<256x128xf32>
    %roll3A_322 = arith.constant 124 : i32
    %roll3A_323 = tpu.dynamic_rotate %select_n3A_310 by %roll3A_322 dim 1 : vector<256x128xi32>, i32 -> vector<256x128xi32>
    %roll3A_324 = arith.constant 4 : i32
    %roll3A_325 = tpu.dynamic_rotate %select_n3A_310 by %roll3A_324 dim 1 : vector<256x128xi32>, i32 -> vector<256x128xi32>
    %select_n3A_326 = arith.select %eq3A_316, %roll3A_323, %roll3A_325 : vector<256x128xi1>, vector<256x128xi32>
    %gt3A_327 = arith.cmpf ogt, %select_n3A_309, %select_n3A_321 : vector<256x128xf32>
    %eq3A_328 = arith.cmpf oeq, %select_n3A_309, %select_n3A_321 : vector<256x128xf32>
    %lt3A_329 = arith.cmpi slt, %select_n3A_310, %select_n3A_326 : vector<256x128xi32>
    %and3A_330 = arith.andi %eq3A_328, %lt3A_329 : vector<256x128xi1>
    %or3A_331 = arith.ori %gt3A_327, %and3A_330 : vector<256x128xi1>
    %eq3A_332 = arith.xori %eq3A_281, %eq3A_316 : vector<256x128xi1>
    %eq3A_333 = arith.constant dense<true> : vector<256x128xi1>
    %eq3A_334 = arith.xori %eq3A_332, %eq3A_333 : vector<256x128xi1>
    %eq3A_335 = arith.xori %or3A_331, %eq3A_334 : vector<256x128xi1>
    %eq3A_336 = arith.constant dense<true> : vector<256x128xi1>
    %eq3A_337 = arith.xori %eq3A_335, %eq3A_336 : vector<256x128xi1>
    %select_n3A_338 = arith.select %eq3A_337, %select_n3A_309, %select_n3A_321 : vector<256x128xi1>, vector<256x128xf32>
    %select_n3A_339 = arith.select %eq3A_337, %select_n3A_310, %select_n3A_326 : vector<256x128xi1>, vector<256x128xi32>
    %and3A_340 = arith.constant 2 : i32
    %and3A_341 = vector.broadcast %and3A_340 : i32 to vector<256x128xi32>
    %and3A_342 = arith.andi %add3A_83, %and3A_341 : vector<256x128xi32>
    %eq3A_343 = arith.constant 0 : i32
    %eq3A_344 = vector.broadcast %eq3A_343 : i32 to vector<256x128xi32>
    %eq3A_345 = arith.cmpi eq, %and3A_342, %eq3A_344 : vector<256x128xi32>
    %roll3A_346 = arith.constant 126 : i32
    %roll3A_347 = tpu.dynamic_rotate %select_n3A_338 by %roll3A_346 dim 1 : vector<256x128xf32>, i32 -> vector<256x128xf32>
    %roll3A_348 = arith.constant 2 : i32
    %roll3A_349 = tpu.dynamic_rotate %select_n3A_338 by %roll3A_348 dim 1 : vector<256x128xf32>, i32 -> vector<256x128xf32>
    %select_n3A_350 = arith.select %eq3A_345, %roll3A_347, %roll3A_349 : vector<256x128xi1>, vector<256x128xf32>
    %roll3A_351 = arith.constant 126 : i32
    %roll3A_352 = tpu.dynamic_rotate %select_n3A_339 by %roll3A_351 dim 1 : vector<256x128xi32>, i32 -> vector<256x128xi32>
    %roll3A_353 = arith.constant 2 : i32
    %roll3A_354 = tpu.dynamic_rotate %select_n3A_339 by %roll3A_353 dim 1 : vector<256x128xi32>, i32 -> vector<256x128xi32>
    %select_n3A_355 = arith.select %eq3A_345, %roll3A_352, %roll3A_354 : vector<256x128xi1>, vector<256x128xi32>
    %gt3A_356 = arith.cmpf ogt, %select_n3A_338, %select_n3A_350 : vector<256x128xf32>
    %eq3A_357 = arith.cmpf oeq, %select_n3A_338, %select_n3A_350 : vector<256x128xf32>
    %lt3A_358 = arith.cmpi slt, %select_n3A_339, %select_n3A_355 : vector<256x128xi32>
    %and3A_359 = arith.andi %eq3A_357, %lt3A_358 : vector<256x128xi1>
    %or3A_360 = arith.ori %gt3A_356, %and3A_359 : vector<256x128xi1>
    %eq3A_361 = arith.xori %eq3A_281, %eq3A_345 : vector<256x128xi1>
    %eq3A_362 = arith.constant dense<true> : vector<256x128xi1>
    %eq3A_363 = arith.xori %eq3A_361, %eq3A_362 : vector<256x128xi1>
    %eq3A_364 = arith.xori %or3A_360, %eq3A_363 : vector<256x128xi1>
    %eq3A_365 = arith.constant dense<true> : vector<256x128xi1>
    %eq3A_366 = arith.xori %eq3A_364, %eq3A_365 : vector<256x128xi1>
    %select_n3A_367 = arith.select %eq3A_366, %select_n3A_338, %select_n3A_350 : vector<256x128xi1>, vector<256x128xf32>
    %select_n3A_368 = arith.select %eq3A_366, %select_n3A_339, %select_n3A_355 : vector<256x128xi1>, vector<256x128xi32>
    %and3A_369 = arith.constant 1 : i32
    %and3A_370 = vector.broadcast %and3A_369 : i32 to vector<256x128xi32>
    %and3A_371 = arith.andi %add3A_83, %and3A_370 : vector<256x128xi32>
    %eq3A_372 = arith.constant 0 : i32
    %eq3A_373 = vector.broadcast %eq3A_372 : i32 to vector<256x128xi32>
    %eq3A_374 = arith.cmpi eq, %and3A_371, %eq3A_373 : vector<256x128xi32>
    %roll3A_375 = arith.constant 127 : i32
    %roll3A_376 = tpu.dynamic_rotate %select_n3A_367 by %roll3A_375 dim 1 : vector<256x128xf32>, i32 -> vector<256x128xf32>
    %roll3A_377 = arith.constant 1 : i32
    %roll3A_378 = tpu.dynamic_rotate %select_n3A_367 by %roll3A_377 dim 1 : vector<256x128xf32>, i32 -> vector<256x128xf32>
    %select_n3A_379 = arith.select %eq3A_374, %roll3A_376, %roll3A_378 : vector<256x128xi1>, vector<256x128xf32>
    %roll3A_380 = arith.constant 127 : i32
    %roll3A_381 = tpu.dynamic_rotate %select_n3A_368 by %roll3A_380 dim 1 : vector<256x128xi32>, i32 -> vector<256x128xi32>
    %roll3A_382 = arith.constant 1 : i32
    %roll3A_383 = tpu.dynamic_rotate %select_n3A_368 by %roll3A_382 dim 1 : vector<256x128xi32>, i32 -> vector<256x128xi32>
    %select_n3A_384 = arith.select %eq3A_374, %roll3A_381, %roll3A_383 : vector<256x128xi1>, vector<256x128xi32>
    %gt3A_385 = arith.cmpf ogt, %select_n3A_367, %select_n3A_379 : vector<256x128xf32>
    %eq3A_386 = arith.cmpf oeq, %select_n3A_367, %select_n3A_379 : vector<256x128xf32>
    %lt3A_387 = arith.cmpi slt, %select_n3A_368, %select_n3A_384 : vector<256x128xi32>
    %and3A_388 = arith.andi %eq3A_386, %lt3A_387 : vector<256x128xi1>
    %or3A_389 = arith.ori %gt3A_385, %and3A_388 : vector<256x128xi1>
    %eq3A_390 = arith.xori %eq3A_281, %eq3A_374 : vector<256x128xi1>
    %eq3A_391 = arith.constant dense<true> : vector<256x128xi1>
    %eq3A_392 = arith.xori %eq3A_390, %eq3A_391 : vector<256x128xi1>
    %eq3A_393 = arith.xori %or3A_389, %eq3A_392 : vector<256x128xi1>
    %eq3A_394 = arith.constant dense<true> : vector<256x128xi1>
    %eq3A_395 = arith.xori %eq3A_393, %eq3A_394 : vector<256x128xi1>
    %select_n3A_396 = arith.select %eq3A_395, %select_n3A_367, %select_n3A_379 : vector<256x128xi1>, vector<256x128xf32>
    %select_n3A_397 = arith.select %eq3A_395, %select_n3A_368, %select_n3A_384 : vector<256x128xi1>, vector<256x128xi32>
    %and3A_398 = arith.constant 32 : i32
    %and3A_399 = vector.broadcast %and3A_398 : i32 to vector<256x128xi32>
    %and3A_400 = arith.andi %add3A_83, %and3A_399 : vector<256x128xi32>
    %eq3A_401 = arith.constant 0 : i32
    %eq3A_402 = vector.broadcast %eq3A_401 : i32 to vector<256x128xi32>
    %eq3A_403 = arith.cmpi eq, %and3A_400, %eq3A_402 : vector<256x128xi32>
    %and3A_404 = arith.constant 16 : i32
    %and3A_405 = vector.broadcast %and3A_404 : i32 to vector<256x128xi32>
    %and3A_406 = arith.andi %add3A_83, %and3A_405 : vector<256x128xi32>
    %eq3A_407 = arith.constant 0 : i32
    %eq3A_408 = vector.broadcast %eq3A_407 : i32 to vector<256x128xi32>
    %eq3A_409 = arith.cmpi eq, %and3A_406, %eq3A_408 : vector<256x128xi32>
    %roll3A_410 = arith.constant 112 : i32
    %roll3A_411 = tpu.dynamic_rotate %select_n3A_396 by %roll3A_410 dim 1 : vector<256x128xf32>, i32 -> vector<256x128xf32>
    %roll3A_412 = arith.constant 16 : i32
    %roll3A_413 = tpu.dynamic_rotate %select_n3A_396 by %roll3A_412 dim 1 : vector<256x128xf32>, i32 -> vector<256x128xf32>
    %select_n3A_414 = arith.select %eq3A_409, %roll3A_411, %roll3A_413 : vector<256x128xi1>, vector<256x128xf32>
    %roll3A_415 = arith.constant 112 : i32
    %roll3A_416 = tpu.dynamic_rotate %select_n3A_397 by %roll3A_415 dim 1 : vector<256x128xi32>, i32 -> vector<256x128xi32>
    %roll3A_417 = arith.constant 16 : i32
    %roll3A_418 = tpu.dynamic_rotate %select_n3A_397 by %roll3A_417 dim 1 : vector<256x128xi32>, i32 -> vector<256x128xi32>
    %select_n3A_419 = arith.select %eq3A_409, %roll3A_416, %roll3A_418 : vector<256x128xi1>, vector<256x128xi32>
    %gt3A_420 = arith.cmpf ogt, %select_n3A_396, %select_n3A_414 : vector<256x128xf32>
    %eq3A_421 = arith.cmpf oeq, %select_n3A_396, %select_n3A_414 : vector<256x128xf32>
    %lt3A_422 = arith.cmpi slt, %select_n3A_397, %select_n3A_419 : vector<256x128xi32>
    %and3A_423 = arith.andi %eq3A_421, %lt3A_422 : vector<256x128xi1>
    %or3A_424 = arith.ori %gt3A_420, %and3A_423 : vector<256x128xi1>
    %eq3A_425 = arith.xori %eq3A_403, %eq3A_409 : vector<256x128xi1>
    %eq3A_426 = arith.constant dense<true> : vector<256x128xi1>
    %eq3A_427 = arith.xori %eq3A_425, %eq3A_426 : vector<256x128xi1>
    %eq3A_428 = arith.xori %or3A_424, %eq3A_427 : vector<256x128xi1>
    %eq3A_429 = arith.constant dense<true> : vector<256x128xi1>
    %eq3A_430 = arith.xori %eq3A_428, %eq3A_429 : vector<256x128xi1>
    %select_n3A_431 = arith.select %eq3A_430, %select_n3A_396, %select_n3A_414 : vector<256x128xi1>, vector<256x128xf32>
    %select_n3A_432 = arith.select %eq3A_430, %select_n3A_397, %select_n3A_419 : vector<256x128xi1>, vector<256x128xi32>
    %and3A_433 = arith.constant 8 : i32
    %and3A_434 = vector.broadcast %and3A_433 : i32 to vector<256x128xi32>
    %and3A_435 = arith.andi %add3A_83, %and3A_434 : vector<256x128xi32>
    %eq3A_436 = arith.constant 0 : i32
    %eq3A_437 = vector.broadcast %eq3A_436 : i32 to vector<256x128xi32>
    %eq3A_438 = arith.cmpi eq, %and3A_435, %eq3A_437 : vector<256x128xi32>
    %roll3A_439 = arith.constant 120 : i32
    %roll3A_440 = tpu.dynamic_rotate %select_n3A_431 by %roll3A_439 dim 1 : vector<256x128xf32>, i32 -> vector<256x128xf32>
    %roll3A_441 = arith.constant 8 : i32
    %roll3A_442 = tpu.dynamic_rotate %select_n3A_431 by %roll3A_441 dim 1 : vector<256x128xf32>, i32 -> vector<256x128xf32>
    %select_n3A_443 = arith.select %eq3A_438, %roll3A_440, %roll3A_442 : vector<256x128xi1>, vector<256x128xf32>
    %roll3A_444 = arith.constant 120 : i32
    %roll3A_445 = tpu.dynamic_rotate %select_n3A_432 by %roll3A_444 dim 1 : vector<256x128xi32>, i32 -> vector<256x128xi32>
    %roll3A_446 = arith.constant 8 : i32
    %roll3A_447 = tpu.dynamic_rotate %select_n3A_432 by %roll3A_446 dim 1 : vector<256x128xi32>, i32 -> vector<256x128xi32>
    %select_n3A_448 = arith.select %eq3A_438, %roll3A_445, %roll3A_447 : vector<256x128xi1>, vector<256x128xi32>
    %gt3A_449 = arith.cmpf ogt, %select_n3A_431, %select_n3A_443 : vector<256x128xf32>
    %eq3A_450 = arith.cmpf oeq, %select_n3A_431, %select_n3A_443 : vector<256x128xf32>
    %lt3A_451 = arith.cmpi slt, %select_n3A_432, %select_n3A_448 : vector<256x128xi32>
    %and3A_452 = arith.andi %eq3A_450, %lt3A_451 : vector<256x128xi1>
    %or3A_453 = arith.ori %gt3A_449, %and3A_452 : vector<256x128xi1>
    %eq3A_454 = arith.xori %eq3A_403, %eq3A_438 : vector<256x128xi1>
    %eq3A_455 = arith.constant dense<true> : vector<256x128xi1>
    %eq3A_456 = arith.xori %eq3A_454, %eq3A_455 : vector<256x128xi1>
    %eq3A_457 = arith.xori %or3A_453, %eq3A_456 : vector<256x128xi1>
    %eq3A_458 = arith.constant dense<true> : vector<256x128xi1>
    %eq3A_459 = arith.xori %eq3A_457, %eq3A_458 : vector<256x128xi1>
    %select_n3A_460 = arith.select %eq3A_459, %select_n3A_431, %select_n3A_443 : vector<256x128xi1>, vector<256x128xf32>
    %select_n3A_461 = arith.select %eq3A_459, %select_n3A_432, %select_n3A_448 : vector<256x128xi1>, vector<256x128xi32>
    %and3A_462 = arith.constant 4 : i32
    %and3A_463 = vector.broadcast %and3A_462 : i32 to vector<256x128xi32>
    %and3A_464 = arith.andi %add3A_83, %and3A_463 : vector<256x128xi32>
    %eq3A_465 = arith.constant 0 : i32
    %eq3A_466 = vector.broadcast %eq3A_465 : i32 to vector<256x128xi32>
    %eq3A_467 = arith.cmpi eq, %and3A_464, %eq3A_466 : vector<256x128xi32>
    %roll3A_468 = arith.constant 124 : i32
    %roll3A_469 = tpu.dynamic_rotate %select_n3A_460 by %roll3A_468 dim 1 : vector<256x128xf32>, i32 -> vector<256x128xf32>
    %roll3A_470 = arith.constant 4 : i32
    %roll3A_471 = tpu.dynamic_rotate %select_n3A_460 by %roll3A_470 dim 1 : vector<256x128xf32>, i32 -> vector<256x128xf32>
    %select_n3A_472 = arith.select %eq3A_467, %roll3A_469, %roll3A_471 : vector<256x128xi1>, vector<256x128xf32>
    %roll3A_473 = arith.constant 124 : i32
    %roll3A_474 = tpu.dynamic_rotate %select_n3A_461 by %roll3A_473 dim 1 : vector<256x128xi32>, i32 -> vector<256x128xi32>
    %roll3A_475 = arith.constant 4 : i32
    %roll3A_476 = tpu.dynamic_rotate %select_n3A_461 by %roll3A_475 dim 1 : vector<256x128xi32>, i32 -> vector<256x128xi32>
    %select_n3A_477 = arith.select %eq3A_467, %roll3A_474, %roll3A_476 : vector<256x128xi1>, vector<256x128xi32>
    %gt3A_478 = arith.cmpf ogt, %select_n3A_460, %select_n3A_472 : vector<256x128xf32>
    %eq3A_479 = arith.cmpf oeq, %select_n3A_460, %select_n3A_472 : vector<256x128xf32>
    %lt3A_480 = arith.cmpi slt, %select_n3A_461, %select_n3A_477 : vector<256x128xi32>
    %and3A_481 = arith.andi %eq3A_479, %lt3A_480 : vector<256x128xi1>
    %or3A_482 = arith.ori %gt3A_478, %and3A_481 : vector<256x128xi1>
    %eq3A_483 = arith.xori %eq3A_403, %eq3A_467 : vector<256x128xi1>
    %eq3A_484 = arith.constant dense<true> : vector<256x128xi1>
    %eq3A_485 = arith.xori %eq3A_483, %eq3A_484 : vector<256x128xi1>
    %eq3A_486 = arith.xori %or3A_482, %eq3A_485 : vector<256x128xi1>
    %eq3A_487 = arith.constant dense<true> : vector<256x128xi1>
    %eq3A_488 = arith.xori %eq3A_486, %eq3A_487 : vector<256x128xi1>
    %select_n3A_489 = arith.select %eq3A_488, %select_n3A_460, %select_n3A_472 : vector<256x128xi1>, vector<256x128xf32>
    %select_n3A_490 = arith.select %eq3A_488, %select_n3A_461, %select_n3A_477 : vector<256x128xi1>, vector<256x128xi32>
    %and3A_491 = arith.constant 2 : i32
    %and3A_492 = vector.broadcast %and3A_491 : i32 to vector<256x128xi32>
    %and3A_493 = arith.andi %add3A_83, %and3A_492 : vector<256x128xi32>
    %eq3A_494 = arith.constant 0 : i32
    %eq3A_495 = vector.broadcast %eq3A_494 : i32 to vector<256x128xi32>
    %eq3A_496 = arith.cmpi eq, %and3A_493, %eq3A_495 : vector<256x128xi32>
    %roll3A_497 = arith.constant 126 : i32
    %roll3A_498 = tpu.dynamic_rotate %select_n3A_489 by %roll3A_497 dim 1 : vector<256x128xf32>, i32 -> vector<256x128xf32>
    %roll3A_499 = arith.constant 2 : i32
    %roll3A_500 = tpu.dynamic_rotate %select_n3A_489 by %roll3A_499 dim 1 : vector<256x128xf32>, i32 -> vector<256x128xf32>
    %select_n3A_501 = arith.select %eq3A_496, %roll3A_498, %roll3A_500 : vector<256x128xi1>, vector<256x128xf32>
    %roll3A_502 = arith.constant 126 : i32
    %roll3A_503 = tpu.dynamic_rotate %select_n3A_490 by %roll3A_502 dim 1 : vector<256x128xi32>, i32 -> vector<256x128xi32>
    %roll3A_504 = arith.constant 2 : i32
    %roll3A_505 = tpu.dynamic_rotate %select_n3A_490 by %roll3A_504 dim 1 : vector<256x128xi32>, i32 -> vector<256x128xi32>
    %select_n3A_506 = arith.select %eq3A_496, %roll3A_503, %roll3A_505 : vector<256x128xi1>, vector<256x128xi32>
    %gt3A_507 = arith.cmpf ogt, %select_n3A_489, %select_n3A_501 : vector<256x128xf32>
    %eq3A_508 = arith.cmpf oeq, %select_n3A_489, %select_n3A_501 : vector<256x128xf32>
    %lt3A_509 = arith.cmpi slt, %select_n3A_490, %select_n3A_506 : vector<256x128xi32>
    %and3A_510 = arith.andi %eq3A_508, %lt3A_509 : vector<256x128xi1>
    %or3A_511 = arith.ori %gt3A_507, %and3A_510 : vector<256x128xi1>
    %eq3A_512 = arith.xori %eq3A_403, %eq3A_496 : vector<256x128xi1>
    %eq3A_513 = arith.constant dense<true> : vector<256x128xi1>
    %eq3A_514 = arith.xori %eq3A_512, %eq3A_513 : vector<256x128xi1>
    %eq3A_515 = arith.xori %or3A_511, %eq3A_514 : vector<256x128xi1>
    %eq3A_516 = arith.constant dense<true> : vector<256x128xi1>
    %eq3A_517 = arith.xori %eq3A_515, %eq3A_516 : vector<256x128xi1>
    %select_n3A_518 = arith.select %eq3A_517, %select_n3A_489, %select_n3A_501 : vector<256x128xi1>, vector<256x128xf32>
    %select_n3A_519 = arith.select %eq3A_517, %select_n3A_490, %select_n3A_506 : vector<256x128xi1>, vector<256x128xi32>
    %and3A_520 = arith.constant 1 : i32
    %and3A_521 = vector.broadcast %and3A_520 : i32 to vector<256x128xi32>
    %and3A_522 = arith.andi %add3A_83, %and3A_521 : vector<256x128xi32>
    %eq3A_523 = arith.constant 0 : i32
    %eq3A_524 = vector.broadcast %eq3A_523 : i32 to vector<256x128xi32>
    %eq3A_525 = arith.cmpi eq, %and3A_522, %eq3A_524 : vector<256x128xi32>
    %roll3A_526 = arith.constant 127 : i32
    %roll3A_527 = tpu.dynamic_rotate %select_n3A_518 by %roll3A_526 dim 1 : vector<256x128xf32>, i32 -> vector<256x128xf32>
    %roll3A_528 = arith.constant 1 : i32
    %roll3A_529 = tpu.dynamic_rotate %select_n3A_518 by %roll3A_528 dim 1 : vector<256x128xf32>, i32 -> vector<256x128xf32>
    %select_n3A_530 = arith.select %eq3A_525, %roll3A_527, %roll3A_529 : vector<256x128xi1>, vector<256x128xf32>
    %roll3A_531 = arith.constant 127 : i32
    %roll3A_532 = tpu.dynamic_rotate %select_n3A_519 by %roll3A_531 dim 1 : vector<256x128xi32>, i32 -> vector<256x128xi32>
    %roll3A_533 = arith.constant 1 : i32
    %roll3A_534 = tpu.dynamic_rotate %select_n3A_519 by %roll3A_533 dim 1 : vector<256x128xi32>, i32 -> vector<256x128xi32>
    %select_n3A_535 = arith.select %eq3A_525, %roll3A_532, %roll3A_534 : vector<256x128xi1>, vector<256x128xi32>
    %gt3A_536 = arith.cmpf ogt, %select_n3A_518, %select_n3A_530 : vector<256x128xf32>
    %eq3A_537 = arith.cmpf oeq, %select_n3A_518, %select_n3A_530 : vector<256x128xf32>
    %lt3A_538 = arith.cmpi slt, %select_n3A_519, %select_n3A_535 : vector<256x128xi32>
    %and3A_539 = arith.andi %eq3A_537, %lt3A_538 : vector<256x128xi1>
    %or3A_540 = arith.ori %gt3A_536, %and3A_539 : vector<256x128xi1>
    %eq3A_541 = arith.xori %eq3A_403, %eq3A_525 : vector<256x128xi1>
    %eq3A_542 = arith.constant dense<true> : vector<256x128xi1>
    %eq3A_543 = arith.xori %eq3A_541, %eq3A_542 : vector<256x128xi1>
    %eq3A_544 = arith.xori %or3A_540, %eq3A_543 : vector<256x128xi1>
    %eq3A_545 = arith.constant dense<true> : vector<256x128xi1>
    %eq3A_546 = arith.xori %eq3A_544, %eq3A_545 : vector<256x128xi1>
    %select_n3A_547 = arith.select %eq3A_546, %select_n3A_518, %select_n3A_530 : vector<256x128xi1>, vector<256x128xf32>
    %select_n3A_548 = arith.select %eq3A_546, %select_n3A_519, %select_n3A_535 : vector<256x128xi1>, vector<256x128xi32>
    %and3A_549 = arith.constant 64 : i32
    %and3A_550 = vector.broadcast %and3A_549 : i32 to vector<256x128xi32>
    %and3A_551 = arith.andi %add3A_83, %and3A_550 : vector<256x128xi32>
    %eq3A_552 = arith.constant 0 : i32
    %eq3A_553 = vector.broadcast %eq3A_552 : i32 to vector<256x128xi32>
    %eq3A_554 = arith.cmpi eq, %and3A_551, %eq3A_553 : vector<256x128xi32>
    %and3A_555 = arith.constant 32 : i32
    %and3A_556 = vector.broadcast %and3A_555 : i32 to vector<256x128xi32>
    %and3A_557 = arith.andi %add3A_83, %and3A_556 : vector<256x128xi32>
    %eq3A_558 = arith.constant 0 : i32
    %eq3A_559 = vector.broadcast %eq3A_558 : i32 to vector<256x128xi32>
    %eq3A_560 = arith.cmpi eq, %and3A_557, %eq3A_559 : vector<256x128xi32>
    %roll3A_561 = arith.constant 96 : i32
    %roll3A_562 = tpu.dynamic_rotate %select_n3A_547 by %roll3A_561 dim 1 : vector<256x128xf32>, i32 -> vector<256x128xf32>
    %roll3A_563 = arith.constant 32 : i32
    %roll3A_564 = tpu.dynamic_rotate %select_n3A_547 by %roll3A_563 dim 1 : vector<256x128xf32>, i32 -> vector<256x128xf32>
    %select_n3A_565 = arith.select %eq3A_560, %roll3A_562, %roll3A_564 : vector<256x128xi1>, vector<256x128xf32>
    %roll3A_566 = arith.constant 96 : i32
    %roll3A_567 = tpu.dynamic_rotate %select_n3A_548 by %roll3A_566 dim 1 : vector<256x128xi32>, i32 -> vector<256x128xi32>
    %roll3A_568 = arith.constant 32 : i32
    %roll3A_569 = tpu.dynamic_rotate %select_n3A_548 by %roll3A_568 dim 1 : vector<256x128xi32>, i32 -> vector<256x128xi32>
    %select_n3A_570 = arith.select %eq3A_560, %roll3A_567, %roll3A_569 : vector<256x128xi1>, vector<256x128xi32>
    %gt3A_571 = arith.cmpf ogt, %select_n3A_547, %select_n3A_565 : vector<256x128xf32>
    %eq3A_572 = arith.cmpf oeq, %select_n3A_547, %select_n3A_565 : vector<256x128xf32>
    %lt3A_573 = arith.cmpi slt, %select_n3A_548, %select_n3A_570 : vector<256x128xi32>
    %and3A_574 = arith.andi %eq3A_572, %lt3A_573 : vector<256x128xi1>
    %or3A_575 = arith.ori %gt3A_571, %and3A_574 : vector<256x128xi1>
    %eq3A_576 = arith.xori %eq3A_554, %eq3A_560 : vector<256x128xi1>
    %eq3A_577 = arith.constant dense<true> : vector<256x128xi1>
    %eq3A_578 = arith.xori %eq3A_576, %eq3A_577 : vector<256x128xi1>
    %eq3A_579 = arith.xori %or3A_575, %eq3A_578 : vector<256x128xi1>
    %eq3A_580 = arith.constant dense<true> : vector<256x128xi1>
    %eq3A_581 = arith.xori %eq3A_579, %eq3A_580 : vector<256x128xi1>
    %select_n3A_582 = arith.select %eq3A_581, %select_n3A_547, %select_n3A_565 : vector<256x128xi1>, vector<256x128xf32>
    %select_n3A_583 = arith.select %eq3A_581, %select_n3A_548, %select_n3A_570 : vector<256x128xi1>, vector<256x128xi32>
    %and3A_584 = arith.constant 16 : i32
    %and3A_585 = vector.broadcast %and3A_584 : i32 to vector<256x128xi32>
    %and3A_586 = arith.andi %add3A_83, %and3A_585 : vector<256x128xi32>
    %eq3A_587 = arith.constant 0 : i32
    %eq3A_588 = vector.broadcast %eq3A_587 : i32 to vector<256x128xi32>
    %eq3A_589 = arith.cmpi eq, %and3A_586, %eq3A_588 : vector<256x128xi32>
    %roll3A_590 = arith.constant 112 : i32
    %roll3A_591 = tpu.dynamic_rotate %select_n3A_582 by %roll3A_590 dim 1 : vector<256x128xf32>, i32 -> vector<256x128xf32>
    %roll3A_592 = arith.constant 16 : i32
    %roll3A_593 = tpu.dynamic_rotate %select_n3A_582 by %roll3A_592 dim 1 : vector<256x128xf32>, i32 -> vector<256x128xf32>
    %select_n3A_594 = arith.select %eq3A_589, %roll3A_591, %roll3A_593 : vector<256x128xi1>, vector<256x128xf32>
    %roll3A_595 = arith.constant 112 : i32
    %roll3A_596 = tpu.dynamic_rotate %select_n3A_583 by %roll3A_595 dim 1 : vector<256x128xi32>, i32 -> vector<256x128xi32>
    %roll3A_597 = arith.constant 16 : i32
    %roll3A_598 = tpu.dynamic_rotate %select_n3A_583 by %roll3A_597 dim 1 : vector<256x128xi32>, i32 -> vector<256x128xi32>
    %select_n3A_599 = arith.select %eq3A_589, %roll3A_596, %roll3A_598 : vector<256x128xi1>, vector<256x128xi32>
    %gt3A_600 = arith.cmpf ogt, %select_n3A_582, %select_n3A_594 : vector<256x128xf32>
    %eq3A_601 = arith.cmpf oeq, %select_n3A_582, %select_n3A_594 : vector<256x128xf32>
    %lt3A_602 = arith.cmpi slt, %select_n3A_583, %select_n3A_599 : vector<256x128xi32>
    %and3A_603 = arith.andi %eq3A_601, %lt3A_602 : vector<256x128xi1>
    %or3A_604 = arith.ori %gt3A_600, %and3A_603 : vector<256x128xi1>
    %eq3A_605 = arith.xori %eq3A_554, %eq3A_589 : vector<256x128xi1>
    %eq3A_606 = arith.constant dense<true> : vector<256x128xi1>
    %eq3A_607 = arith.xori %eq3A_605, %eq3A_606 : vector<256x128xi1>
    %eq3A_608 = arith.xori %or3A_604, %eq3A_607 : vector<256x128xi1>
    %eq3A_609 = arith.constant dense<true> : vector<256x128xi1>
    %eq3A_610 = arith.xori %eq3A_608, %eq3A_609 : vector<256x128xi1>
    %select_n3A_611 = arith.select %eq3A_610, %select_n3A_582, %select_n3A_594 : vector<256x128xi1>, vector<256x128xf32>
    %select_n3A_612 = arith.select %eq3A_610, %select_n3A_583, %select_n3A_599 : vector<256x128xi1>, vector<256x128xi32>
    %and3A_613 = arith.constant 8 : i32
    %and3A_614 = vector.broadcast %and3A_613 : i32 to vector<256x128xi32>
    %and3A_615 = arith.andi %add3A_83, %and3A_614 : vector<256x128xi32>
    %eq3A_616 = arith.constant 0 : i32
    %eq3A_617 = vector.broadcast %eq3A_616 : i32 to vector<256x128xi32>
    %eq3A_618 = arith.cmpi eq, %and3A_615, %eq3A_617 : vector<256x128xi32>
    %roll3A_619 = arith.constant 120 : i32
    %roll3A_620 = tpu.dynamic_rotate %select_n3A_611 by %roll3A_619 dim 1 : vector<256x128xf32>, i32 -> vector<256x128xf32>
    %roll3A_621 = arith.constant 8 : i32
    %roll3A_622 = tpu.dynamic_rotate %select_n3A_611 by %roll3A_621 dim 1 : vector<256x128xf32>, i32 -> vector<256x128xf32>
    %select_n3A_623 = arith.select %eq3A_618, %roll3A_620, %roll3A_622 : vector<256x128xi1>, vector<256x128xf32>
    %roll3A_624 = arith.constant 120 : i32
    %roll3A_625 = tpu.dynamic_rotate %select_n3A_612 by %roll3A_624 dim 1 : vector<256x128xi32>, i32 -> vector<256x128xi32>
    %roll3A_626 = arith.constant 8 : i32
    %roll3A_627 = tpu.dynamic_rotate %select_n3A_612 by %roll3A_626 dim 1 : vector<256x128xi32>, i32 -> vector<256x128xi32>
    %select_n3A_628 = arith.select %eq3A_618, %roll3A_625, %roll3A_627 : vector<256x128xi1>, vector<256x128xi32>
    %gt3A_629 = arith.cmpf ogt, %select_n3A_611, %select_n3A_623 : vector<256x128xf32>
    %eq3A_630 = arith.cmpf oeq, %select_n3A_611, %select_n3A_623 : vector<256x128xf32>
    %lt3A_631 = arith.cmpi slt, %select_n3A_612, %select_n3A_628 : vector<256x128xi32>
    %and3A_632 = arith.andi %eq3A_630, %lt3A_631 : vector<256x128xi1>
    %or3A_633 = arith.ori %gt3A_629, %and3A_632 : vector<256x128xi1>
    %eq3A_634 = arith.xori %eq3A_554, %eq3A_618 : vector<256x128xi1>
    %eq3A_635 = arith.constant dense<true> : vector<256x128xi1>
    %eq3A_636 = arith.xori %eq3A_634, %eq3A_635 : vector<256x128xi1>
    %eq3A_637 = arith.xori %or3A_633, %eq3A_636 : vector<256x128xi1>
    %eq3A_638 = arith.constant dense<true> : vector<256x128xi1>
    %eq3A_639 = arith.xori %eq3A_637, %eq3A_638 : vector<256x128xi1>
    %select_n3A_640 = arith.select %eq3A_639, %select_n3A_611, %select_n3A_623 : vector<256x128xi1>, vector<256x128xf32>
    %select_n3A_641 = arith.select %eq3A_639, %select_n3A_612, %select_n3A_628 : vector<256x128xi1>, vector<256x128xi32>
    %and3A_642 = arith.constant 4 : i32
    %and3A_643 = vector.broadcast %and3A_642 : i32 to vector<256x128xi32>
    %and3A_644 = arith.andi %add3A_83, %and3A_643 : vector<256x128xi32>
    %eq3A_645 = arith.constant 0 : i32
    %eq3A_646 = vector.broadcast %eq3A_645 : i32 to vector<256x128xi32>
    %eq3A_647 = arith.cmpi eq, %and3A_644, %eq3A_646 : vector<256x128xi32>
    %roll3A_648 = arith.constant 124 : i32
    %roll3A_649 = tpu.dynamic_rotate %select_n3A_640 by %roll3A_648 dim 1 : vector<256x128xf32>, i32 -> vector<256x128xf32>
    %roll3A_650 = arith.constant 4 : i32
    %roll3A_651 = tpu.dynamic_rotate %select_n3A_640 by %roll3A_650 dim 1 : vector<256x128xf32>, i32 -> vector<256x128xf32>
    %select_n3A_652 = arith.select %eq3A_647, %roll3A_649, %roll3A_651 : vector<256x128xi1>, vector<256x128xf32>
    %roll3A_653 = arith.constant 124 : i32
    %roll3A_654 = tpu.dynamic_rotate %select_n3A_641 by %roll3A_653 dim 1 : vector<256x128xi32>, i32 -> vector<256x128xi32>
    %roll3A_655 = arith.constant 4 : i32
    %roll3A_656 = tpu.dynamic_rotate %select_n3A_641 by %roll3A_655 dim 1 : vector<256x128xi32>, i32 -> vector<256x128xi32>
    %select_n3A_657 = arith.select %eq3A_647, %roll3A_654, %roll3A_656 : vector<256x128xi1>, vector<256x128xi32>
    %gt3A_658 = arith.cmpf ogt, %select_n3A_640, %select_n3A_652 : vector<256x128xf32>
    %eq3A_659 = arith.cmpf oeq, %select_n3A_640, %select_n3A_652 : vector<256x128xf32>
    %lt3A_660 = arith.cmpi slt, %select_n3A_641, %select_n3A_657 : vector<256x128xi32>
    %and3A_661 = arith.andi %eq3A_659, %lt3A_660 : vector<256x128xi1>
    %or3A_662 = arith.ori %gt3A_658, %and3A_661 : vector<256x128xi1>
    %eq3A_663 = arith.xori %eq3A_554, %eq3A_647 : vector<256x128xi1>
    %eq3A_664 = arith.constant dense<true> : vector<256x128xi1>
    %eq3A_665 = arith.xori %eq3A_663, %eq3A_664 : vector<256x128xi1>
    %eq3A_666 = arith.xori %or3A_662, %eq3A_665 : vector<256x128xi1>
    %eq3A_667 = arith.constant dense<true> : vector<256x128xi1>
    %eq3A_668 = arith.xori %eq3A_666, %eq3A_667 : vector<256x128xi1>
    %select_n3A_669 = arith.select %eq3A_668, %select_n3A_640, %select_n3A_652 : vector<256x128xi1>, vector<256x128xf32>
    %select_n3A_670 = arith.select %eq3A_668, %select_n3A_641, %select_n3A_657 : vector<256x128xi1>, vector<256x128xi32>
    %and3A_671 = arith.constant 2 : i32
    %and3A_672 = vector.broadcast %and3A_671 : i32 to vector<256x128xi32>
    %and3A_673 = arith.andi %add3A_83, %and3A_672 : vector<256x128xi32>
    %eq3A_674 = arith.constant 0 : i32
    %eq3A_675 = vector.broadcast %eq3A_674 : i32 to vector<256x128xi32>
    %eq3A_676 = arith.cmpi eq, %and3A_673, %eq3A_675 : vector<256x128xi32>
    %roll3A_677 = arith.constant 126 : i32
    %roll3A_678 = tpu.dynamic_rotate %select_n3A_669 by %roll3A_677 dim 1 : vector<256x128xf32>, i32 -> vector<256x128xf32>
    %roll3A_679 = arith.constant 2 : i32
    %roll3A_680 = tpu.dynamic_rotate %select_n3A_669 by %roll3A_679 dim 1 : vector<256x128xf32>, i32 -> vector<256x128xf32>
    %select_n3A_681 = arith.select %eq3A_676, %roll3A_678, %roll3A_680 : vector<256x128xi1>, vector<256x128xf32>
    %roll3A_682 = arith.constant 126 : i32
    %roll3A_683 = tpu.dynamic_rotate %select_n3A_670 by %roll3A_682 dim 1 : vector<256x128xi32>, i32 -> vector<256x128xi32>
    %roll3A_684 = arith.constant 2 : i32
    %roll3A_685 = tpu.dynamic_rotate %select_n3A_670 by %roll3A_684 dim 1 : vector<256x128xi32>, i32 -> vector<256x128xi32>
    %select_n3A_686 = arith.select %eq3A_676, %roll3A_683, %roll3A_685 : vector<256x128xi1>, vector<256x128xi32>
    %gt3A_687 = arith.cmpf ogt, %select_n3A_669, %select_n3A_681 : vector<256x128xf32>
    %eq3A_688 = arith.cmpf oeq, %select_n3A_669, %select_n3A_681 : vector<256x128xf32>
    %lt3A_689 = arith.cmpi slt, %select_n3A_670, %select_n3A_686 : vector<256x128xi32>
    %and3A_690 = arith.andi %eq3A_688, %lt3A_689 : vector<256x128xi1>
    %or3A_691 = arith.ori %gt3A_687, %and3A_690 : vector<256x128xi1>
    %eq3A_692 = arith.xori %eq3A_554, %eq3A_676 : vector<256x128xi1>
    %eq3A_693 = arith.constant dense<true> : vector<256x128xi1>
    %eq3A_694 = arith.xori %eq3A_692, %eq3A_693 : vector<256x128xi1>
    %eq3A_695 = arith.xori %or3A_691, %eq3A_694 : vector<256x128xi1>
    %eq3A_696 = arith.constant dense<true> : vector<256x128xi1>
    %eq3A_697 = arith.xori %eq3A_695, %eq3A_696 : vector<256x128xi1>
    %select_n3A_698 = arith.select %eq3A_697, %select_n3A_669, %select_n3A_681 : vector<256x128xi1>, vector<256x128xf32>
    %select_n3A_699 = arith.select %eq3A_697, %select_n3A_670, %select_n3A_686 : vector<256x128xi1>, vector<256x128xi32>
    %and3A_700 = arith.constant 1 : i32
    %and3A_701 = vector.broadcast %and3A_700 : i32 to vector<256x128xi32>
    %and3A_702 = arith.andi %add3A_83, %and3A_701 : vector<256x128xi32>
    %eq3A_703 = arith.constant 0 : i32
    %eq3A_704 = vector.broadcast %eq3A_703 : i32 to vector<256x128xi32>
    %eq3A_705 = arith.cmpi eq, %and3A_702, %eq3A_704 : vector<256x128xi32>
    %roll3A_706 = arith.constant 127 : i32
    %roll3A_707 = tpu.dynamic_rotate %select_n3A_698 by %roll3A_706 dim 1 : vector<256x128xf32>, i32 -> vector<256x128xf32>
    %roll3A_708 = arith.constant 1 : i32
    %roll3A_709 = tpu.dynamic_rotate %select_n3A_698 by %roll3A_708 dim 1 : vector<256x128xf32>, i32 -> vector<256x128xf32>
    %select_n3A_710 = arith.select %eq3A_705, %roll3A_707, %roll3A_709 : vector<256x128xi1>, vector<256x128xf32>
    %roll3A_711 = arith.constant 127 : i32
    %roll3A_712 = tpu.dynamic_rotate %select_n3A_699 by %roll3A_711 dim 1 : vector<256x128xi32>, i32 -> vector<256x128xi32>
    %roll3A_713 = arith.constant 1 : i32
    %roll3A_714 = tpu.dynamic_rotate %select_n3A_699 by %roll3A_713 dim 1 : vector<256x128xi32>, i32 -> vector<256x128xi32>
    %select_n3A_715 = arith.select %eq3A_705, %roll3A_712, %roll3A_714 : vector<256x128xi1>, vector<256x128xi32>
    %gt3A_716 = arith.cmpf ogt, %select_n3A_698, %select_n3A_710 : vector<256x128xf32>
    %eq3A_717 = arith.cmpf oeq, %select_n3A_698, %select_n3A_710 : vector<256x128xf32>
    %lt3A_718 = arith.cmpi slt, %select_n3A_699, %select_n3A_715 : vector<256x128xi32>
    %and3A_719 = arith.andi %eq3A_717, %lt3A_718 : vector<256x128xi1>
    %or3A_720 = arith.ori %gt3A_716, %and3A_719 : vector<256x128xi1>
    %eq3A_721 = arith.xori %eq3A_554, %eq3A_705 : vector<256x128xi1>
    %eq3A_722 = arith.constant dense<true> : vector<256x128xi1>
    %eq3A_723 = arith.xori %eq3A_721, %eq3A_722 : vector<256x128xi1>
    %eq3A_724 = arith.xori %or3A_720, %eq3A_723 : vector<256x128xi1>
    %eq3A_725 = arith.constant dense<true> : vector<256x128xi1>
    %eq3A_726 = arith.xori %eq3A_724, %eq3A_725 : vector<256x128xi1>
    %select_n3A_727 = arith.select %eq3A_726, %select_n3A_698, %select_n3A_710 : vector<256x128xi1>, vector<256x128xf32>
    %select_n3A_728 = arith.select %eq3A_726, %select_n3A_699, %select_n3A_715 : vector<256x128xi1>, vector<256x128xi32>
    %and3A_729 = arith.constant 128 : i32
    %and3A_730 = vector.broadcast %and3A_729 : i32 to vector<256x128xi32>
    %and3A_731 = arith.andi %add3A_83, %and3A_730 : vector<256x128xi32>
    %eq3A_732 = arith.constant 0 : i32
    %eq3A_733 = vector.broadcast %eq3A_732 : i32 to vector<256x128xi32>
    %eq3A_734 = arith.cmpi eq, %and3A_731, %eq3A_733 : vector<256x128xi32>
    %and3A_735 = arith.constant 64 : i32
    %and3A_736 = vector.broadcast %and3A_735 : i32 to vector<256x128xi32>
    %and3A_737 = arith.andi %add3A_83, %and3A_736 : vector<256x128xi32>
    %eq3A_738 = arith.constant 0 : i32
    %eq3A_739 = vector.broadcast %eq3A_738 : i32 to vector<256x128xi32>
    %eq3A_740 = arith.cmpi eq, %and3A_737, %eq3A_739 : vector<256x128xi32>
    %roll3A_741 = arith.constant 64 : i32
    %roll3A_742 = tpu.dynamic_rotate %select_n3A_727 by %roll3A_741 dim 1 : vector<256x128xf32>, i32 -> vector<256x128xf32>
    %roll3A_743 = arith.constant 64 : i32
    %roll3A_744 = tpu.dynamic_rotate %select_n3A_727 by %roll3A_743 dim 1 : vector<256x128xf32>, i32 -> vector<256x128xf32>
    %select_n3A_745 = arith.select %eq3A_740, %roll3A_742, %roll3A_744 : vector<256x128xi1>, vector<256x128xf32>
    %roll3A_746 = arith.constant 64 : i32
    %roll3A_747 = tpu.dynamic_rotate %select_n3A_728 by %roll3A_746 dim 1 : vector<256x128xi32>, i32 -> vector<256x128xi32>
    %roll3A_748 = arith.constant 64 : i32
    %roll3A_749 = tpu.dynamic_rotate %select_n3A_728 by %roll3A_748 dim 1 : vector<256x128xi32>, i32 -> vector<256x128xi32>
    %select_n3A_750 = arith.select %eq3A_740, %roll3A_747, %roll3A_749 : vector<256x128xi1>, vector<256x128xi32>
    %gt3A_751 = arith.cmpf ogt, %select_n3A_727, %select_n3A_745 : vector<256x128xf32>
    %eq3A_752 = arith.cmpf oeq, %select_n3A_727, %select_n3A_745 : vector<256x128xf32>
    %lt3A_753 = arith.cmpi slt, %select_n3A_728, %select_n3A_750 : vector<256x128xi32>
    %and3A_754 = arith.andi %eq3A_752, %lt3A_753 : vector<256x128xi1>
    %or3A_755 = arith.ori %gt3A_751, %and3A_754 : vector<256x128xi1>
    %eq3A_756 = arith.xori %eq3A_734, %eq3A_740 : vector<256x128xi1>
    %eq3A_757 = arith.constant dense<true> : vector<256x128xi1>
    %eq3A_758 = arith.xori %eq3A_756, %eq3A_757 : vector<256x128xi1>
    %eq3A_759 = arith.xori %or3A_755, %eq3A_758 : vector<256x128xi1>
    %eq3A_760 = arith.constant dense<true> : vector<256x128xi1>
    %eq3A_761 = arith.xori %eq3A_759, %eq3A_760 : vector<256x128xi1>
    %select_n3A_762 = arith.select %eq3A_761, %select_n3A_727, %select_n3A_745 : vector<256x128xi1>, vector<256x128xf32>
    %select_n3A_763 = arith.select %eq3A_761, %select_n3A_728, %select_n3A_750 : vector<256x128xi1>, vector<256x128xi32>
    %and3A_764 = arith.constant 32 : i32
    %and3A_765 = vector.broadcast %and3A_764 : i32 to vector<256x128xi32>
    %and3A_766 = arith.andi %add3A_83, %and3A_765 : vector<256x128xi32>
    %eq3A_767 = arith.constant 0 : i32
    %eq3A_768 = vector.broadcast %eq3A_767 : i32 to vector<256x128xi32>
    %eq3A_769 = arith.cmpi eq, %and3A_766, %eq3A_768 : vector<256x128xi32>
    %roll3A_770 = arith.constant 96 : i32
    %roll3A_771 = tpu.dynamic_rotate %select_n3A_762 by %roll3A_770 dim 1 : vector<256x128xf32>, i32 -> vector<256x128xf32>
    %roll3A_772 = arith.constant 32 : i32
    %roll3A_773 = tpu.dynamic_rotate %select_n3A_762 by %roll3A_772 dim 1 : vector<256x128xf32>, i32 -> vector<256x128xf32>
    %select_n3A_774 = arith.select %eq3A_769, %roll3A_771, %roll3A_773 : vector<256x128xi1>, vector<256x128xf32>
    %roll3A_775 = arith.constant 96 : i32
    %roll3A_776 = tpu.dynamic_rotate %select_n3A_763 by %roll3A_775 dim 1 : vector<256x128xi32>, i32 -> vector<256x128xi32>
    %roll3A_777 = arith.constant 32 : i32
    %roll3A_778 = tpu.dynamic_rotate %select_n3A_763 by %roll3A_777 dim 1 : vector<256x128xi32>, i32 -> vector<256x128xi32>
    %select_n3A_779 = arith.select %eq3A_769, %roll3A_776, %roll3A_778 : vector<256x128xi1>, vector<256x128xi32>
    %gt3A_780 = arith.cmpf ogt, %select_n3A_762, %select_n3A_774 : vector<256x128xf32>
    %eq3A_781 = arith.cmpf oeq, %select_n3A_762, %select_n3A_774 : vector<256x128xf32>
    %lt3A_782 = arith.cmpi slt, %select_n3A_763, %select_n3A_779 : vector<256x128xi32>
    %and3A_783 = arith.andi %eq3A_781, %lt3A_782 : vector<256x128xi1>
    %or3A_784 = arith.ori %gt3A_780, %and3A_783 : vector<256x128xi1>
    %eq3A_785 = arith.xori %eq3A_734, %eq3A_769 : vector<256x128xi1>
    %eq3A_786 = arith.constant dense<true> : vector<256x128xi1>
    %eq3A_787 = arith.xori %eq3A_785, %eq3A_786 : vector<256x128xi1>
    %eq3A_788 = arith.xori %or3A_784, %eq3A_787 : vector<256x128xi1>
    %eq3A_789 = arith.constant dense<true> : vector<256x128xi1>
    %eq3A_790 = arith.xori %eq3A_788, %eq3A_789 : vector<256x128xi1>
    %select_n3A_791 = arith.select %eq3A_790, %select_n3A_762, %select_n3A_774 : vector<256x128xi1>, vector<256x128xf32>
    %select_n3A_792 = arith.select %eq3A_790, %select_n3A_763, %select_n3A_779 : vector<256x128xi1>, vector<256x128xi32>
    %and3A_793 = arith.constant 16 : i32
    %and3A_794 = vector.broadcast %and3A_793 : i32 to vector<256x128xi32>
    %and3A_795 = arith.andi %add3A_83, %and3A_794 : vector<256x128xi32>
    %eq3A_796 = arith.constant 0 : i32
    %eq3A_797 = vector.broadcast %eq3A_796 : i32 to vector<256x128xi32>
    %eq3A_798 = arith.cmpi eq, %and3A_795, %eq3A_797 : vector<256x128xi32>
    %roll3A_799 = arith.constant 112 : i32
    %roll3A_800 = tpu.dynamic_rotate %select_n3A_791 by %roll3A_799 dim 1 : vector<256x128xf32>, i32 -> vector<256x128xf32>
    %roll3A_801 = arith.constant 16 : i32
    %roll3A_802 = tpu.dynamic_rotate %select_n3A_791 by %roll3A_801 dim 1 : vector<256x128xf32>, i32 -> vector<256x128xf32>
    %select_n3A_803 = arith.select %eq3A_798, %roll3A_800, %roll3A_802 : vector<256x128xi1>, vector<256x128xf32>
    %roll3A_804 = arith.constant 112 : i32
    %roll3A_805 = tpu.dynamic_rotate %select_n3A_792 by %roll3A_804 dim 1 : vector<256x128xi32>, i32 -> vector<256x128xi32>
    %roll3A_806 = arith.constant 16 : i32
    %roll3A_807 = tpu.dynamic_rotate %select_n3A_792 by %roll3A_806 dim 1 : vector<256x128xi32>, i32 -> vector<256x128xi32>
    %select_n3A_808 = arith.select %eq3A_798, %roll3A_805, %roll3A_807 : vector<256x128xi1>, vector<256x128xi32>
    %gt3A_809 = arith.cmpf ogt, %select_n3A_791, %select_n3A_803 : vector<256x128xf32>
    %eq3A_810 = arith.cmpf oeq, %select_n3A_791, %select_n3A_803 : vector<256x128xf32>
    %lt3A_811 = arith.cmpi slt, %select_n3A_792, %select_n3A_808 : vector<256x128xi32>
    %and3A_812 = arith.andi %eq3A_810, %lt3A_811 : vector<256x128xi1>
    %or3A_813 = arith.ori %gt3A_809, %and3A_812 : vector<256x128xi1>
    %eq3A_814 = arith.xori %eq3A_734, %eq3A_798 : vector<256x128xi1>
    %eq3A_815 = arith.constant dense<true> : vector<256x128xi1>
    %eq3A_816 = arith.xori %eq3A_814, %eq3A_815 : vector<256x128xi1>
    %eq3A_817 = arith.xori %or3A_813, %eq3A_816 : vector<256x128xi1>
    %eq3A_818 = arith.constant dense<true> : vector<256x128xi1>
    %eq3A_819 = arith.xori %eq3A_817, %eq3A_818 : vector<256x128xi1>
    %select_n3A_820 = arith.select %eq3A_819, %select_n3A_791, %select_n3A_803 : vector<256x128xi1>, vector<256x128xf32>
    %select_n3A_821 = arith.select %eq3A_819, %select_n3A_792, %select_n3A_808 : vector<256x128xi1>, vector<256x128xi32>
    %and3A_822 = arith.constant 8 : i32
    %and3A_823 = vector.broadcast %and3A_822 : i32 to vector<256x128xi32>
    %and3A_824 = arith.andi %add3A_83, %and3A_823 : vector<256x128xi32>
    %eq3A_825 = arith.constant 0 : i32
    %eq3A_826 = vector.broadcast %eq3A_825 : i32 to vector<256x128xi32>
    %eq3A_827 = arith.cmpi eq, %and3A_824, %eq3A_826 : vector<256x128xi32>
    %roll3A_828 = arith.constant 120 : i32
    %roll3A_829 = tpu.dynamic_rotate %select_n3A_820 by %roll3A_828 dim 1 : vector<256x128xf32>, i32 -> vector<256x128xf32>
    %roll3A_830 = arith.constant 8 : i32
    %roll3A_831 = tpu.dynamic_rotate %select_n3A_820 by %roll3A_830 dim 1 : vector<256x128xf32>, i32 -> vector<256x128xf32>
    %select_n3A_832 = arith.select %eq3A_827, %roll3A_829, %roll3A_831 : vector<256x128xi1>, vector<256x128xf32>
    %roll3A_833 = arith.constant 120 : i32
    %roll3A_834 = tpu.dynamic_rotate %select_n3A_821 by %roll3A_833 dim 1 : vector<256x128xi32>, i32 -> vector<256x128xi32>
    %roll3A_835 = arith.constant 8 : i32
    %roll3A_836 = tpu.dynamic_rotate %select_n3A_821 by %roll3A_835 dim 1 : vector<256x128xi32>, i32 -> vector<256x128xi32>
    %select_n3A_837 = arith.select %eq3A_827, %roll3A_834, %roll3A_836 : vector<256x128xi1>, vector<256x128xi32>
    %gt3A_838 = arith.cmpf ogt, %select_n3A_820, %select_n3A_832 : vector<256x128xf32>
    %eq3A_839 = arith.cmpf oeq, %select_n3A_820, %select_n3A_832 : vector<256x128xf32>
    %lt3A_840 = arith.cmpi slt, %select_n3A_821, %select_n3A_837 : vector<256x128xi32>
    %and3A_841 = arith.andi %eq3A_839, %lt3A_840 : vector<256x128xi1>
    %or3A_842 = arith.ori %gt3A_838, %and3A_841 : vector<256x128xi1>
    %eq3A_843 = arith.xori %eq3A_734, %eq3A_827 : vector<256x128xi1>
    %eq3A_844 = arith.constant dense<true> : vector<256x128xi1>
    %eq3A_845 = arith.xori %eq3A_843, %eq3A_844 : vector<256x128xi1>
    %eq3A_846 = arith.xori %or3A_842, %eq3A_845 : vector<256x128xi1>
    %eq3A_847 = arith.constant dense<true> : vector<256x128xi1>
    %eq3A_848 = arith.xori %eq3A_846, %eq3A_847 : vector<256x128xi1>
    %select_n3A_849 = arith.select %eq3A_848, %select_n3A_820, %select_n3A_832 : vector<256x128xi1>, vector<256x128xf32>
    %select_n3A_850 = arith.select %eq3A_848, %select_n3A_821, %select_n3A_837 : vector<256x128xi1>, vector<256x128xi32>
    %and3A_851 = arith.constant 4 : i32
    %and3A_852 = vector.broadcast %and3A_851 : i32 to vector<256x128xi32>
    %and3A_853 = arith.andi %add3A_83, %and3A_852 : vector<256x128xi32>
    %eq3A_854 = arith.constant 0 : i32
    %eq3A_855 = vector.broadcast %eq3A_854 : i32 to vector<256x128xi32>
    %eq3A_856 = arith.cmpi eq, %and3A_853, %eq3A_855 : vector<256x128xi32>
    %roll3A_857 = arith.constant 124 : i32
    %roll3A_858 = tpu.dynamic_rotate %select_n3A_849 by %roll3A_857 dim 1 : vector<256x128xf32>, i32 -> vector<256x128xf32>
    %roll3A_859 = arith.constant 4 : i32
    %roll3A_860 = tpu.dynamic_rotate %select_n3A_849 by %roll3A_859 dim 1 : vector<256x128xf32>, i32 -> vector<256x128xf32>
    %select_n3A_861 = arith.select %eq3A_856, %roll3A_858, %roll3A_860 : vector<256x128xi1>, vector<256x128xf32>
    %roll3A_862 = arith.constant 124 : i32
    %roll3A_863 = tpu.dynamic_rotate %select_n3A_850 by %roll3A_862 dim 1 : vector<256x128xi32>, i32 -> vector<256x128xi32>
    %roll3A_864 = arith.constant 4 : i32
    %roll3A_865 = tpu.dynamic_rotate %select_n3A_850 by %roll3A_864 dim 1 : vector<256x128xi32>, i32 -> vector<256x128xi32>
    %select_n3A_866 = arith.select %eq3A_856, %roll3A_863, %roll3A_865 : vector<256x128xi1>, vector<256x128xi32>
    %gt3A_867 = arith.cmpf ogt, %select_n3A_849, %select_n3A_861 : vector<256x128xf32>
    %eq3A_868 = arith.cmpf oeq, %select_n3A_849, %select_n3A_861 : vector<256x128xf32>
    %lt3A_869 = arith.cmpi slt, %select_n3A_850, %select_n3A_866 : vector<256x128xi32>
    %and3A_870 = arith.andi %eq3A_868, %lt3A_869 : vector<256x128xi1>
    %or3A_871 = arith.ori %gt3A_867, %and3A_870 : vector<256x128xi1>
    %eq3A_872 = arith.xori %eq3A_734, %eq3A_856 : vector<256x128xi1>
    %eq3A_873 = arith.constant dense<true> : vector<256x128xi1>
    %eq3A_874 = arith.xori %eq3A_872, %eq3A_873 : vector<256x128xi1>
    %eq3A_875 = arith.xori %or3A_871, %eq3A_874 : vector<256x128xi1>
    %eq3A_876 = arith.constant dense<true> : vector<256x128xi1>
    %eq3A_877 = arith.xori %eq3A_875, %eq3A_876 : vector<256x128xi1>
    %select_n3A_878 = arith.select %eq3A_877, %select_n3A_849, %select_n3A_861 : vector<256x128xi1>, vector<256x128xf32>
    %select_n3A_879 = arith.select %eq3A_877, %select_n3A_850, %select_n3A_866 : vector<256x128xi1>, vector<256x128xi32>
    %and3A_880 = arith.constant 2 : i32
    %and3A_881 = vector.broadcast %and3A_880 : i32 to vector<256x128xi32>
    %and3A_882 = arith.andi %add3A_83, %and3A_881 : vector<256x128xi32>
    %eq3A_883 = arith.constant 0 : i32
    %eq3A_884 = vector.broadcast %eq3A_883 : i32 to vector<256x128xi32>
    %eq3A_885 = arith.cmpi eq, %and3A_882, %eq3A_884 : vector<256x128xi32>
    %roll3A_886 = arith.constant 126 : i32
    %roll3A_887 = tpu.dynamic_rotate %select_n3A_878 by %roll3A_886 dim 1 : vector<256x128xf32>, i32 -> vector<256x128xf32>
    %roll3A_888 = arith.constant 2 : i32
    %roll3A_889 = tpu.dynamic_rotate %select_n3A_878 by %roll3A_888 dim 1 : vector<256x128xf32>, i32 -> vector<256x128xf32>
    %select_n3A_890 = arith.select %eq3A_885, %roll3A_887, %roll3A_889 : vector<256x128xi1>, vector<256x128xf32>
    %roll3A_891 = arith.constant 126 : i32
    %roll3A_892 = tpu.dynamic_rotate %select_n3A_879 by %roll3A_891 dim 1 : vector<256x128xi32>, i32 -> vector<256x128xi32>
    %roll3A_893 = arith.constant 2 : i32
    %roll3A_894 = tpu.dynamic_rotate %select_n3A_879 by %roll3A_893 dim 1 : vector<256x128xi32>, i32 -> vector<256x128xi32>
    %select_n3A_895 = arith.select %eq3A_885, %roll3A_892, %roll3A_894 : vector<256x128xi1>, vector<256x128xi32>
    %gt3A_896 = arith.cmpf ogt, %select_n3A_878, %select_n3A_890 : vector<256x128xf32>
    %eq3A_897 = arith.cmpf oeq, %select_n3A_878, %select_n3A_890 : vector<256x128xf32>
    %lt3A_898 = arith.cmpi slt, %select_n3A_879, %select_n3A_895 : vector<256x128xi32>
    %and3A_899 = arith.andi %eq3A_897, %lt3A_898 : vector<256x128xi1>
    %or3A_900 = arith.ori %gt3A_896, %and3A_899 : vector<256x128xi1>
    %eq3A_901 = arith.xori %eq3A_734, %eq3A_885 : vector<256x128xi1>
    %eq3A_902 = arith.constant dense<true> : vector<256x128xi1>
    %eq3A_903 = arith.xori %eq3A_901, %eq3A_902 : vector<256x128xi1>
    %eq3A_904 = arith.xori %or3A_900, %eq3A_903 : vector<256x128xi1>
    %eq3A_905 = arith.constant dense<true> : vector<256x128xi1>
    %eq3A_906 = arith.xori %eq3A_904, %eq3A_905 : vector<256x128xi1>
    %select_n3A_907 = arith.select %eq3A_906, %select_n3A_878, %select_n3A_890 : vector<256x128xi1>, vector<256x128xf32>
    %select_n3A_908 = arith.select %eq3A_906, %select_n3A_879, %select_n3A_895 : vector<256x128xi1>, vector<256x128xi32>
    %and3A_909 = arith.constant 1 : i32
    %and3A_910 = vector.broadcast %and3A_909 : i32 to vector<256x128xi32>
    %and3A_911 = arith.andi %add3A_83, %and3A_910 : vector<256x128xi32>
    %eq3A_912 = arith.constant 0 : i32
    %eq3A_913 = vector.broadcast %eq3A_912 : i32 to vector<256x128xi32>
    %eq3A_914 = arith.cmpi eq, %and3A_911, %eq3A_913 : vector<256x128xi32>
    %roll3A_915 = arith.constant 127 : i32
    %roll3A_916 = tpu.dynamic_rotate %select_n3A_907 by %roll3A_915 dim 1 : vector<256x128xf32>, i32 -> vector<256x128xf32>
    %roll3A_917 = arith.constant 1 : i32
    %roll3A_918 = tpu.dynamic_rotate %select_n3A_907 by %roll3A_917 dim 1 : vector<256x128xf32>, i32 -> vector<256x128xf32>
    %select_n3A_919 = arith.select %eq3A_914, %roll3A_916, %roll3A_918 : vector<256x128xi1>, vector<256x128xf32>
    %roll3A_920 = arith.constant 127 : i32
    %roll3A_921 = tpu.dynamic_rotate %select_n3A_908 by %roll3A_920 dim 1 : vector<256x128xi32>, i32 -> vector<256x128xi32>
    %roll3A_922 = arith.constant 1 : i32
    %roll3A_923 = tpu.dynamic_rotate %select_n3A_908 by %roll3A_922 dim 1 : vector<256x128xi32>, i32 -> vector<256x128xi32>
    %select_n3A_924 = arith.select %eq3A_914, %roll3A_921, %roll3A_923 : vector<256x128xi1>, vector<256x128xi32>
    %gt3A_925 = arith.cmpf ogt, %select_n3A_907, %select_n3A_919 : vector<256x128xf32>
    %eq3A_926 = arith.cmpf oeq, %select_n3A_907, %select_n3A_919 : vector<256x128xf32>
    %lt3A_927 = arith.cmpi slt, %select_n3A_908, %select_n3A_924 : vector<256x128xi32>
    %and3A_928 = arith.andi %eq3A_926, %lt3A_927 : vector<256x128xi1>
    %or3A_929 = arith.ori %gt3A_925, %and3A_928 : vector<256x128xi1>
    %eq3A_930 = arith.xori %eq3A_734, %eq3A_914 : vector<256x128xi1>
    %eq3A_931 = arith.constant dense<true> : vector<256x128xi1>
    %eq3A_932 = arith.xori %eq3A_930, %eq3A_931 : vector<256x128xi1>
    %eq3A_933 = arith.xori %or3A_929, %eq3A_932 : vector<256x128xi1>
    %eq3A_934 = arith.constant dense<true> : vector<256x128xi1>
    %eq3A_935 = arith.xori %eq3A_933, %eq3A_934 : vector<256x128xi1>
    %select_n3A_936 = arith.select %eq3A_935, %select_n3A_907, %select_n3A_919 : vector<256x128xi1>, vector<256x128xf32>
    %select_n3A_937 = arith.select %eq3A_935, %select_n3A_908, %select_n3A_924 : vector<256x128xi1>, vector<256x128xi32>
    %and3A_938 = arith.constant 256 : i32
    %and3A_939 = vector.broadcast %and3A_938 : i32 to vector<256x128xi32>
    %and3A_940 = arith.andi %add3A_83, %and3A_939 : vector<256x128xi32>
    %eq3A_941 = arith.constant 0 : i32
    %eq3A_942 = vector.broadcast %eq3A_941 : i32 to vector<256x128xi32>
    %eq3A_943 = arith.cmpi eq, %and3A_940, %eq3A_942 : vector<256x128xi32>
    %and3A_944 = arith.constant 128 : i32
    %and3A_945 = vector.broadcast %and3A_944 : i32 to vector<256x128xi32>
    %and3A_946 = arith.andi %add3A_83, %and3A_945 : vector<256x128xi32>
    %eq3A_947 = arith.constant 0 : i32
    %eq3A_948 = vector.broadcast %eq3A_947 : i32 to vector<256x128xi32>
    %eq3A_949 = arith.cmpi eq, %and3A_946, %eq3A_948 : vector<256x128xi32>
    %roll3A_950 = arith.constant 255 : i32
    %roll3A_951 = tpu.dynamic_rotate %select_n3A_936 by %roll3A_950 dim 0 : vector<256x128xf32>, i32 -> vector<256x128xf32>
    %roll3A_952 = arith.constant 1 : i32
    %roll3A_953 = tpu.dynamic_rotate %select_n3A_936 by %roll3A_952 dim 0 : vector<256x128xf32>, i32 -> vector<256x128xf32>
    %select_n3A_954 = arith.select %eq3A_949, %roll3A_951, %roll3A_953 : vector<256x128xi1>, vector<256x128xf32>
    %roll3A_955 = arith.constant 255 : i32
    %roll3A_956 = tpu.dynamic_rotate %select_n3A_937 by %roll3A_955 dim 0 : vector<256x128xi32>, i32 -> vector<256x128xi32>
    %roll3A_957 = arith.constant 1 : i32
    %roll3A_958 = tpu.dynamic_rotate %select_n3A_937 by %roll3A_957 dim 0 : vector<256x128xi32>, i32 -> vector<256x128xi32>
    %select_n3A_959 = arith.select %eq3A_949, %roll3A_956, %roll3A_958 : vector<256x128xi1>, vector<256x128xi32>
    %gt3A_960 = arith.cmpf ogt, %select_n3A_936, %select_n3A_954 : vector<256x128xf32>
    %eq3A_961 = arith.cmpf oeq, %select_n3A_936, %select_n3A_954 : vector<256x128xf32>
    %lt3A_962 = arith.cmpi slt, %select_n3A_937, %select_n3A_959 : vector<256x128xi32>
    %and3A_963 = arith.andi %eq3A_961, %lt3A_962 : vector<256x128xi1>
    %or3A_964 = arith.ori %gt3A_960, %and3A_963 : vector<256x128xi1>
    %eq3A_965 = arith.xori %eq3A_943, %eq3A_949 : vector<256x128xi1>
    %eq3A_966 = arith.constant dense<true> : vector<256x128xi1>
    %eq3A_967 = arith.xori %eq3A_965, %eq3A_966 : vector<256x128xi1>
    %eq3A_968 = arith.xori %or3A_964, %eq3A_967 : vector<256x128xi1>
    %eq3A_969 = arith.constant dense<true> : vector<256x128xi1>
    %eq3A_970 = arith.xori %eq3A_968, %eq3A_969 : vector<256x128xi1>
    %select_n3A_971 = arith.select %eq3A_970, %select_n3A_936, %select_n3A_954 : vector<256x128xi1>, vector<256x128xf32>
    %select_n3A_972 = arith.select %eq3A_970, %select_n3A_937, %select_n3A_959 : vector<256x128xi1>, vector<256x128xi32>
    %and3A_973 = arith.constant 64 : i32
    %and3A_974 = vector.broadcast %and3A_973 : i32 to vector<256x128xi32>
    %and3A_975 = arith.andi %add3A_83, %and3A_974 : vector<256x128xi32>
    %eq3A_976 = arith.constant 0 : i32
    %eq3A_977 = vector.broadcast %eq3A_976 : i32 to vector<256x128xi32>
    %eq3A_978 = arith.cmpi eq, %and3A_975, %eq3A_977 : vector<256x128xi32>
    %roll3A_979 = arith.constant 64 : i32
    %roll3A_980 = tpu.dynamic_rotate %select_n3A_971 by %roll3A_979 dim 1 : vector<256x128xf32>, i32 -> vector<256x128xf32>
    %roll3A_981 = arith.constant 64 : i32
    %roll3A_982 = tpu.dynamic_rotate %select_n3A_971 by %roll3A_981 dim 1 : vector<256x128xf32>, i32 -> vector<256x128xf32>
    %select_n3A_983 = arith.select %eq3A_978, %roll3A_980, %roll3A_982 : vector<256x128xi1>, vector<256x128xf32>
    %roll3A_984 = arith.constant 64 : i32
    %roll3A_985 = tpu.dynamic_rotate %select_n3A_972 by %roll3A_984 dim 1 : vector<256x128xi32>, i32 -> vector<256x128xi32>
    %roll3A_986 = arith.constant 64 : i32
    %roll3A_987 = tpu.dynamic_rotate %select_n3A_972 by %roll3A_986 dim 1 : vector<256x128xi32>, i32 -> vector<256x128xi32>
    %select_n3A_988 = arith.select %eq3A_978, %roll3A_985, %roll3A_987 : vector<256x128xi1>, vector<256x128xi32>
    %gt3A_989 = arith.cmpf ogt, %select_n3A_971, %select_n3A_983 : vector<256x128xf32>
    %eq3A_990 = arith.cmpf oeq, %select_n3A_971, %select_n3A_983 : vector<256x128xf32>
    %lt3A_991 = arith.cmpi slt, %select_n3A_972, %select_n3A_988 : vector<256x128xi32>
    %and3A_992 = arith.andi %eq3A_990, %lt3A_991 : vector<256x128xi1>
    %or3A_993 = arith.ori %gt3A_989, %and3A_992 : vector<256x128xi1>
    %eq3A_994 = arith.xori %eq3A_943, %eq3A_978 : vector<256x128xi1>
    %eq3A_995 = arith.constant dense<true> : vector<256x128xi1>
    %eq3A_996 = arith.xori %eq3A_994, %eq3A_995 : vector<256x128xi1>
    %eq3A_997 = arith.xori %or3A_993, %eq3A_996 : vector<256x128xi1>
    %eq3A_998 = arith.constant dense<true> : vector<256x128xi1>
    %eq3A_999 = arith.xori %eq3A_997, %eq3A_998 : vector<256x128xi1>
    %select_n3A_1000 = arith.select %eq3A_999, %select_n3A_971, %select_n3A_983 : vector<256x128xi1>, vector<256x128xf32>
    %select_n3A_1001 = arith.select %eq3A_999, %select_n3A_972, %select_n3A_988 : vector<256x128xi1>, vector<256x128xi32>
    %and3A_1002 = arith.constant 32 : i32
    %and3A_1003 = vector.broadcast %and3A_1002 : i32 to vector<256x128xi32>
    %and3A_1004 = arith.andi %add3A_83, %and3A_1003 : vector<256x128xi32>
    %eq3A_1005 = arith.constant 0 : i32
    %eq3A_1006 = vector.broadcast %eq3A_1005 : i32 to vector<256x128xi32>
    %eq3A_1007 = arith.cmpi eq, %and3A_1004, %eq3A_1006 : vector<256x128xi32>
    %roll3A_1008 = arith.constant 96 : i32
    %roll3A_1009 = tpu.dynamic_rotate %select_n3A_1000 by %roll3A_1008 dim 1 : vector<256x128xf32>, i32 -> vector<256x128xf32>
    %roll3A_1010 = arith.constant 32 : i32
    %roll3A_1011 = tpu.dynamic_rotate %select_n3A_1000 by %roll3A_1010 dim 1 : vector<256x128xf32>, i32 -> vector<256x128xf32>
    %select_n3A_1012 = arith.select %eq3A_1007, %roll3A_1009, %roll3A_1011 : vector<256x128xi1>, vector<256x128xf32>
    %roll3A_1013 = arith.constant 96 : i32
    %roll3A_1014 = tpu.dynamic_rotate %select_n3A_1001 by %roll3A_1013 dim 1 : vector<256x128xi32>, i32 -> vector<256x128xi32>
    %roll3A_1015 = arith.constant 32 : i32
    %roll3A_1016 = tpu.dynamic_rotate %select_n3A_1001 by %roll3A_1015 dim 1 : vector<256x128xi32>, i32 -> vector<256x128xi32>
    %select_n3A_1017 = arith.select %eq3A_1007, %roll3A_1014, %roll3A_1016 : vector<256x128xi1>, vector<256x128xi32>
    %gt3A_1018 = arith.cmpf ogt, %select_n3A_1000, %select_n3A_1012 : vector<256x128xf32>
    %eq3A_1019 = arith.cmpf oeq, %select_n3A_1000, %select_n3A_1012 : vector<256x128xf32>
    %lt3A_1020 = arith.cmpi slt, %select_n3A_1001, %select_n3A_1017 : vector<256x128xi32>
    %and3A_1021 = arith.andi %eq3A_1019, %lt3A_1020 : vector<256x128xi1>
    %or3A_1022 = arith.ori %gt3A_1018, %and3A_1021 : vector<256x128xi1>
    %eq3A_1023 = arith.xori %eq3A_943, %eq3A_1007 : vector<256x128xi1>
    %eq3A_1024 = arith.constant dense<true> : vector<256x128xi1>
    %eq3A_1025 = arith.xori %eq3A_1023, %eq3A_1024 : vector<256x128xi1>
    %eq3A_1026 = arith.xori %or3A_1022, %eq3A_1025 : vector<256x128xi1>
    %eq3A_1027 = arith.constant dense<true> : vector<256x128xi1>
    %eq3A_1028 = arith.xori %eq3A_1026, %eq3A_1027 : vector<256x128xi1>
    %select_n3A_1029 = arith.select %eq3A_1028, %select_n3A_1000, %select_n3A_1012 : vector<256x128xi1>, vector<256x128xf32>
    %select_n3A_1030 = arith.select %eq3A_1028, %select_n3A_1001, %select_n3A_1017 : vector<256x128xi1>, vector<256x128xi32>
    %and3A_1031 = arith.constant 16 : i32
    %and3A_1032 = vector.broadcast %and3A_1031 : i32 to vector<256x128xi32>
    %and3A_1033 = arith.andi %add3A_83, %and3A_1032 : vector<256x128xi32>
    %eq3A_1034 = arith.constant 0 : i32
    %eq3A_1035 = vector.broadcast %eq3A_1034 : i32 to vector<256x128xi32>
    %eq3A_1036 = arith.cmpi eq, %and3A_1033, %eq3A_1035 : vector<256x128xi32>
    %roll3A_1037 = arith.constant 112 : i32
    %roll3A_1038 = tpu.dynamic_rotate %select_n3A_1029 by %roll3A_1037 dim 1 : vector<256x128xf32>, i32 -> vector<256x128xf32>
    %roll3A_1039 = arith.constant 16 : i32
    %roll3A_1040 = tpu.dynamic_rotate %select_n3A_1029 by %roll3A_1039 dim 1 : vector<256x128xf32>, i32 -> vector<256x128xf32>
    %select_n3A_1041 = arith.select %eq3A_1036, %roll3A_1038, %roll3A_1040 : vector<256x128xi1>, vector<256x128xf32>
    %roll3A_1042 = arith.constant 112 : i32
    %roll3A_1043 = tpu.dynamic_rotate %select_n3A_1030 by %roll3A_1042 dim 1 : vector<256x128xi32>, i32 -> vector<256x128xi32>
    %roll3A_1044 = arith.constant 16 : i32
    %roll3A_1045 = tpu.dynamic_rotate %select_n3A_1030 by %roll3A_1044 dim 1 : vector<256x128xi32>, i32 -> vector<256x128xi32>
    %select_n3A_1046 = arith.select %eq3A_1036, %roll3A_1043, %roll3A_1045 : vector<256x128xi1>, vector<256x128xi32>
    %gt3A_1047 = arith.cmpf ogt, %select_n3A_1029, %select_n3A_1041 : vector<256x128xf32>
    %eq3A_1048 = arith.cmpf oeq, %select_n3A_1029, %select_n3A_1041 : vector<256x128xf32>
    %lt3A_1049 = arith.cmpi slt, %select_n3A_1030, %select_n3A_1046 : vector<256x128xi32>
    %and3A_1050 = arith.andi %eq3A_1048, %lt3A_1049 : vector<256x128xi1>
    %or3A_1051 = arith.ori %gt3A_1047, %and3A_1050 : vector<256x128xi1>
    %eq3A_1052 = arith.xori %eq3A_943, %eq3A_1036 : vector<256x128xi1>
    %eq3A_1053 = arith.constant dense<true> : vector<256x128xi1>
    %eq3A_1054 = arith.xori %eq3A_1052, %eq3A_1053 : vector<256x128xi1>
    %eq3A_1055 = arith.xori %or3A_1051, %eq3A_1054 : vector<256x128xi1>
    %eq3A_1056 = arith.constant dense<true> : vector<256x128xi1>
    %eq3A_1057 = arith.xori %eq3A_1055, %eq3A_1056 : vector<256x128xi1>
    %select_n3A_1058 = arith.select %eq3A_1057, %select_n3A_1029, %select_n3A_1041 : vector<256x128xi1>, vector<256x128xf32>
    %select_n3A_1059 = arith.select %eq3A_1057, %select_n3A_1030, %select_n3A_1046 : vector<256x128xi1>, vector<256x128xi32>
    %and3A_1060 = arith.constant 8 : i32
    %and3A_1061 = vector.broadcast %and3A_1060 : i32 to vector<256x128xi32>
    %and3A_1062 = arith.andi %add3A_83, %and3A_1061 : vector<256x128xi32>
    %eq3A_1063 = arith.constant 0 : i32
    %eq3A_1064 = vector.broadcast %eq3A_1063 : i32 to vector<256x128xi32>
    %eq3A_1065 = arith.cmpi eq, %and3A_1062, %eq3A_1064 : vector<256x128xi32>
    %roll3A_1066 = arith.constant 120 : i32
    %roll3A_1067 = tpu.dynamic_rotate %select_n3A_1058 by %roll3A_1066 dim 1 : vector<256x128xf32>, i32 -> vector<256x128xf32>
    %roll3A_1068 = arith.constant 8 : i32
    %roll3A_1069 = tpu.dynamic_rotate %select_n3A_1058 by %roll3A_1068 dim 1 : vector<256x128xf32>, i32 -> vector<256x128xf32>
    %select_n3A_1070 = arith.select %eq3A_1065, %roll3A_1067, %roll3A_1069 : vector<256x128xi1>, vector<256x128xf32>
    %roll3A_1071 = arith.constant 120 : i32
    %roll3A_1072 = tpu.dynamic_rotate %select_n3A_1059 by %roll3A_1071 dim 1 : vector<256x128xi32>, i32 -> vector<256x128xi32>
    %roll3A_1073 = arith.constant 8 : i32
    %roll3A_1074 = tpu.dynamic_rotate %select_n3A_1059 by %roll3A_1073 dim 1 : vector<256x128xi32>, i32 -> vector<256x128xi32>
    %select_n3A_1075 = arith.select %eq3A_1065, %roll3A_1072, %roll3A_1074 : vector<256x128xi1>, vector<256x128xi32>
    %gt3A_1076 = arith.cmpf ogt, %select_n3A_1058, %select_n3A_1070 : vector<256x128xf32>
    %eq3A_1077 = arith.cmpf oeq, %select_n3A_1058, %select_n3A_1070 : vector<256x128xf32>
    %lt3A_1078 = arith.cmpi slt, %select_n3A_1059, %select_n3A_1075 : vector<256x128xi32>
    %and3A_1079 = arith.andi %eq3A_1077, %lt3A_1078 : vector<256x128xi1>
    %or3A_1080 = arith.ori %gt3A_1076, %and3A_1079 : vector<256x128xi1>
    %eq3A_1081 = arith.xori %eq3A_943, %eq3A_1065 : vector<256x128xi1>
    %eq3A_1082 = arith.constant dense<true> : vector<256x128xi1>
    %eq3A_1083 = arith.xori %eq3A_1081, %eq3A_1082 : vector<256x128xi1>
    %eq3A_1084 = arith.xori %or3A_1080, %eq3A_1083 : vector<256x128xi1>
    %eq3A_1085 = arith.constant dense<true> : vector<256x128xi1>
    %eq3A_1086 = arith.xori %eq3A_1084, %eq3A_1085 : vector<256x128xi1>
    %select_n3A_1087 = arith.select %eq3A_1086, %select_n3A_1058, %select_n3A_1070 : vector<256x128xi1>, vector<256x128xf32>
    %select_n3A_1088 = arith.select %eq3A_1086, %select_n3A_1059, %select_n3A_1075 : vector<256x128xi1>, vector<256x128xi32>
    %and3A_1089 = arith.constant 4 : i32
    %and3A_1090 = vector.broadcast %and3A_1089 : i32 to vector<256x128xi32>
    %and3A_1091 = arith.andi %add3A_83, %and3A_1090 : vector<256x128xi32>
    %eq3A_1092 = arith.constant 0 : i32
    %eq3A_1093 = vector.broadcast %eq3A_1092 : i32 to vector<256x128xi32>
    %eq3A_1094 = arith.cmpi eq, %and3A_1091, %eq3A_1093 : vector<256x128xi32>
    %roll3A_1095 = arith.constant 124 : i32
    %roll3A_1096 = tpu.dynamic_rotate %select_n3A_1087 by %roll3A_1095 dim 1 : vector<256x128xf32>, i32 -> vector<256x128xf32>
    %roll3A_1097 = arith.constant 4 : i32
    %roll3A_1098 = tpu.dynamic_rotate %select_n3A_1087 by %roll3A_1097 dim 1 : vector<256x128xf32>, i32 -> vector<256x128xf32>
    %select_n3A_1099 = arith.select %eq3A_1094, %roll3A_1096, %roll3A_1098 : vector<256x128xi1>, vector<256x128xf32>
    %roll3A_1100 = arith.constant 124 : i32
    %roll3A_1101 = tpu.dynamic_rotate %select_n3A_1088 by %roll3A_1100 dim 1 : vector<256x128xi32>, i32 -> vector<256x128xi32>
    %roll3A_1102 = arith.constant 4 : i32
    %roll3A_1103 = tpu.dynamic_rotate %select_n3A_1088 by %roll3A_1102 dim 1 : vector<256x128xi32>, i32 -> vector<256x128xi32>
    %select_n3A_1104 = arith.select %eq3A_1094, %roll3A_1101, %roll3A_1103 : vector<256x128xi1>, vector<256x128xi32>
    %gt3A_1105 = arith.cmpf ogt, %select_n3A_1087, %select_n3A_1099 : vector<256x128xf32>
    %eq3A_1106 = arith.cmpf oeq, %select_n3A_1087, %select_n3A_1099 : vector<256x128xf32>
    %lt3A_1107 = arith.cmpi slt, %select_n3A_1088, %select_n3A_1104 : vector<256x128xi32>
    %and3A_1108 = arith.andi %eq3A_1106, %lt3A_1107 : vector<256x128xi1>
    %or3A_1109 = arith.ori %gt3A_1105, %and3A_1108 : vector<256x128xi1>
    %eq3A_1110 = arith.xori %eq3A_943, %eq3A_1094 : vector<256x128xi1>
    %eq3A_1111 = arith.constant dense<true> : vector<256x128xi1>
    %eq3A_1112 = arith.xori %eq3A_1110, %eq3A_1111 : vector<256x128xi1>
    %eq3A_1113 = arith.xori %or3A_1109, %eq3A_1112 : vector<256x128xi1>
    %eq3A_1114 = arith.constant dense<true> : vector<256x128xi1>
    %eq3A_1115 = arith.xori %eq3A_1113, %eq3A_1114 : vector<256x128xi1>
    %select_n3A_1116 = arith.select %eq3A_1115, %select_n3A_1087, %select_n3A_1099 : vector<256x128xi1>, vector<256x128xf32>
    %select_n3A_1117 = arith.select %eq3A_1115, %select_n3A_1088, %select_n3A_1104 : vector<256x128xi1>, vector<256x128xi32>
    %and3A_1118 = arith.constant 2 : i32
    %and3A_1119 = vector.broadcast %and3A_1118 : i32 to vector<256x128xi32>
    %and3A_1120 = arith.andi %add3A_83, %and3A_1119 : vector<256x128xi32>
    %eq3A_1121 = arith.constant 0 : i32
    %eq3A_1122 = vector.broadcast %eq3A_1121 : i32 to vector<256x128xi32>
    %eq3A_1123 = arith.cmpi eq, %and3A_1120, %eq3A_1122 : vector<256x128xi32>
    %roll3A_1124 = arith.constant 126 : i32
    %roll3A_1125 = tpu.dynamic_rotate %select_n3A_1116 by %roll3A_1124 dim 1 : vector<256x128xf32>, i32 -> vector<256x128xf32>
    %roll3A_1126 = arith.constant 2 : i32
    %roll3A_1127 = tpu.dynamic_rotate %select_n3A_1116 by %roll3A_1126 dim 1 : vector<256x128xf32>, i32 -> vector<256x128xf32>
    %select_n3A_1128 = arith.select %eq3A_1123, %roll3A_1125, %roll3A_1127 : vector<256x128xi1>, vector<256x128xf32>
    %roll3A_1129 = arith.constant 126 : i32
    %roll3A_1130 = tpu.dynamic_rotate %select_n3A_1117 by %roll3A_1129 dim 1 : vector<256x128xi32>, i32 -> vector<256x128xi32>
    %roll3A_1131 = arith.constant 2 : i32
    %roll3A_1132 = tpu.dynamic_rotate %select_n3A_1117 by %roll3A_1131 dim 1 : vector<256x128xi32>, i32 -> vector<256x128xi32>
    %select_n3A_1133 = arith.select %eq3A_1123, %roll3A_1130, %roll3A_1132 : vector<256x128xi1>, vector<256x128xi32>
    %gt3A_1134 = arith.cmpf ogt, %select_n3A_1116, %select_n3A_1128 : vector<256x128xf32>
    %eq3A_1135 = arith.cmpf oeq, %select_n3A_1116, %select_n3A_1128 : vector<256x128xf32>
    %lt3A_1136 = arith.cmpi slt, %select_n3A_1117, %select_n3A_1133 : vector<256x128xi32>
    %and3A_1137 = arith.andi %eq3A_1135, %lt3A_1136 : vector<256x128xi1>
    %or3A_1138 = arith.ori %gt3A_1134, %and3A_1137 : vector<256x128xi1>
    %eq3A_1139 = arith.xori %eq3A_943, %eq3A_1123 : vector<256x128xi1>
    %eq3A_1140 = arith.constant dense<true> : vector<256x128xi1>
    %eq3A_1141 = arith.xori %eq3A_1139, %eq3A_1140 : vector<256x128xi1>
    %eq3A_1142 = arith.xori %or3A_1138, %eq3A_1141 : vector<256x128xi1>
    %eq3A_1143 = arith.constant dense<true> : vector<256x128xi1>
    %eq3A_1144 = arith.xori %eq3A_1142, %eq3A_1143 : vector<256x128xi1>
    %select_n3A_1145 = arith.select %eq3A_1144, %select_n3A_1116, %select_n3A_1128 : vector<256x128xi1>, vector<256x128xf32>
    %select_n3A_1146 = arith.select %eq3A_1144, %select_n3A_1117, %select_n3A_1133 : vector<256x128xi1>, vector<256x128xi32>
    %and3A_1147 = arith.constant 1 : i32
    %and3A_1148 = vector.broadcast %and3A_1147 : i32 to vector<256x128xi32>
    %and3A_1149 = arith.andi %add3A_83, %and3A_1148 : vector<256x128xi32>
    %eq3A_1150 = arith.constant 0 : i32
    %eq3A_1151 = vector.broadcast %eq3A_1150 : i32 to vector<256x128xi32>
    %eq3A_1152 = arith.cmpi eq, %and3A_1149, %eq3A_1151 : vector<256x128xi32>
    %roll3A_1153 = arith.constant 127 : i32
    %roll3A_1154 = tpu.dynamic_rotate %select_n3A_1145 by %roll3A_1153 dim 1 : vector<256x128xf32>, i32 -> vector<256x128xf32>
    %roll3A_1155 = arith.constant 1 : i32
    %roll3A_1156 = tpu.dynamic_rotate %select_n3A_1145 by %roll3A_1155 dim 1 : vector<256x128xf32>, i32 -> vector<256x128xf32>
    %select_n3A_1157 = arith.select %eq3A_1152, %roll3A_1154, %roll3A_1156 : vector<256x128xi1>, vector<256x128xf32>
    %roll3A_1158 = arith.constant 127 : i32
    %roll3A_1159 = tpu.dynamic_rotate %select_n3A_1146 by %roll3A_1158 dim 1 : vector<256x128xi32>, i32 -> vector<256x128xi32>
    %roll3A_1160 = arith.constant 1 : i32
    %roll3A_1161 = tpu.dynamic_rotate %select_n3A_1146 by %roll3A_1160 dim 1 : vector<256x128xi32>, i32 -> vector<256x128xi32>
    %select_n3A_1162 = arith.select %eq3A_1152, %roll3A_1159, %roll3A_1161 : vector<256x128xi1>, vector<256x128xi32>
    %gt3A_1163 = arith.cmpf ogt, %select_n3A_1145, %select_n3A_1157 : vector<256x128xf32>
    %eq3A_1164 = arith.cmpf oeq, %select_n3A_1145, %select_n3A_1157 : vector<256x128xf32>
    %lt3A_1165 = arith.cmpi slt, %select_n3A_1146, %select_n3A_1162 : vector<256x128xi32>
    %and3A_1166 = arith.andi %eq3A_1164, %lt3A_1165 : vector<256x128xi1>
    %or3A_1167 = arith.ori %gt3A_1163, %and3A_1166 : vector<256x128xi1>
    %eq3A_1168 = arith.xori %eq3A_943, %eq3A_1152 : vector<256x128xi1>
    %eq3A_1169 = arith.constant dense<true> : vector<256x128xi1>
    %eq3A_1170 = arith.xori %eq3A_1168, %eq3A_1169 : vector<256x128xi1>
    %eq3A_1171 = arith.xori %or3A_1167, %eq3A_1170 : vector<256x128xi1>
    %eq3A_1172 = arith.constant dense<true> : vector<256x128xi1>
    %eq3A_1173 = arith.xori %eq3A_1171, %eq3A_1172 : vector<256x128xi1>
    %select_n3A_1174 = arith.select %eq3A_1173, %select_n3A_1145, %select_n3A_1157 : vector<256x128xi1>, vector<256x128xf32>
    %select_n3A_1175 = arith.select %eq3A_1173, %select_n3A_1146, %select_n3A_1162 : vector<256x128xi1>, vector<256x128xi32>
    %and3A_1176 = arith.constant 512 : i32
    %and3A_1177 = vector.broadcast %and3A_1176 : i32 to vector<256x128xi32>
    %and3A_1178 = arith.andi %add3A_83, %and3A_1177 : vector<256x128xi32>
    %eq3A_1179 = arith.constant 0 : i32
    %eq3A_1180 = vector.broadcast %eq3A_1179 : i32 to vector<256x128xi32>
    %eq3A_1181 = arith.cmpi eq, %and3A_1178, %eq3A_1180 : vector<256x128xi32>
    %and3A_1182 = arith.constant 256 : i32
    %and3A_1183 = vector.broadcast %and3A_1182 : i32 to vector<256x128xi32>
    %and3A_1184 = arith.andi %add3A_83, %and3A_1183 : vector<256x128xi32>
    %eq3A_1185 = arith.constant 0 : i32
    %eq3A_1186 = vector.broadcast %eq3A_1185 : i32 to vector<256x128xi32>
    %eq3A_1187 = arith.cmpi eq, %and3A_1184, %eq3A_1186 : vector<256x128xi32>
    %roll3A_1188 = arith.constant 254 : i32
    %roll3A_1189 = tpu.dynamic_rotate %select_n3A_1174 by %roll3A_1188 dim 0 : vector<256x128xf32>, i32 -> vector<256x128xf32>
    %roll3A_1190 = arith.constant 2 : i32
    %roll3A_1191 = tpu.dynamic_rotate %select_n3A_1174 by %roll3A_1190 dim 0 : vector<256x128xf32>, i32 -> vector<256x128xf32>
    %select_n3A_1192 = arith.select %eq3A_1187, %roll3A_1189, %roll3A_1191 : vector<256x128xi1>, vector<256x128xf32>
    %roll3A_1193 = arith.constant 254 : i32
    %roll3A_1194 = tpu.dynamic_rotate %select_n3A_1175 by %roll3A_1193 dim 0 : vector<256x128xi32>, i32 -> vector<256x128xi32>
    %roll3A_1195 = arith.constant 2 : i32
    %roll3A_1196 = tpu.dynamic_rotate %select_n3A_1175 by %roll3A_1195 dim 0 : vector<256x128xi32>, i32 -> vector<256x128xi32>
    %select_n3A_1197 = arith.select %eq3A_1187, %roll3A_1194, %roll3A_1196 : vector<256x128xi1>, vector<256x128xi32>
    %gt3A_1198 = arith.cmpf ogt, %select_n3A_1174, %select_n3A_1192 : vector<256x128xf32>
    %eq3A_1199 = arith.cmpf oeq, %select_n3A_1174, %select_n3A_1192 : vector<256x128xf32>
    %lt3A_1200 = arith.cmpi slt, %select_n3A_1175, %select_n3A_1197 : vector<256x128xi32>
    %and3A_1201 = arith.andi %eq3A_1199, %lt3A_1200 : vector<256x128xi1>
    %or3A_1202 = arith.ori %gt3A_1198, %and3A_1201 : vector<256x128xi1>
    %eq3A_1203 = arith.xori %eq3A_1181, %eq3A_1187 : vector<256x128xi1>
    %eq3A_1204 = arith.constant dense<true> : vector<256x128xi1>
    %eq3A_1205 = arith.xori %eq3A_1203, %eq3A_1204 : vector<256x128xi1>
    %eq3A_1206 = arith.xori %or3A_1202, %eq3A_1205 : vector<256x128xi1>
    %eq3A_1207 = arith.constant dense<true> : vector<256x128xi1>
    %eq3A_1208 = arith.xori %eq3A_1206, %eq3A_1207 : vector<256x128xi1>
    %select_n3A_1209 = arith.select %eq3A_1208, %select_n3A_1174, %select_n3A_1192 : vector<256x128xi1>, vector<256x128xf32>
    %select_n3A_1210 = arith.select %eq3A_1208, %select_n3A_1175, %select_n3A_1197 : vector<256x128xi1>, vector<256x128xi32>
    %and3A_1211 = arith.constant 128 : i32
    %and3A_1212 = vector.broadcast %and3A_1211 : i32 to vector<256x128xi32>
    %and3A_1213 = arith.andi %add3A_83, %and3A_1212 : vector<256x128xi32>
    %eq3A_1214 = arith.constant 0 : i32
    %eq3A_1215 = vector.broadcast %eq3A_1214 : i32 to vector<256x128xi32>
    %eq3A_1216 = arith.cmpi eq, %and3A_1213, %eq3A_1215 : vector<256x128xi32>
    %roll3A_1217 = arith.constant 255 : i32
    %roll3A_1218 = tpu.dynamic_rotate %select_n3A_1209 by %roll3A_1217 dim 0 : vector<256x128xf32>, i32 -> vector<256x128xf32>
    %roll3A_1219 = arith.constant 1 : i32
    %roll3A_1220 = tpu.dynamic_rotate %select_n3A_1209 by %roll3A_1219 dim 0 : vector<256x128xf32>, i32 -> vector<256x128xf32>
    %select_n3A_1221 = arith.select %eq3A_1216, %roll3A_1218, %roll3A_1220 : vector<256x128xi1>, vector<256x128xf32>
    %roll3A_1222 = arith.constant 255 : i32
    %roll3A_1223 = tpu.dynamic_rotate %select_n3A_1210 by %roll3A_1222 dim 0 : vector<256x128xi32>, i32 -> vector<256x128xi32>
    %roll3A_1224 = arith.constant 1 : i32
    %roll3A_1225 = tpu.dynamic_rotate %select_n3A_1210 by %roll3A_1224 dim 0 : vector<256x128xi32>, i32 -> vector<256x128xi32>
    %select_n3A_1226 = arith.select %eq3A_1216, %roll3A_1223, %roll3A_1225 : vector<256x128xi1>, vector<256x128xi32>
    %gt3A_1227 = arith.cmpf ogt, %select_n3A_1209, %select_n3A_1221 : vector<256x128xf32>
    %eq3A_1228 = arith.cmpf oeq, %select_n3A_1209, %select_n3A_1221 : vector<256x128xf32>
    %lt3A_1229 = arith.cmpi slt, %select_n3A_1210, %select_n3A_1226 : vector<256x128xi32>
    %and3A_1230 = arith.andi %eq3A_1228, %lt3A_1229 : vector<256x128xi1>
    %or3A_1231 = arith.ori %gt3A_1227, %and3A_1230 : vector<256x128xi1>
    %eq3A_1232 = arith.xori %eq3A_1181, %eq3A_1216 : vector<256x128xi1>
    %eq3A_1233 = arith.constant dense<true> : vector<256x128xi1>
    %eq3A_1234 = arith.xori %eq3A_1232, %eq3A_1233 : vector<256x128xi1>
    %eq3A_1235 = arith.xori %or3A_1231, %eq3A_1234 : vector<256x128xi1>
    %eq3A_1236 = arith.constant dense<true> : vector<256x128xi1>
    %eq3A_1237 = arith.xori %eq3A_1235, %eq3A_1236 : vector<256x128xi1>
    %select_n3A_1238 = arith.select %eq3A_1237, %select_n3A_1209, %select_n3A_1221 : vector<256x128xi1>, vector<256x128xf32>
    %select_n3A_1239 = arith.select %eq3A_1237, %select_n3A_1210, %select_n3A_1226 : vector<256x128xi1>, vector<256x128xi32>
    %and3A_1240 = arith.constant 64 : i32
    %and3A_1241 = vector.broadcast %and3A_1240 : i32 to vector<256x128xi32>
    %and3A_1242 = arith.andi %add3A_83, %and3A_1241 : vector<256x128xi32>
    %eq3A_1243 = arith.constant 0 : i32
    %eq3A_1244 = vector.broadcast %eq3A_1243 : i32 to vector<256x128xi32>
    %eq3A_1245 = arith.cmpi eq, %and3A_1242, %eq3A_1244 : vector<256x128xi32>
    %roll3A_1246 = arith.constant 64 : i32
    %roll3A_1247 = tpu.dynamic_rotate %select_n3A_1238 by %roll3A_1246 dim 1 : vector<256x128xf32>, i32 -> vector<256x128xf32>
    %roll3A_1248 = arith.constant 64 : i32
    %roll3A_1249 = tpu.dynamic_rotate %select_n3A_1238 by %roll3A_1248 dim 1 : vector<256x128xf32>, i32 -> vector<256x128xf32>
    %select_n3A_1250 = arith.select %eq3A_1245, %roll3A_1247, %roll3A_1249 : vector<256x128xi1>, vector<256x128xf32>
    %roll3A_1251 = arith.constant 64 : i32
    %roll3A_1252 = tpu.dynamic_rotate %select_n3A_1239 by %roll3A_1251 dim 1 : vector<256x128xi32>, i32 -> vector<256x128xi32>
    %roll3A_1253 = arith.constant 64 : i32
    %roll3A_1254 = tpu.dynamic_rotate %select_n3A_1239 by %roll3A_1253 dim 1 : vector<256x128xi32>, i32 -> vector<256x128xi32>
    %select_n3A_1255 = arith.select %eq3A_1245, %roll3A_1252, %roll3A_1254 : vector<256x128xi1>, vector<256x128xi32>
    %gt3A_1256 = arith.cmpf ogt, %select_n3A_1238, %select_n3A_1250 : vector<256x128xf32>
    %eq3A_1257 = arith.cmpf oeq, %select_n3A_1238, %select_n3A_1250 : vector<256x128xf32>
    %lt3A_1258 = arith.cmpi slt, %select_n3A_1239, %select_n3A_1255 : vector<256x128xi32>
    %and3A_1259 = arith.andi %eq3A_1257, %lt3A_1258 : vector<256x128xi1>
    %or3A_1260 = arith.ori %gt3A_1256, %and3A_1259 : vector<256x128xi1>
    %eq3A_1261 = arith.xori %eq3A_1181, %eq3A_1245 : vector<256x128xi1>
    %eq3A_1262 = arith.constant dense<true> : vector<256x128xi1>
    %eq3A_1263 = arith.xori %eq3A_1261, %eq3A_1262 : vector<256x128xi1>
    %eq3A_1264 = arith.xori %or3A_1260, %eq3A_1263 : vector<256x128xi1>
    %eq3A_1265 = arith.constant dense<true> : vector<256x128xi1>
    %eq3A_1266 = arith.xori %eq3A_1264, %eq3A_1265 : vector<256x128xi1>
    %select_n3A_1267 = arith.select %eq3A_1266, %select_n3A_1238, %select_n3A_1250 : vector<256x128xi1>, vector<256x128xf32>
    %select_n3A_1268 = arith.select %eq3A_1266, %select_n3A_1239, %select_n3A_1255 : vector<256x128xi1>, vector<256x128xi32>
    %and3A_1269 = arith.constant 32 : i32
    %and3A_1270 = vector.broadcast %and3A_1269 : i32 to vector<256x128xi32>
    %and3A_1271 = arith.andi %add3A_83, %and3A_1270 : vector<256x128xi32>
    %eq3A_1272 = arith.constant 0 : i32
    %eq3A_1273 = vector.broadcast %eq3A_1272 : i32 to vector<256x128xi32>
    %eq3A_1274 = arith.cmpi eq, %and3A_1271, %eq3A_1273 : vector<256x128xi32>
    %roll3A_1275 = arith.constant 96 : i32
    %roll3A_1276 = tpu.dynamic_rotate %select_n3A_1267 by %roll3A_1275 dim 1 : vector<256x128xf32>, i32 -> vector<256x128xf32>
    %roll3A_1277 = arith.constant 32 : i32
    %roll3A_1278 = tpu.dynamic_rotate %select_n3A_1267 by %roll3A_1277 dim 1 : vector<256x128xf32>, i32 -> vector<256x128xf32>
    %select_n3A_1279 = arith.select %eq3A_1274, %roll3A_1276, %roll3A_1278 : vector<256x128xi1>, vector<256x128xf32>
    %roll3A_1280 = arith.constant 96 : i32
    %roll3A_1281 = tpu.dynamic_rotate %select_n3A_1268 by %roll3A_1280 dim 1 : vector<256x128xi32>, i32 -> vector<256x128xi32>
    %roll3A_1282 = arith.constant 32 : i32
    %roll3A_1283 = tpu.dynamic_rotate %select_n3A_1268 by %roll3A_1282 dim 1 : vector<256x128xi32>, i32 -> vector<256x128xi32>
    %select_n3A_1284 = arith.select %eq3A_1274, %roll3A_1281, %roll3A_1283 : vector<256x128xi1>, vector<256x128xi32>
    %gt3A_1285 = arith.cmpf ogt, %select_n3A_1267, %select_n3A_1279 : vector<256x128xf32>
    %eq3A_1286 = arith.cmpf oeq, %select_n3A_1267, %select_n3A_1279 : vector<256x128xf32>
    %lt3A_1287 = arith.cmpi slt, %select_n3A_1268, %select_n3A_1284 : vector<256x128xi32>
    %and3A_1288 = arith.andi %eq3A_1286, %lt3A_1287 : vector<256x128xi1>
    %or3A_1289 = arith.ori %gt3A_1285, %and3A_1288 : vector<256x128xi1>
    %eq3A_1290 = arith.xori %eq3A_1181, %eq3A_1274 : vector<256x128xi1>
    %eq3A_1291 = arith.constant dense<true> : vector<256x128xi1>
    %eq3A_1292 = arith.xori %eq3A_1290, %eq3A_1291 : vector<256x128xi1>
    %eq3A_1293 = arith.xori %or3A_1289, %eq3A_1292 : vector<256x128xi1>
    %eq3A_1294 = arith.constant dense<true> : vector<256x128xi1>
    %eq3A_1295 = arith.xori %eq3A_1293, %eq3A_1294 : vector<256x128xi1>
    %select_n3A_1296 = arith.select %eq3A_1295, %select_n3A_1267, %select_n3A_1279 : vector<256x128xi1>, vector<256x128xf32>
    %select_n3A_1297 = arith.select %eq3A_1295, %select_n3A_1268, %select_n3A_1284 : vector<256x128xi1>, vector<256x128xi32>
    %and3A_1298 = arith.constant 16 : i32
    %and3A_1299 = vector.broadcast %and3A_1298 : i32 to vector<256x128xi32>
    %and3A_1300 = arith.andi %add3A_83, %and3A_1299 : vector<256x128xi32>
    %eq3A_1301 = arith.constant 0 : i32
    %eq3A_1302 = vector.broadcast %eq3A_1301 : i32 to vector<256x128xi32>
    %eq3A_1303 = arith.cmpi eq, %and3A_1300, %eq3A_1302 : vector<256x128xi32>
    %roll3A_1304 = arith.constant 112 : i32
    %roll3A_1305 = tpu.dynamic_rotate %select_n3A_1296 by %roll3A_1304 dim 1 : vector<256x128xf32>, i32 -> vector<256x128xf32>
    %roll3A_1306 = arith.constant 16 : i32
    %roll3A_1307 = tpu.dynamic_rotate %select_n3A_1296 by %roll3A_1306 dim 1 : vector<256x128xf32>, i32 -> vector<256x128xf32>
    %select_n3A_1308 = arith.select %eq3A_1303, %roll3A_1305, %roll3A_1307 : vector<256x128xi1>, vector<256x128xf32>
    %roll3A_1309 = arith.constant 112 : i32
    %roll3A_1310 = tpu.dynamic_rotate %select_n3A_1297 by %roll3A_1309 dim 1 : vector<256x128xi32>, i32 -> vector<256x128xi32>
    %roll3A_1311 = arith.constant 16 : i32
    %roll3A_1312 = tpu.dynamic_rotate %select_n3A_1297 by %roll3A_1311 dim 1 : vector<256x128xi32>, i32 -> vector<256x128xi32>
    %select_n3A_1313 = arith.select %eq3A_1303, %roll3A_1310, %roll3A_1312 : vector<256x128xi1>, vector<256x128xi32>
    %gt3A_1314 = arith.cmpf ogt, %select_n3A_1296, %select_n3A_1308 : vector<256x128xf32>
    %eq3A_1315 = arith.cmpf oeq, %select_n3A_1296, %select_n3A_1308 : vector<256x128xf32>
    %lt3A_1316 = arith.cmpi slt, %select_n3A_1297, %select_n3A_1313 : vector<256x128xi32>
    %and3A_1317 = arith.andi %eq3A_1315, %lt3A_1316 : vector<256x128xi1>
    %or3A_1318 = arith.ori %gt3A_1314, %and3A_1317 : vector<256x128xi1>
    %eq3A_1319 = arith.xori %eq3A_1181, %eq3A_1303 : vector<256x128xi1>
    %eq3A_1320 = arith.constant dense<true> : vector<256x128xi1>
    %eq3A_1321 = arith.xori %eq3A_1319, %eq3A_1320 : vector<256x128xi1>
    %eq3A_1322 = arith.xori %or3A_1318, %eq3A_1321 : vector<256x128xi1>
    %eq3A_1323 = arith.constant dense<true> : vector<256x128xi1>
    %eq3A_1324 = arith.xori %eq3A_1322, %eq3A_1323 : vector<256x128xi1>
    %select_n3A_1325 = arith.select %eq3A_1324, %select_n3A_1296, %select_n3A_1308 : vector<256x128xi1>, vector<256x128xf32>
    %select_n3A_1326 = arith.select %eq3A_1324, %select_n3A_1297, %select_n3A_1313 : vector<256x128xi1>, vector<256x128xi32>
    %and3A_1327 = arith.constant 8 : i32
    %and3A_1328 = vector.broadcast %and3A_1327 : i32 to vector<256x128xi32>
    %and3A_1329 = arith.andi %add3A_83, %and3A_1328 : vector<256x128xi32>
    %eq3A_1330 = arith.constant 0 : i32
    %eq3A_1331 = vector.broadcast %eq3A_1330 : i32 to vector<256x128xi32>
    %eq3A_1332 = arith.cmpi eq, %and3A_1329, %eq3A_1331 : vector<256x128xi32>
    %roll3A_1333 = arith.constant 120 : i32
    %roll3A_1334 = tpu.dynamic_rotate %select_n3A_1325 by %roll3A_1333 dim 1 : vector<256x128xf32>, i32 -> vector<256x128xf32>
    %roll3A_1335 = arith.constant 8 : i32
    %roll3A_1336 = tpu.dynamic_rotate %select_n3A_1325 by %roll3A_1335 dim 1 : vector<256x128xf32>, i32 -> vector<256x128xf32>
    %select_n3A_1337 = arith.select %eq3A_1332, %roll3A_1334, %roll3A_1336 : vector<256x128xi1>, vector<256x128xf32>
    %roll3A_1338 = arith.constant 120 : i32
    %roll3A_1339 = tpu.dynamic_rotate %select_n3A_1326 by %roll3A_1338 dim 1 : vector<256x128xi32>, i32 -> vector<256x128xi32>
    %roll3A_1340 = arith.constant 8 : i32
    %roll3A_1341 = tpu.dynamic_rotate %select_n3A_1326 by %roll3A_1340 dim 1 : vector<256x128xi32>, i32 -> vector<256x128xi32>
    %select_n3A_1342 = arith.select %eq3A_1332, %roll3A_1339, %roll3A_1341 : vector<256x128xi1>, vector<256x128xi32>
    %gt3A_1343 = arith.cmpf ogt, %select_n3A_1325, %select_n3A_1337 : vector<256x128xf32>
    %eq3A_1344 = arith.cmpf oeq, %select_n3A_1325, %select_n3A_1337 : vector<256x128xf32>
    %lt3A_1345 = arith.cmpi slt, %select_n3A_1326, %select_n3A_1342 : vector<256x128xi32>
    %and3A_1346 = arith.andi %eq3A_1344, %lt3A_1345 : vector<256x128xi1>
    %or3A_1347 = arith.ori %gt3A_1343, %and3A_1346 : vector<256x128xi1>
    %eq3A_1348 = arith.xori %eq3A_1181, %eq3A_1332 : vector<256x128xi1>
    %eq3A_1349 = arith.constant dense<true> : vector<256x128xi1>
    %eq3A_1350 = arith.xori %eq3A_1348, %eq3A_1349 : vector<256x128xi1>
    %eq3A_1351 = arith.xori %or3A_1347, %eq3A_1350 : vector<256x128xi1>
    %eq3A_1352 = arith.constant dense<true> : vector<256x128xi1>
    %eq3A_1353 = arith.xori %eq3A_1351, %eq3A_1352 : vector<256x128xi1>
    %select_n3A_1354 = arith.select %eq3A_1353, %select_n3A_1325, %select_n3A_1337 : vector<256x128xi1>, vector<256x128xf32>
    %select_n3A_1355 = arith.select %eq3A_1353, %select_n3A_1326, %select_n3A_1342 : vector<256x128xi1>, vector<256x128xi32>
    %and3A_1356 = arith.constant 4 : i32
    %and3A_1357 = vector.broadcast %and3A_1356 : i32 to vector<256x128xi32>
    %and3A_1358 = arith.andi %add3A_83, %and3A_1357 : vector<256x128xi32>
    %eq3A_1359 = arith.constant 0 : i32
    %eq3A_1360 = vector.broadcast %eq3A_1359 : i32 to vector<256x128xi32>
    %eq3A_1361 = arith.cmpi eq, %and3A_1358, %eq3A_1360 : vector<256x128xi32>
    %roll3A_1362 = arith.constant 124 : i32
    %roll3A_1363 = tpu.dynamic_rotate %select_n3A_1354 by %roll3A_1362 dim 1 : vector<256x128xf32>, i32 -> vector<256x128xf32>
    %roll3A_1364 = arith.constant 4 : i32
    %roll3A_1365 = tpu.dynamic_rotate %select_n3A_1354 by %roll3A_1364 dim 1 : vector<256x128xf32>, i32 -> vector<256x128xf32>
    %select_n3A_1366 = arith.select %eq3A_1361, %roll3A_1363, %roll3A_1365 : vector<256x128xi1>, vector<256x128xf32>
    %roll3A_1367 = arith.constant 124 : i32
    %roll3A_1368 = tpu.dynamic_rotate %select_n3A_1355 by %roll3A_1367 dim 1 : vector<256x128xi32>, i32 -> vector<256x128xi32>
    %roll3A_1369 = arith.constant 4 : i32
    %roll3A_1370 = tpu.dynamic_rotate %select_n3A_1355 by %roll3A_1369 dim 1 : vector<256x128xi32>, i32 -> vector<256x128xi32>
    %select_n3A_1371 = arith.select %eq3A_1361, %roll3A_1368, %roll3A_1370 : vector<256x128xi1>, vector<256x128xi32>
    %gt3A_1372 = arith.cmpf ogt, %select_n3A_1354, %select_n3A_1366 : vector<256x128xf32>
    %eq3A_1373 = arith.cmpf oeq, %select_n3A_1354, %select_n3A_1366 : vector<256x128xf32>
    %lt3A_1374 = arith.cmpi slt, %select_n3A_1355, %select_n3A_1371 : vector<256x128xi32>
    %and3A_1375 = arith.andi %eq3A_1373, %lt3A_1374 : vector<256x128xi1>
    %or3A_1376 = arith.ori %gt3A_1372, %and3A_1375 : vector<256x128xi1>
    %eq3A_1377 = arith.xori %eq3A_1181, %eq3A_1361 : vector<256x128xi1>
    %eq3A_1378 = arith.constant dense<true> : vector<256x128xi1>
    %eq3A_1379 = arith.xori %eq3A_1377, %eq3A_1378 : vector<256x128xi1>
    %eq3A_1380 = arith.xori %or3A_1376, %eq3A_1379 : vector<256x128xi1>
    %eq3A_1381 = arith.constant dense<true> : vector<256x128xi1>
    %eq3A_1382 = arith.xori %eq3A_1380, %eq3A_1381 : vector<256x128xi1>
    %select_n3A_1383 = arith.select %eq3A_1382, %select_n3A_1354, %select_n3A_1366 : vector<256x128xi1>, vector<256x128xf32>
    %select_n3A_1384 = arith.select %eq3A_1382, %select_n3A_1355, %select_n3A_1371 : vector<256x128xi1>, vector<256x128xi32>
    %and3A_1385 = arith.constant 2 : i32
    %and3A_1386 = vector.broadcast %and3A_1385 : i32 to vector<256x128xi32>
    %and3A_1387 = arith.andi %add3A_83, %and3A_1386 : vector<256x128xi32>
    %eq3A_1388 = arith.constant 0 : i32
    %eq3A_1389 = vector.broadcast %eq3A_1388 : i32 to vector<256x128xi32>
    %eq3A_1390 = arith.cmpi eq, %and3A_1387, %eq3A_1389 : vector<256x128xi32>
    %roll3A_1391 = arith.constant 126 : i32
    %roll3A_1392 = tpu.dynamic_rotate %select_n3A_1383 by %roll3A_1391 dim 1 : vector<256x128xf32>, i32 -> vector<256x128xf32>
    %roll3A_1393 = arith.constant 2 : i32
    %roll3A_1394 = tpu.dynamic_rotate %select_n3A_1383 by %roll3A_1393 dim 1 : vector<256x128xf32>, i32 -> vector<256x128xf32>
    %select_n3A_1395 = arith.select %eq3A_1390, %roll3A_1392, %roll3A_1394 : vector<256x128xi1>, vector<256x128xf32>
    %roll3A_1396 = arith.constant 126 : i32
    %roll3A_1397 = tpu.dynamic_rotate %select_n3A_1384 by %roll3A_1396 dim 1 : vector<256x128xi32>, i32 -> vector<256x128xi32>
    %roll3A_1398 = arith.constant 2 : i32
    %roll3A_1399 = tpu.dynamic_rotate %select_n3A_1384 by %roll3A_1398 dim 1 : vector<256x128xi32>, i32 -> vector<256x128xi32>
    %select_n3A_1400 = arith.select %eq3A_1390, %roll3A_1397, %roll3A_1399 : vector<256x128xi1>, vector<256x128xi32>
    %gt3A_1401 = arith.cmpf ogt, %select_n3A_1383, %select_n3A_1395 : vector<256x128xf32>
    %eq3A_1402 = arith.cmpf oeq, %select_n3A_1383, %select_n3A_1395 : vector<256x128xf32>
    %lt3A_1403 = arith.cmpi slt, %select_n3A_1384, %select_n3A_1400 : vector<256x128xi32>
    %and3A_1404 = arith.andi %eq3A_1402, %lt3A_1403 : vector<256x128xi1>
    %or3A_1405 = arith.ori %gt3A_1401, %and3A_1404 : vector<256x128xi1>
    %eq3A_1406 = arith.xori %eq3A_1181, %eq3A_1390 : vector<256x128xi1>
    %eq3A_1407 = arith.constant dense<true> : vector<256x128xi1>
    %eq3A_1408 = arith.xori %eq3A_1406, %eq3A_1407 : vector<256x128xi1>
    %eq3A_1409 = arith.xori %or3A_1405, %eq3A_1408 : vector<256x128xi1>
    %eq3A_1410 = arith.constant dense<true> : vector<256x128xi1>
    %eq3A_1411 = arith.xori %eq3A_1409, %eq3A_1410 : vector<256x128xi1>
    %select_n3A_1412 = arith.select %eq3A_1411, %select_n3A_1383, %select_n3A_1395 : vector<256x128xi1>, vector<256x128xf32>
    %select_n3A_1413 = arith.select %eq3A_1411, %select_n3A_1384, %select_n3A_1400 : vector<256x128xi1>, vector<256x128xi32>
    %and3A_1414 = arith.constant 1 : i32
    %and3A_1415 = vector.broadcast %and3A_1414 : i32 to vector<256x128xi32>
    %and3A_1416 = arith.andi %add3A_83, %and3A_1415 : vector<256x128xi32>
    %eq3A_1417 = arith.constant 0 : i32
    %eq3A_1418 = vector.broadcast %eq3A_1417 : i32 to vector<256x128xi32>
    %eq3A_1419 = arith.cmpi eq, %and3A_1416, %eq3A_1418 : vector<256x128xi32>
    %roll3A_1420 = arith.constant 127 : i32
    %roll3A_1421 = tpu.dynamic_rotate %select_n3A_1412 by %roll3A_1420 dim 1 : vector<256x128xf32>, i32 -> vector<256x128xf32>
    %roll3A_1422 = arith.constant 1 : i32
    %roll3A_1423 = tpu.dynamic_rotate %select_n3A_1412 by %roll3A_1422 dim 1 : vector<256x128xf32>, i32 -> vector<256x128xf32>
    %select_n3A_1424 = arith.select %eq3A_1419, %roll3A_1421, %roll3A_1423 : vector<256x128xi1>, vector<256x128xf32>
    %roll3A_1425 = arith.constant 127 : i32
    %roll3A_1426 = tpu.dynamic_rotate %select_n3A_1413 by %roll3A_1425 dim 1 : vector<256x128xi32>, i32 -> vector<256x128xi32>
    %roll3A_1427 = arith.constant 1 : i32
    %roll3A_1428 = tpu.dynamic_rotate %select_n3A_1413 by %roll3A_1427 dim 1 : vector<256x128xi32>, i32 -> vector<256x128xi32>
    %select_n3A_1429 = arith.select %eq3A_1419, %roll3A_1426, %roll3A_1428 : vector<256x128xi1>, vector<256x128xi32>
    %gt3A_1430 = arith.cmpf ogt, %select_n3A_1412, %select_n3A_1424 : vector<256x128xf32>
    %eq3A_1431 = arith.cmpf oeq, %select_n3A_1412, %select_n3A_1424 : vector<256x128xf32>
    %lt3A_1432 = arith.cmpi slt, %select_n3A_1413, %select_n3A_1429 : vector<256x128xi32>
    %and3A_1433 = arith.andi %eq3A_1431, %lt3A_1432 : vector<256x128xi1>
    %or3A_1434 = arith.ori %gt3A_1430, %and3A_1433 : vector<256x128xi1>
    %eq3A_1435 = arith.xori %eq3A_1181, %eq3A_1419 : vector<256x128xi1>
    %eq3A_1436 = arith.constant dense<true> : vector<256x128xi1>
    %eq3A_1437 = arith.xori %eq3A_1435, %eq3A_1436 : vector<256x128xi1>
    %eq3A_1438 = arith.xori %or3A_1434, %eq3A_1437 : vector<256x128xi1>
    %eq3A_1439 = arith.constant dense<true> : vector<256x128xi1>
    %eq3A_1440 = arith.xori %eq3A_1438, %eq3A_1439 : vector<256x128xi1>
    %select_n3A_1441 = arith.select %eq3A_1440, %select_n3A_1412, %select_n3A_1424 : vector<256x128xi1>, vector<256x128xf32>
    %select_n3A_1442 = arith.select %eq3A_1440, %select_n3A_1413, %select_n3A_1429 : vector<256x128xi1>, vector<256x128xi32>
    %and3A_1443 = arith.constant 1024 : i32
    %and3A_1444 = vector.broadcast %and3A_1443 : i32 to vector<256x128xi32>
    %and3A_1445 = arith.andi %add3A_83, %and3A_1444 : vector<256x128xi32>
    %eq3A_1446 = arith.constant 0 : i32
    %eq3A_1447 = vector.broadcast %eq3A_1446 : i32 to vector<256x128xi32>
    %eq3A_1448 = arith.cmpi eq, %and3A_1445, %eq3A_1447 : vector<256x128xi32>
    %and3A_1449 = arith.constant 512 : i32
    %and3A_1450 = vector.broadcast %and3A_1449 : i32 to vector<256x128xi32>
    %and3A_1451 = arith.andi %add3A_83, %and3A_1450 : vector<256x128xi32>
    %eq3A_1452 = arith.constant 0 : i32
    %eq3A_1453 = vector.broadcast %eq3A_1452 : i32 to vector<256x128xi32>
    %eq3A_1454 = arith.cmpi eq, %and3A_1451, %eq3A_1453 : vector<256x128xi32>
    %roll3A_1455 = arith.constant 252 : i32
    %roll3A_1456 = tpu.dynamic_rotate %select_n3A_1441 by %roll3A_1455 dim 0 : vector<256x128xf32>, i32 -> vector<256x128xf32>
    %roll3A_1457 = arith.constant 4 : i32
    %roll3A_1458 = tpu.dynamic_rotate %select_n3A_1441 by %roll3A_1457 dim 0 : vector<256x128xf32>, i32 -> vector<256x128xf32>
    %select_n3A_1459 = arith.select %eq3A_1454, %roll3A_1456, %roll3A_1458 : vector<256x128xi1>, vector<256x128xf32>
    %roll3A_1460 = arith.constant 252 : i32
    %roll3A_1461 = tpu.dynamic_rotate %select_n3A_1442 by %roll3A_1460 dim 0 : vector<256x128xi32>, i32 -> vector<256x128xi32>
    %roll3A_1462 = arith.constant 4 : i32
    %roll3A_1463 = tpu.dynamic_rotate %select_n3A_1442 by %roll3A_1462 dim 0 : vector<256x128xi32>, i32 -> vector<256x128xi32>
    %select_n3A_1464 = arith.select %eq3A_1454, %roll3A_1461, %roll3A_1463 : vector<256x128xi1>, vector<256x128xi32>
    %gt3A_1465 = arith.cmpf ogt, %select_n3A_1441, %select_n3A_1459 : vector<256x128xf32>
    %eq3A_1466 = arith.cmpf oeq, %select_n3A_1441, %select_n3A_1459 : vector<256x128xf32>
    %lt3A_1467 = arith.cmpi slt, %select_n3A_1442, %select_n3A_1464 : vector<256x128xi32>
    %and3A_1468 = arith.andi %eq3A_1466, %lt3A_1467 : vector<256x128xi1>
    %or3A_1469 = arith.ori %gt3A_1465, %and3A_1468 : vector<256x128xi1>
    %eq3A_1470 = arith.xori %eq3A_1448, %eq3A_1454 : vector<256x128xi1>
    %eq3A_1471 = arith.constant dense<true> : vector<256x128xi1>
    %eq3A_1472 = arith.xori %eq3A_1470, %eq3A_1471 : vector<256x128xi1>
    %eq3A_1473 = arith.xori %or3A_1469, %eq3A_1472 : vector<256x128xi1>
    %eq3A_1474 = arith.constant dense<true> : vector<256x128xi1>
    %eq3A_1475 = arith.xori %eq3A_1473, %eq3A_1474 : vector<256x128xi1>
    %select_n3A_1476 = arith.select %eq3A_1475, %select_n3A_1441, %select_n3A_1459 : vector<256x128xi1>, vector<256x128xf32>
    %select_n3A_1477 = arith.select %eq3A_1475, %select_n3A_1442, %select_n3A_1464 : vector<256x128xi1>, vector<256x128xi32>
    %and3A_1478 = arith.constant 256 : i32
    %and3A_1479 = vector.broadcast %and3A_1478 : i32 to vector<256x128xi32>
    %and3A_1480 = arith.andi %add3A_83, %and3A_1479 : vector<256x128xi32>
    %eq3A_1481 = arith.constant 0 : i32
    %eq3A_1482 = vector.broadcast %eq3A_1481 : i32 to vector<256x128xi32>
    %eq3A_1483 = arith.cmpi eq, %and3A_1480, %eq3A_1482 : vector<256x128xi32>
    %roll3A_1484 = arith.constant 254 : i32
    %roll3A_1485 = tpu.dynamic_rotate %select_n3A_1476 by %roll3A_1484 dim 0 : vector<256x128xf32>, i32 -> vector<256x128xf32>
    %roll3A_1486 = arith.constant 2 : i32
    %roll3A_1487 = tpu.dynamic_rotate %select_n3A_1476 by %roll3A_1486 dim 0 : vector<256x128xf32>, i32 -> vector<256x128xf32>
    %select_n3A_1488 = arith.select %eq3A_1483, %roll3A_1485, %roll3A_1487 : vector<256x128xi1>, vector<256x128xf32>
    %roll3A_1489 = arith.constant 254 : i32
    %roll3A_1490 = tpu.dynamic_rotate %select_n3A_1477 by %roll3A_1489 dim 0 : vector<256x128xi32>, i32 -> vector<256x128xi32>
    %roll3A_1491 = arith.constant 2 : i32
    %roll3A_1492 = tpu.dynamic_rotate %select_n3A_1477 by %roll3A_1491 dim 0 : vector<256x128xi32>, i32 -> vector<256x128xi32>
    %select_n3A_1493 = arith.select %eq3A_1483, %roll3A_1490, %roll3A_1492 : vector<256x128xi1>, vector<256x128xi32>
    %gt3A_1494 = arith.cmpf ogt, %select_n3A_1476, %select_n3A_1488 : vector<256x128xf32>
    %eq3A_1495 = arith.cmpf oeq, %select_n3A_1476, %select_n3A_1488 : vector<256x128xf32>
    %lt3A_1496 = arith.cmpi slt, %select_n3A_1477, %select_n3A_1493 : vector<256x128xi32>
    %and3A_1497 = arith.andi %eq3A_1495, %lt3A_1496 : vector<256x128xi1>
    %or3A_1498 = arith.ori %gt3A_1494, %and3A_1497 : vector<256x128xi1>
    %eq3A_1499 = arith.xori %eq3A_1448, %eq3A_1483 : vector<256x128xi1>
    %eq3A_1500 = arith.constant dense<true> : vector<256x128xi1>
    %eq3A_1501 = arith.xori %eq3A_1499, %eq3A_1500 : vector<256x128xi1>
    %eq3A_1502 = arith.xori %or3A_1498, %eq3A_1501 : vector<256x128xi1>
    %eq3A_1503 = arith.constant dense<true> : vector<256x128xi1>
    %eq3A_1504 = arith.xori %eq3A_1502, %eq3A_1503 : vector<256x128xi1>
    %select_n3A_1505 = arith.select %eq3A_1504, %select_n3A_1476, %select_n3A_1488 : vector<256x128xi1>, vector<256x128xf32>
    %select_n3A_1506 = arith.select %eq3A_1504, %select_n3A_1477, %select_n3A_1493 : vector<256x128xi1>, vector<256x128xi32>
    %and3A_1507 = arith.constant 128 : i32
    %and3A_1508 = vector.broadcast %and3A_1507 : i32 to vector<256x128xi32>
    %and3A_1509 = arith.andi %add3A_83, %and3A_1508 : vector<256x128xi32>
    %eq3A_1510 = arith.constant 0 : i32
    %eq3A_1511 = vector.broadcast %eq3A_1510 : i32 to vector<256x128xi32>
    %eq3A_1512 = arith.cmpi eq, %and3A_1509, %eq3A_1511 : vector<256x128xi32>
    %roll3A_1513 = arith.constant 255 : i32
    %roll3A_1514 = tpu.dynamic_rotate %select_n3A_1505 by %roll3A_1513 dim 0 : vector<256x128xf32>, i32 -> vector<256x128xf32>
    %roll3A_1515 = arith.constant 1 : i32
    %roll3A_1516 = tpu.dynamic_rotate %select_n3A_1505 by %roll3A_1515 dim 0 : vector<256x128xf32>, i32 -> vector<256x128xf32>
    %select_n3A_1517 = arith.select %eq3A_1512, %roll3A_1514, %roll3A_1516 : vector<256x128xi1>, vector<256x128xf32>
    %roll3A_1518 = arith.constant 255 : i32
    %roll3A_1519 = tpu.dynamic_rotate %select_n3A_1506 by %roll3A_1518 dim 0 : vector<256x128xi32>, i32 -> vector<256x128xi32>
    %roll3A_1520 = arith.constant 1 : i32
    %roll3A_1521 = tpu.dynamic_rotate %select_n3A_1506 by %roll3A_1520 dim 0 : vector<256x128xi32>, i32 -> vector<256x128xi32>
    %select_n3A_1522 = arith.select %eq3A_1512, %roll3A_1519, %roll3A_1521 : vector<256x128xi1>, vector<256x128xi32>
    %gt3A_1523 = arith.cmpf ogt, %select_n3A_1505, %select_n3A_1517 : vector<256x128xf32>
    %eq3A_1524 = arith.cmpf oeq, %select_n3A_1505, %select_n3A_1517 : vector<256x128xf32>
    %lt3A_1525 = arith.cmpi slt, %select_n3A_1506, %select_n3A_1522 : vector<256x128xi32>
    %and3A_1526 = arith.andi %eq3A_1524, %lt3A_1525 : vector<256x128xi1>
    %or3A_1527 = arith.ori %gt3A_1523, %and3A_1526 : vector<256x128xi1>
    %eq3A_1528 = arith.xori %eq3A_1448, %eq3A_1512 : vector<256x128xi1>
    %eq3A_1529 = arith.constant dense<true> : vector<256x128xi1>
    %eq3A_1530 = arith.xori %eq3A_1528, %eq3A_1529 : vector<256x128xi1>
    %eq3A_1531 = arith.xori %or3A_1527, %eq3A_1530 : vector<256x128xi1>
    %eq3A_1532 = arith.constant dense<true> : vector<256x128xi1>
    %eq3A_1533 = arith.xori %eq3A_1531, %eq3A_1532 : vector<256x128xi1>
    %select_n3A_1534 = arith.select %eq3A_1533, %select_n3A_1505, %select_n3A_1517 : vector<256x128xi1>, vector<256x128xf32>
    %select_n3A_1535 = arith.select %eq3A_1533, %select_n3A_1506, %select_n3A_1522 : vector<256x128xi1>, vector<256x128xi32>
    %and3A_1536 = arith.constant 64 : i32
    %and3A_1537 = vector.broadcast %and3A_1536 : i32 to vector<256x128xi32>
    %and3A_1538 = arith.andi %add3A_83, %and3A_1537 : vector<256x128xi32>
    %eq3A_1539 = arith.constant 0 : i32
    %eq3A_1540 = vector.broadcast %eq3A_1539 : i32 to vector<256x128xi32>
    %eq3A_1541 = arith.cmpi eq, %and3A_1538, %eq3A_1540 : vector<256x128xi32>
    %roll3A_1542 = arith.constant 64 : i32
    %roll3A_1543 = tpu.dynamic_rotate %select_n3A_1534 by %roll3A_1542 dim 1 : vector<256x128xf32>, i32 -> vector<256x128xf32>
    %roll3A_1544 = arith.constant 64 : i32
    %roll3A_1545 = tpu.dynamic_rotate %select_n3A_1534 by %roll3A_1544 dim 1 : vector<256x128xf32>, i32 -> vector<256x128xf32>
    %select_n3A_1546 = arith.select %eq3A_1541, %roll3A_1543, %roll3A_1545 : vector<256x128xi1>, vector<256x128xf32>
    %roll3A_1547 = arith.constant 64 : i32
    %roll3A_1548 = tpu.dynamic_rotate %select_n3A_1535 by %roll3A_1547 dim 1 : vector<256x128xi32>, i32 -> vector<256x128xi32>
    %roll3A_1549 = arith.constant 64 : i32
    %roll3A_1550 = tpu.dynamic_rotate %select_n3A_1535 by %roll3A_1549 dim 1 : vector<256x128xi32>, i32 -> vector<256x128xi32>
    %select_n3A_1551 = arith.select %eq3A_1541, %roll3A_1548, %roll3A_1550 : vector<256x128xi1>, vector<256x128xi32>
    %gt3A_1552 = arith.cmpf ogt, %select_n3A_1534, %select_n3A_1546 : vector<256x128xf32>
    %eq3A_1553 = arith.cmpf oeq, %select_n3A_1534, %select_n3A_1546 : vector<256x128xf32>
    %lt3A_1554 = arith.cmpi slt, %select_n3A_1535, %select_n3A_1551 : vector<256x128xi32>
    %and3A_1555 = arith.andi %eq3A_1553, %lt3A_1554 : vector<256x128xi1>
    %or3A_1556 = arith.ori %gt3A_1552, %and3A_1555 : vector<256x128xi1>
    %eq3A_1557 = arith.xori %eq3A_1448, %eq3A_1541 : vector<256x128xi1>
    %eq3A_1558 = arith.constant dense<true> : vector<256x128xi1>
    %eq3A_1559 = arith.xori %eq3A_1557, %eq3A_1558 : vector<256x128xi1>
    %eq3A_1560 = arith.xori %or3A_1556, %eq3A_1559 : vector<256x128xi1>
    %eq3A_1561 = arith.constant dense<true> : vector<256x128xi1>
    %eq3A_1562 = arith.xori %eq3A_1560, %eq3A_1561 : vector<256x128xi1>
    %select_n3A_1563 = arith.select %eq3A_1562, %select_n3A_1534, %select_n3A_1546 : vector<256x128xi1>, vector<256x128xf32>
    %select_n3A_1564 = arith.select %eq3A_1562, %select_n3A_1535, %select_n3A_1551 : vector<256x128xi1>, vector<256x128xi32>
    %and3A_1565 = arith.constant 32 : i32
    %and3A_1566 = vector.broadcast %and3A_1565 : i32 to vector<256x128xi32>
    %and3A_1567 = arith.andi %add3A_83, %and3A_1566 : vector<256x128xi32>
    %eq3A_1568 = arith.constant 0 : i32
    %eq3A_1569 = vector.broadcast %eq3A_1568 : i32 to vector<256x128xi32>
    %eq3A_1570 = arith.cmpi eq, %and3A_1567, %eq3A_1569 : vector<256x128xi32>
    %roll3A_1571 = arith.constant 96 : i32
    %roll3A_1572 = tpu.dynamic_rotate %select_n3A_1563 by %roll3A_1571 dim 1 : vector<256x128xf32>, i32 -> vector<256x128xf32>
    %roll3A_1573 = arith.constant 32 : i32
    %roll3A_1574 = tpu.dynamic_rotate %select_n3A_1563 by %roll3A_1573 dim 1 : vector<256x128xf32>, i32 -> vector<256x128xf32>
    %select_n3A_1575 = arith.select %eq3A_1570, %roll3A_1572, %roll3A_1574 : vector<256x128xi1>, vector<256x128xf32>
    %roll3A_1576 = arith.constant 96 : i32
    %roll3A_1577 = tpu.dynamic_rotate %select_n3A_1564 by %roll3A_1576 dim 1 : vector<256x128xi32>, i32 -> vector<256x128xi32>
    %roll3A_1578 = arith.constant 32 : i32
    %roll3A_1579 = tpu.dynamic_rotate %select_n3A_1564 by %roll3A_1578 dim 1 : vector<256x128xi32>, i32 -> vector<256x128xi32>
    %select_n3A_1580 = arith.select %eq3A_1570, %roll3A_1577, %roll3A_1579 : vector<256x128xi1>, vector<256x128xi32>
    %gt3A_1581 = arith.cmpf ogt, %select_n3A_1563, %select_n3A_1575 : vector<256x128xf32>
    %eq3A_1582 = arith.cmpf oeq, %select_n3A_1563, %select_n3A_1575 : vector<256x128xf32>
    %lt3A_1583 = arith.cmpi slt, %select_n3A_1564, %select_n3A_1580 : vector<256x128xi32>
    %and3A_1584 = arith.andi %eq3A_1582, %lt3A_1583 : vector<256x128xi1>
    %or3A_1585 = arith.ori %gt3A_1581, %and3A_1584 : vector<256x128xi1>
    %eq3A_1586 = arith.xori %eq3A_1448, %eq3A_1570 : vector<256x128xi1>
    %eq3A_1587 = arith.constant dense<true> : vector<256x128xi1>
    %eq3A_1588 = arith.xori %eq3A_1586, %eq3A_1587 : vector<256x128xi1>
    %eq3A_1589 = arith.xori %or3A_1585, %eq3A_1588 : vector<256x128xi1>
    %eq3A_1590 = arith.constant dense<true> : vector<256x128xi1>
    %eq3A_1591 = arith.xori %eq3A_1589, %eq3A_1590 : vector<256x128xi1>
    %select_n3A_1592 = arith.select %eq3A_1591, %select_n3A_1563, %select_n3A_1575 : vector<256x128xi1>, vector<256x128xf32>
    %select_n3A_1593 = arith.select %eq3A_1591, %select_n3A_1564, %select_n3A_1580 : vector<256x128xi1>, vector<256x128xi32>
    %and3A_1594 = arith.constant 16 : i32
    %and3A_1595 = vector.broadcast %and3A_1594 : i32 to vector<256x128xi32>
    %and3A_1596 = arith.andi %add3A_83, %and3A_1595 : vector<256x128xi32>
    %eq3A_1597 = arith.constant 0 : i32
    %eq3A_1598 = vector.broadcast %eq3A_1597 : i32 to vector<256x128xi32>
    %eq3A_1599 = arith.cmpi eq, %and3A_1596, %eq3A_1598 : vector<256x128xi32>
    %roll3A_1600 = arith.constant 112 : i32
    %roll3A_1601 = tpu.dynamic_rotate %select_n3A_1592 by %roll3A_1600 dim 1 : vector<256x128xf32>, i32 -> vector<256x128xf32>
    %roll3A_1602 = arith.constant 16 : i32
    %roll3A_1603 = tpu.dynamic_rotate %select_n3A_1592 by %roll3A_1602 dim 1 : vector<256x128xf32>, i32 -> vector<256x128xf32>
    %select_n3A_1604 = arith.select %eq3A_1599, %roll3A_1601, %roll3A_1603 : vector<256x128xi1>, vector<256x128xf32>
    %roll3A_1605 = arith.constant 112 : i32
    %roll3A_1606 = tpu.dynamic_rotate %select_n3A_1593 by %roll3A_1605 dim 1 : vector<256x128xi32>, i32 -> vector<256x128xi32>
    %roll3A_1607 = arith.constant 16 : i32
    %roll3A_1608 = tpu.dynamic_rotate %select_n3A_1593 by %roll3A_1607 dim 1 : vector<256x128xi32>, i32 -> vector<256x128xi32>
    %select_n3A_1609 = arith.select %eq3A_1599, %roll3A_1606, %roll3A_1608 : vector<256x128xi1>, vector<256x128xi32>
    %gt3A_1610 = arith.cmpf ogt, %select_n3A_1592, %select_n3A_1604 : vector<256x128xf32>
    %eq3A_1611 = arith.cmpf oeq, %select_n3A_1592, %select_n3A_1604 : vector<256x128xf32>
    %lt3A_1612 = arith.cmpi slt, %select_n3A_1593, %select_n3A_1609 : vector<256x128xi32>
    %and3A_1613 = arith.andi %eq3A_1611, %lt3A_1612 : vector<256x128xi1>
    %or3A_1614 = arith.ori %gt3A_1610, %and3A_1613 : vector<256x128xi1>
    %eq3A_1615 = arith.xori %eq3A_1448, %eq3A_1599 : vector<256x128xi1>
    %eq3A_1616 = arith.constant dense<true> : vector<256x128xi1>
    %eq3A_1617 = arith.xori %eq3A_1615, %eq3A_1616 : vector<256x128xi1>
    %eq3A_1618 = arith.xori %or3A_1614, %eq3A_1617 : vector<256x128xi1>
    %eq3A_1619 = arith.constant dense<true> : vector<256x128xi1>
    %eq3A_1620 = arith.xori %eq3A_1618, %eq3A_1619 : vector<256x128xi1>
    %select_n3A_1621 = arith.select %eq3A_1620, %select_n3A_1592, %select_n3A_1604 : vector<256x128xi1>, vector<256x128xf32>
    %select_n3A_1622 = arith.select %eq3A_1620, %select_n3A_1593, %select_n3A_1609 : vector<256x128xi1>, vector<256x128xi32>
    %and3A_1623 = arith.constant 8 : i32
    %and3A_1624 = vector.broadcast %and3A_1623 : i32 to vector<256x128xi32>
    %and3A_1625 = arith.andi %add3A_83, %and3A_1624 : vector<256x128xi32>
    %eq3A_1626 = arith.constant 0 : i32
    %eq3A_1627 = vector.broadcast %eq3A_1626 : i32 to vector<256x128xi32>
    %eq3A_1628 = arith.cmpi eq, %and3A_1625, %eq3A_1627 : vector<256x128xi32>
    %roll3A_1629 = arith.constant 120 : i32
    %roll3A_1630 = tpu.dynamic_rotate %select_n3A_1621 by %roll3A_1629 dim 1 : vector<256x128xf32>, i32 -> vector<256x128xf32>
    %roll3A_1631 = arith.constant 8 : i32
    %roll3A_1632 = tpu.dynamic_rotate %select_n3A_1621 by %roll3A_1631 dim 1 : vector<256x128xf32>, i32 -> vector<256x128xf32>
    %select_n3A_1633 = arith.select %eq3A_1628, %roll3A_1630, %roll3A_1632 : vector<256x128xi1>, vector<256x128xf32>
    %roll3A_1634 = arith.constant 120 : i32
    %roll3A_1635 = tpu.dynamic_rotate %select_n3A_1622 by %roll3A_1634 dim 1 : vector<256x128xi32>, i32 -> vector<256x128xi32>
    %roll3A_1636 = arith.constant 8 : i32
    %roll3A_1637 = tpu.dynamic_rotate %select_n3A_1622 by %roll3A_1636 dim 1 : vector<256x128xi32>, i32 -> vector<256x128xi32>
    %select_n3A_1638 = arith.select %eq3A_1628, %roll3A_1635, %roll3A_1637 : vector<256x128xi1>, vector<256x128xi32>
    %gt3A_1639 = arith.cmpf ogt, %select_n3A_1621, %select_n3A_1633 : vector<256x128xf32>
    %eq3A_1640 = arith.cmpf oeq, %select_n3A_1621, %select_n3A_1633 : vector<256x128xf32>
    %lt3A_1641 = arith.cmpi slt, %select_n3A_1622, %select_n3A_1638 : vector<256x128xi32>
    %and3A_1642 = arith.andi %eq3A_1640, %lt3A_1641 : vector<256x128xi1>
    %or3A_1643 = arith.ori %gt3A_1639, %and3A_1642 : vector<256x128xi1>
    %eq3A_1644 = arith.xori %eq3A_1448, %eq3A_1628 : vector<256x128xi1>
    %eq3A_1645 = arith.constant dense<true> : vector<256x128xi1>
    %eq3A_1646 = arith.xori %eq3A_1644, %eq3A_1645 : vector<256x128xi1>
    %eq3A_1647 = arith.xori %or3A_1643, %eq3A_1646 : vector<256x128xi1>
    %eq3A_1648 = arith.constant dense<true> : vector<256x128xi1>
    %eq3A_1649 = arith.xori %eq3A_1647, %eq3A_1648 : vector<256x128xi1>
    %select_n3A_1650 = arith.select %eq3A_1649, %select_n3A_1621, %select_n3A_1633 : vector<256x128xi1>, vector<256x128xf32>
    %select_n3A_1651 = arith.select %eq3A_1649, %select_n3A_1622, %select_n3A_1638 : vector<256x128xi1>, vector<256x128xi32>
    %and3A_1652 = arith.constant 4 : i32
    %and3A_1653 = vector.broadcast %and3A_1652 : i32 to vector<256x128xi32>
    %and3A_1654 = arith.andi %add3A_83, %and3A_1653 : vector<256x128xi32>
    %eq3A_1655 = arith.constant 0 : i32
    %eq3A_1656 = vector.broadcast %eq3A_1655 : i32 to vector<256x128xi32>
    %eq3A_1657 = arith.cmpi eq, %and3A_1654, %eq3A_1656 : vector<256x128xi32>
    %roll3A_1658 = arith.constant 124 : i32
    %roll3A_1659 = tpu.dynamic_rotate %select_n3A_1650 by %roll3A_1658 dim 1 : vector<256x128xf32>, i32 -> vector<256x128xf32>
    %roll3A_1660 = arith.constant 4 : i32
    %roll3A_1661 = tpu.dynamic_rotate %select_n3A_1650 by %roll3A_1660 dim 1 : vector<256x128xf32>, i32 -> vector<256x128xf32>
    %select_n3A_1662 = arith.select %eq3A_1657, %roll3A_1659, %roll3A_1661 : vector<256x128xi1>, vector<256x128xf32>
    %roll3A_1663 = arith.constant 124 : i32
    %roll3A_1664 = tpu.dynamic_rotate %select_n3A_1651 by %roll3A_1663 dim 1 : vector<256x128xi32>, i32 -> vector<256x128xi32>
    %roll3A_1665 = arith.constant 4 : i32
    %roll3A_1666 = tpu.dynamic_rotate %select_n3A_1651 by %roll3A_1665 dim 1 : vector<256x128xi32>, i32 -> vector<256x128xi32>
    %select_n3A_1667 = arith.select %eq3A_1657, %roll3A_1664, %roll3A_1666 : vector<256x128xi1>, vector<256x128xi32>
    %gt3A_1668 = arith.cmpf ogt, %select_n3A_1650, %select_n3A_1662 : vector<256x128xf32>
    %eq3A_1669 = arith.cmpf oeq, %select_n3A_1650, %select_n3A_1662 : vector<256x128xf32>
    %lt3A_1670 = arith.cmpi slt, %select_n3A_1651, %select_n3A_1667 : vector<256x128xi32>
    %and3A_1671 = arith.andi %eq3A_1669, %lt3A_1670 : vector<256x128xi1>
    %or3A_1672 = arith.ori %gt3A_1668, %and3A_1671 : vector<256x128xi1>
    %eq3A_1673 = arith.xori %eq3A_1448, %eq3A_1657 : vector<256x128xi1>
    %eq3A_1674 = arith.constant dense<true> : vector<256x128xi1>
    %eq3A_1675 = arith.xori %eq3A_1673, %eq3A_1674 : vector<256x128xi1>
    %eq3A_1676 = arith.xori %or3A_1672, %eq3A_1675 : vector<256x128xi1>
    %eq3A_1677 = arith.constant dense<true> : vector<256x128xi1>
    %eq3A_1678 = arith.xori %eq3A_1676, %eq3A_1677 : vector<256x128xi1>
    %select_n3A_1679 = arith.select %eq3A_1678, %select_n3A_1650, %select_n3A_1662 : vector<256x128xi1>, vector<256x128xf32>
    %select_n3A_1680 = arith.select %eq3A_1678, %select_n3A_1651, %select_n3A_1667 : vector<256x128xi1>, vector<256x128xi32>
    %and3A_1681 = arith.constant 2 : i32
    %and3A_1682 = vector.broadcast %and3A_1681 : i32 to vector<256x128xi32>
    %and3A_1683 = arith.andi %add3A_83, %and3A_1682 : vector<256x128xi32>
    %eq3A_1684 = arith.constant 0 : i32
    %eq3A_1685 = vector.broadcast %eq3A_1684 : i32 to vector<256x128xi32>
    %eq3A_1686 = arith.cmpi eq, %and3A_1683, %eq3A_1685 : vector<256x128xi32>
    %roll3A_1687 = arith.constant 126 : i32
    %roll3A_1688 = tpu.dynamic_rotate %select_n3A_1679 by %roll3A_1687 dim 1 : vector<256x128xf32>, i32 -> vector<256x128xf32>
    %roll3A_1689 = arith.constant 2 : i32
    %roll3A_1690 = tpu.dynamic_rotate %select_n3A_1679 by %roll3A_1689 dim 1 : vector<256x128xf32>, i32 -> vector<256x128xf32>
    %select_n3A_1691 = arith.select %eq3A_1686, %roll3A_1688, %roll3A_1690 : vector<256x128xi1>, vector<256x128xf32>
    %roll3A_1692 = arith.constant 126 : i32
    %roll3A_1693 = tpu.dynamic_rotate %select_n3A_1680 by %roll3A_1692 dim 1 : vector<256x128xi32>, i32 -> vector<256x128xi32>
    %roll3A_1694 = arith.constant 2 : i32
    %roll3A_1695 = tpu.dynamic_rotate %select_n3A_1680 by %roll3A_1694 dim 1 : vector<256x128xi32>, i32 -> vector<256x128xi32>
    %select_n3A_1696 = arith.select %eq3A_1686, %roll3A_1693, %roll3A_1695 : vector<256x128xi1>, vector<256x128xi32>
    %gt3A_1697 = arith.cmpf ogt, %select_n3A_1679, %select_n3A_1691 : vector<256x128xf32>
    %eq3A_1698 = arith.cmpf oeq, %select_n3A_1679, %select_n3A_1691 : vector<256x128xf32>
    %lt3A_1699 = arith.cmpi slt, %select_n3A_1680, %select_n3A_1696 : vector<256x128xi32>
    %and3A_1700 = arith.andi %eq3A_1698, %lt3A_1699 : vector<256x128xi1>
    %or3A_1701 = arith.ori %gt3A_1697, %and3A_1700 : vector<256x128xi1>
    %eq3A_1702 = arith.xori %eq3A_1448, %eq3A_1686 : vector<256x128xi1>
    %eq3A_1703 = arith.constant dense<true> : vector<256x128xi1>
    %eq3A_1704 = arith.xori %eq3A_1702, %eq3A_1703 : vector<256x128xi1>
    %eq3A_1705 = arith.xori %or3A_1701, %eq3A_1704 : vector<256x128xi1>
    %eq3A_1706 = arith.constant dense<true> : vector<256x128xi1>
    %eq3A_1707 = arith.xori %eq3A_1705, %eq3A_1706 : vector<256x128xi1>
    %select_n3A_1708 = arith.select %eq3A_1707, %select_n3A_1679, %select_n3A_1691 : vector<256x128xi1>, vector<256x128xf32>
    %select_n3A_1709 = arith.select %eq3A_1707, %select_n3A_1680, %select_n3A_1696 : vector<256x128xi1>, vector<256x128xi32>
    %and3A_1710 = arith.constant 1 : i32
    %and3A_1711 = vector.broadcast %and3A_1710 : i32 to vector<256x128xi32>
    %and3A_1712 = arith.andi %add3A_83, %and3A_1711 : vector<256x128xi32>
    %eq3A_1713 = arith.constant 0 : i32
    %eq3A_1714 = vector.broadcast %eq3A_1713 : i32 to vector<256x128xi32>
    %eq3A_1715 = arith.cmpi eq, %and3A_1712, %eq3A_1714 : vector<256x128xi32>
    %roll3A_1716 = arith.constant 127 : i32
    %roll3A_1717 = tpu.dynamic_rotate %select_n3A_1708 by %roll3A_1716 dim 1 : vector<256x128xf32>, i32 -> vector<256x128xf32>
    %roll3A_1718 = arith.constant 1 : i32
    %roll3A_1719 = tpu.dynamic_rotate %select_n3A_1708 by %roll3A_1718 dim 1 : vector<256x128xf32>, i32 -> vector<256x128xf32>
    %select_n3A_1720 = arith.select %eq3A_1715, %roll3A_1717, %roll3A_1719 : vector<256x128xi1>, vector<256x128xf32>
    %roll3A_1721 = arith.constant 127 : i32
    %roll3A_1722 = tpu.dynamic_rotate %select_n3A_1709 by %roll3A_1721 dim 1 : vector<256x128xi32>, i32 -> vector<256x128xi32>
    %roll3A_1723 = arith.constant 1 : i32
    %roll3A_1724 = tpu.dynamic_rotate %select_n3A_1709 by %roll3A_1723 dim 1 : vector<256x128xi32>, i32 -> vector<256x128xi32>
    %select_n3A_1725 = arith.select %eq3A_1715, %roll3A_1722, %roll3A_1724 : vector<256x128xi1>, vector<256x128xi32>
    %gt3A_1726 = arith.cmpf ogt, %select_n3A_1708, %select_n3A_1720 : vector<256x128xf32>
    %eq3A_1727 = arith.cmpf oeq, %select_n3A_1708, %select_n3A_1720 : vector<256x128xf32>
    %lt3A_1728 = arith.cmpi slt, %select_n3A_1709, %select_n3A_1725 : vector<256x128xi32>
    %and3A_1729 = arith.andi %eq3A_1727, %lt3A_1728 : vector<256x128xi1>
    %or3A_1730 = arith.ori %gt3A_1726, %and3A_1729 : vector<256x128xi1>
    %eq3A_1731 = arith.xori %eq3A_1448, %eq3A_1715 : vector<256x128xi1>
    %eq3A_1732 = arith.constant dense<true> : vector<256x128xi1>
    %eq3A_1733 = arith.xori %eq3A_1731, %eq3A_1732 : vector<256x128xi1>
    %eq3A_1734 = arith.xori %or3A_1730, %eq3A_1733 : vector<256x128xi1>
    %eq3A_1735 = arith.constant dense<true> : vector<256x128xi1>
    %eq3A_1736 = arith.xori %eq3A_1734, %eq3A_1735 : vector<256x128xi1>
    %select_n3A_1737 = arith.select %eq3A_1736, %select_n3A_1708, %select_n3A_1720 : vector<256x128xi1>, vector<256x128xf32>
    %select_n3A_1738 = arith.select %eq3A_1736, %select_n3A_1709, %select_n3A_1725 : vector<256x128xi1>, vector<256x128xi32>
    %and3A_1739 = arith.constant 2048 : i32
    %and3A_1740 = vector.broadcast %and3A_1739 : i32 to vector<256x128xi32>
    %and3A_1741 = arith.andi %add3A_83, %and3A_1740 : vector<256x128xi32>
    %eq3A_1742 = arith.constant 0 : i32
    %eq3A_1743 = vector.broadcast %eq3A_1742 : i32 to vector<256x128xi32>
    %eq3A_1744 = arith.cmpi eq, %and3A_1741, %eq3A_1743 : vector<256x128xi32>
    %and3A_1745 = arith.constant 1024 : i32
    %and3A_1746 = vector.broadcast %and3A_1745 : i32 to vector<256x128xi32>
    %and3A_1747 = arith.andi %add3A_83, %and3A_1746 : vector<256x128xi32>
    %eq3A_1748 = arith.constant 0 : i32
    %eq3A_1749 = vector.broadcast %eq3A_1748 : i32 to vector<256x128xi32>
    %eq3A_1750 = arith.cmpi eq, %and3A_1747, %eq3A_1749 : vector<256x128xi32>
    %roll3A_1751 = arith.constant 248 : i32
    %roll3A_1752 = tpu.dynamic_rotate %select_n3A_1737 by %roll3A_1751 dim 0 : vector<256x128xf32>, i32 -> vector<256x128xf32>
    %roll3A_1753 = arith.constant 8 : i32
    %roll3A_1754 = tpu.dynamic_rotate %select_n3A_1737 by %roll3A_1753 dim 0 : vector<256x128xf32>, i32 -> vector<256x128xf32>
    %select_n3A_1755 = arith.select %eq3A_1750, %roll3A_1752, %roll3A_1754 : vector<256x128xi1>, vector<256x128xf32>
    %roll3A_1756 = arith.constant 248 : i32
    %roll3A_1757 = tpu.dynamic_rotate %select_n3A_1738 by %roll3A_1756 dim 0 : vector<256x128xi32>, i32 -> vector<256x128xi32>
    %roll3A_1758 = arith.constant 8 : i32
    %roll3A_1759 = tpu.dynamic_rotate %select_n3A_1738 by %roll3A_1758 dim 0 : vector<256x128xi32>, i32 -> vector<256x128xi32>
    %select_n3A_1760 = arith.select %eq3A_1750, %roll3A_1757, %roll3A_1759 : vector<256x128xi1>, vector<256x128xi32>
    %gt3A_1761 = arith.cmpf ogt, %select_n3A_1737, %select_n3A_1755 : vector<256x128xf32>
    %eq3A_1762 = arith.cmpf oeq, %select_n3A_1737, %select_n3A_1755 : vector<256x128xf32>
    %lt3A_1763 = arith.cmpi slt, %select_n3A_1738, %select_n3A_1760 : vector<256x128xi32>
    %and3A_1764 = arith.andi %eq3A_1762, %lt3A_1763 : vector<256x128xi1>
    %or3A_1765 = arith.ori %gt3A_1761, %and3A_1764 : vector<256x128xi1>
    %eq3A_1766 = arith.xori %eq3A_1744, %eq3A_1750 : vector<256x128xi1>
    %eq3A_1767 = arith.constant dense<true> : vector<256x128xi1>
    %eq3A_1768 = arith.xori %eq3A_1766, %eq3A_1767 : vector<256x128xi1>
    %eq3A_1769 = arith.xori %or3A_1765, %eq3A_1768 : vector<256x128xi1>
    %eq3A_1770 = arith.constant dense<true> : vector<256x128xi1>
    %eq3A_1771 = arith.xori %eq3A_1769, %eq3A_1770 : vector<256x128xi1>
    %select_n3A_1772 = arith.select %eq3A_1771, %select_n3A_1737, %select_n3A_1755 : vector<256x128xi1>, vector<256x128xf32>
    %select_n3A_1773 = arith.select %eq3A_1771, %select_n3A_1738, %select_n3A_1760 : vector<256x128xi1>, vector<256x128xi32>
    %and3A_1774 = arith.constant 512 : i32
    %and3A_1775 = vector.broadcast %and3A_1774 : i32 to vector<256x128xi32>
    %and3A_1776 = arith.andi %add3A_83, %and3A_1775 : vector<256x128xi32>
    %eq3A_1777 = arith.constant 0 : i32
    %eq3A_1778 = vector.broadcast %eq3A_1777 : i32 to vector<256x128xi32>
    %eq3A_1779 = arith.cmpi eq, %and3A_1776, %eq3A_1778 : vector<256x128xi32>
    %roll3A_1780 = arith.constant 252 : i32
    %roll3A_1781 = tpu.dynamic_rotate %select_n3A_1772 by %roll3A_1780 dim 0 : vector<256x128xf32>, i32 -> vector<256x128xf32>
    %roll3A_1782 = arith.constant 4 : i32
    %roll3A_1783 = tpu.dynamic_rotate %select_n3A_1772 by %roll3A_1782 dim 0 : vector<256x128xf32>, i32 -> vector<256x128xf32>
    %select_n3A_1784 = arith.select %eq3A_1779, %roll3A_1781, %roll3A_1783 : vector<256x128xi1>, vector<256x128xf32>
    %roll3A_1785 = arith.constant 252 : i32
    %roll3A_1786 = tpu.dynamic_rotate %select_n3A_1773 by %roll3A_1785 dim 0 : vector<256x128xi32>, i32 -> vector<256x128xi32>
    %roll3A_1787 = arith.constant 4 : i32
    %roll3A_1788 = tpu.dynamic_rotate %select_n3A_1773 by %roll3A_1787 dim 0 : vector<256x128xi32>, i32 -> vector<256x128xi32>
    %select_n3A_1789 = arith.select %eq3A_1779, %roll3A_1786, %roll3A_1788 : vector<256x128xi1>, vector<256x128xi32>
    %gt3A_1790 = arith.cmpf ogt, %select_n3A_1772, %select_n3A_1784 : vector<256x128xf32>
    %eq3A_1791 = arith.cmpf oeq, %select_n3A_1772, %select_n3A_1784 : vector<256x128xf32>
    %lt3A_1792 = arith.cmpi slt, %select_n3A_1773, %select_n3A_1789 : vector<256x128xi32>
    %and3A_1793 = arith.andi %eq3A_1791, %lt3A_1792 : vector<256x128xi1>
    %or3A_1794 = arith.ori %gt3A_1790, %and3A_1793 : vector<256x128xi1>
    %eq3A_1795 = arith.xori %eq3A_1744, %eq3A_1779 : vector<256x128xi1>
    %eq3A_1796 = arith.constant dense<true> : vector<256x128xi1>
    %eq3A_1797 = arith.xori %eq3A_1795, %eq3A_1796 : vector<256x128xi1>
    %eq3A_1798 = arith.xori %or3A_1794, %eq3A_1797 : vector<256x128xi1>
    %eq3A_1799 = arith.constant dense<true> : vector<256x128xi1>
    %eq3A_1800 = arith.xori %eq3A_1798, %eq3A_1799 : vector<256x128xi1>
    %select_n3A_1801 = arith.select %eq3A_1800, %select_n3A_1772, %select_n3A_1784 : vector<256x128xi1>, vector<256x128xf32>
    %select_n3A_1802 = arith.select %eq3A_1800, %select_n3A_1773, %select_n3A_1789 : vector<256x128xi1>, vector<256x128xi32>
    %and3A_1803 = arith.constant 256 : i32
    %and3A_1804 = vector.broadcast %and3A_1803 : i32 to vector<256x128xi32>
    %and3A_1805 = arith.andi %add3A_83, %and3A_1804 : vector<256x128xi32>
    %eq3A_1806 = arith.constant 0 : i32
    %eq3A_1807 = vector.broadcast %eq3A_1806 : i32 to vector<256x128xi32>
    %eq3A_1808 = arith.cmpi eq, %and3A_1805, %eq3A_1807 : vector<256x128xi32>
    %roll3A_1809 = arith.constant 254 : i32
    %roll3A_1810 = tpu.dynamic_rotate %select_n3A_1801 by %roll3A_1809 dim 0 : vector<256x128xf32>, i32 -> vector<256x128xf32>
    %roll3A_1811 = arith.constant 2 : i32
    %roll3A_1812 = tpu.dynamic_rotate %select_n3A_1801 by %roll3A_1811 dim 0 : vector<256x128xf32>, i32 -> vector<256x128xf32>
    %select_n3A_1813 = arith.select %eq3A_1808, %roll3A_1810, %roll3A_1812 : vector<256x128xi1>, vector<256x128xf32>
    %roll3A_1814 = arith.constant 254 : i32
    %roll3A_1815 = tpu.dynamic_rotate %select_n3A_1802 by %roll3A_1814 dim 0 : vector<256x128xi32>, i32 -> vector<256x128xi32>
    %roll3A_1816 = arith.constant 2 : i32
    %roll3A_1817 = tpu.dynamic_rotate %select_n3A_1802 by %roll3A_1816 dim 0 : vector<256x128xi32>, i32 -> vector<256x128xi32>
    %select_n3A_1818 = arith.select %eq3A_1808, %roll3A_1815, %roll3A_1817 : vector<256x128xi1>, vector<256x128xi32>
    %gt3A_1819 = arith.cmpf ogt, %select_n3A_1801, %select_n3A_1813 : vector<256x128xf32>
    %eq3A_1820 = arith.cmpf oeq, %select_n3A_1801, %select_n3A_1813 : vector<256x128xf32>
    %lt3A_1821 = arith.cmpi slt, %select_n3A_1802, %select_n3A_1818 : vector<256x128xi32>
    %and3A_1822 = arith.andi %eq3A_1820, %lt3A_1821 : vector<256x128xi1>
    %or3A_1823 = arith.ori %gt3A_1819, %and3A_1822 : vector<256x128xi1>
    %eq3A_1824 = arith.xori %eq3A_1744, %eq3A_1808 : vector<256x128xi1>
    %eq3A_1825 = arith.constant dense<true> : vector<256x128xi1>
    %eq3A_1826 = arith.xori %eq3A_1824, %eq3A_1825 : vector<256x128xi1>
    %eq3A_1827 = arith.xori %or3A_1823, %eq3A_1826 : vector<256x128xi1>
    %eq3A_1828 = arith.constant dense<true> : vector<256x128xi1>
    %eq3A_1829 = arith.xori %eq3A_1827, %eq3A_1828 : vector<256x128xi1>
    %select_n3A_1830 = arith.select %eq3A_1829, %select_n3A_1801, %select_n3A_1813 : vector<256x128xi1>, vector<256x128xf32>
    %select_n3A_1831 = arith.select %eq3A_1829, %select_n3A_1802, %select_n3A_1818 : vector<256x128xi1>, vector<256x128xi32>
    %and3A_1832 = arith.constant 128 : i32
    %and3A_1833 = vector.broadcast %and3A_1832 : i32 to vector<256x128xi32>
    %and3A_1834 = arith.andi %add3A_83, %and3A_1833 : vector<256x128xi32>
    %eq3A_1835 = arith.constant 0 : i32
    %eq3A_1836 = vector.broadcast %eq3A_1835 : i32 to vector<256x128xi32>
    %eq3A_1837 = arith.cmpi eq, %and3A_1834, %eq3A_1836 : vector<256x128xi32>
    %roll3A_1838 = arith.constant 255 : i32
    %roll3A_1839 = tpu.dynamic_rotate %select_n3A_1830 by %roll3A_1838 dim 0 : vector<256x128xf32>, i32 -> vector<256x128xf32>
    %roll3A_1840 = arith.constant 1 : i32
    %roll3A_1841 = tpu.dynamic_rotate %select_n3A_1830 by %roll3A_1840 dim 0 : vector<256x128xf32>, i32 -> vector<256x128xf32>
    %select_n3A_1842 = arith.select %eq3A_1837, %roll3A_1839, %roll3A_1841 : vector<256x128xi1>, vector<256x128xf32>
    %roll3A_1843 = arith.constant 255 : i32
    %roll3A_1844 = tpu.dynamic_rotate %select_n3A_1831 by %roll3A_1843 dim 0 : vector<256x128xi32>, i32 -> vector<256x128xi32>
    %roll3A_1845 = arith.constant 1 : i32
    %roll3A_1846 = tpu.dynamic_rotate %select_n3A_1831 by %roll3A_1845 dim 0 : vector<256x128xi32>, i32 -> vector<256x128xi32>
    %select_n3A_1847 = arith.select %eq3A_1837, %roll3A_1844, %roll3A_1846 : vector<256x128xi1>, vector<256x128xi32>
    %gt3A_1848 = arith.cmpf ogt, %select_n3A_1830, %select_n3A_1842 : vector<256x128xf32>
    %eq3A_1849 = arith.cmpf oeq, %select_n3A_1830, %select_n3A_1842 : vector<256x128xf32>
    %lt3A_1850 = arith.cmpi slt, %select_n3A_1831, %select_n3A_1847 : vector<256x128xi32>
    %and3A_1851 = arith.andi %eq3A_1849, %lt3A_1850 : vector<256x128xi1>
    %or3A_1852 = arith.ori %gt3A_1848, %and3A_1851 : vector<256x128xi1>
    %eq3A_1853 = arith.xori %eq3A_1744, %eq3A_1837 : vector<256x128xi1>
    %eq3A_1854 = arith.constant dense<true> : vector<256x128xi1>
    %eq3A_1855 = arith.xori %eq3A_1853, %eq3A_1854 : vector<256x128xi1>
    %eq3A_1856 = arith.xori %or3A_1852, %eq3A_1855 : vector<256x128xi1>
    %eq3A_1857 = arith.constant dense<true> : vector<256x128xi1>
    %eq3A_1858 = arith.xori %eq3A_1856, %eq3A_1857 : vector<256x128xi1>
    %select_n3A_1859 = arith.select %eq3A_1858, %select_n3A_1830, %select_n3A_1842 : vector<256x128xi1>, vector<256x128xf32>
    %select_n3A_1860 = arith.select %eq3A_1858, %select_n3A_1831, %select_n3A_1847 : vector<256x128xi1>, vector<256x128xi32>
    %and3A_1861 = arith.constant 64 : i32
    %and3A_1862 = vector.broadcast %and3A_1861 : i32 to vector<256x128xi32>
    %and3A_1863 = arith.andi %add3A_83, %and3A_1862 : vector<256x128xi32>
    %eq3A_1864 = arith.constant 0 : i32
    %eq3A_1865 = vector.broadcast %eq3A_1864 : i32 to vector<256x128xi32>
    %eq3A_1866 = arith.cmpi eq, %and3A_1863, %eq3A_1865 : vector<256x128xi32>
    %roll3A_1867 = arith.constant 64 : i32
    %roll3A_1868 = tpu.dynamic_rotate %select_n3A_1859 by %roll3A_1867 dim 1 : vector<256x128xf32>, i32 -> vector<256x128xf32>
    %roll3A_1869 = arith.constant 64 : i32
    %roll3A_1870 = tpu.dynamic_rotate %select_n3A_1859 by %roll3A_1869 dim 1 : vector<256x128xf32>, i32 -> vector<256x128xf32>
    %select_n3A_1871 = arith.select %eq3A_1866, %roll3A_1868, %roll3A_1870 : vector<256x128xi1>, vector<256x128xf32>
    %roll3A_1872 = arith.constant 64 : i32
    %roll3A_1873 = tpu.dynamic_rotate %select_n3A_1860 by %roll3A_1872 dim 1 : vector<256x128xi32>, i32 -> vector<256x128xi32>
    %roll3A_1874 = arith.constant 64 : i32
    %roll3A_1875 = tpu.dynamic_rotate %select_n3A_1860 by %roll3A_1874 dim 1 : vector<256x128xi32>, i32 -> vector<256x128xi32>
    %select_n3A_1876 = arith.select %eq3A_1866, %roll3A_1873, %roll3A_1875 : vector<256x128xi1>, vector<256x128xi32>
    %gt3A_1877 = arith.cmpf ogt, %select_n3A_1859, %select_n3A_1871 : vector<256x128xf32>
    %eq3A_1878 = arith.cmpf oeq, %select_n3A_1859, %select_n3A_1871 : vector<256x128xf32>
    %lt3A_1879 = arith.cmpi slt, %select_n3A_1860, %select_n3A_1876 : vector<256x128xi32>
    %and3A_1880 = arith.andi %eq3A_1878, %lt3A_1879 : vector<256x128xi1>
    %or3A_1881 = arith.ori %gt3A_1877, %and3A_1880 : vector<256x128xi1>
    %eq3A_1882 = arith.xori %eq3A_1744, %eq3A_1866 : vector<256x128xi1>
    %eq3A_1883 = arith.constant dense<true> : vector<256x128xi1>
    %eq3A_1884 = arith.xori %eq3A_1882, %eq3A_1883 : vector<256x128xi1>
    %eq3A_1885 = arith.xori %or3A_1881, %eq3A_1884 : vector<256x128xi1>
    %eq3A_1886 = arith.constant dense<true> : vector<256x128xi1>
    %eq3A_1887 = arith.xori %eq3A_1885, %eq3A_1886 : vector<256x128xi1>
    %select_n3A_1888 = arith.select %eq3A_1887, %select_n3A_1859, %select_n3A_1871 : vector<256x128xi1>, vector<256x128xf32>
    %select_n3A_1889 = arith.select %eq3A_1887, %select_n3A_1860, %select_n3A_1876 : vector<256x128xi1>, vector<256x128xi32>
    %and3A_1890 = arith.constant 32 : i32
    %and3A_1891 = vector.broadcast %and3A_1890 : i32 to vector<256x128xi32>
    %and3A_1892 = arith.andi %add3A_83, %and3A_1891 : vector<256x128xi32>
    %eq3A_1893 = arith.constant 0 : i32
    %eq3A_1894 = vector.broadcast %eq3A_1893 : i32 to vector<256x128xi32>
    %eq3A_1895 = arith.cmpi eq, %and3A_1892, %eq3A_1894 : vector<256x128xi32>
    %roll3A_1896 = arith.constant 96 : i32
    %roll3A_1897 = tpu.dynamic_rotate %select_n3A_1888 by %roll3A_1896 dim 1 : vector<256x128xf32>, i32 -> vector<256x128xf32>
    %roll3A_1898 = arith.constant 32 : i32
    %roll3A_1899 = tpu.dynamic_rotate %select_n3A_1888 by %roll3A_1898 dim 1 : vector<256x128xf32>, i32 -> vector<256x128xf32>
    %select_n3A_1900 = arith.select %eq3A_1895, %roll3A_1897, %roll3A_1899 : vector<256x128xi1>, vector<256x128xf32>
    %roll3A_1901 = arith.constant 96 : i32
    %roll3A_1902 = tpu.dynamic_rotate %select_n3A_1889 by %roll3A_1901 dim 1 : vector<256x128xi32>, i32 -> vector<256x128xi32>
    %roll3A_1903 = arith.constant 32 : i32
    %roll3A_1904 = tpu.dynamic_rotate %select_n3A_1889 by %roll3A_1903 dim 1 : vector<256x128xi32>, i32 -> vector<256x128xi32>
    %select_n3A_1905 = arith.select %eq3A_1895, %roll3A_1902, %roll3A_1904 : vector<256x128xi1>, vector<256x128xi32>
    %gt3A_1906 = arith.cmpf ogt, %select_n3A_1888, %select_n3A_1900 : vector<256x128xf32>
    %eq3A_1907 = arith.cmpf oeq, %select_n3A_1888, %select_n3A_1900 : vector<256x128xf32>
    %lt3A_1908 = arith.cmpi slt, %select_n3A_1889, %select_n3A_1905 : vector<256x128xi32>
    %and3A_1909 = arith.andi %eq3A_1907, %lt3A_1908 : vector<256x128xi1>
    %or3A_1910 = arith.ori %gt3A_1906, %and3A_1909 : vector<256x128xi1>
    %eq3A_1911 = arith.xori %eq3A_1744, %eq3A_1895 : vector<256x128xi1>
    %eq3A_1912 = arith.constant dense<true> : vector<256x128xi1>
    %eq3A_1913 = arith.xori %eq3A_1911, %eq3A_1912 : vector<256x128xi1>
    %eq3A_1914 = arith.xori %or3A_1910, %eq3A_1913 : vector<256x128xi1>
    %eq3A_1915 = arith.constant dense<true> : vector<256x128xi1>
    %eq3A_1916 = arith.xori %eq3A_1914, %eq3A_1915 : vector<256x128xi1>
    %select_n3A_1917 = arith.select %eq3A_1916, %select_n3A_1888, %select_n3A_1900 : vector<256x128xi1>, vector<256x128xf32>
    %select_n3A_1918 = arith.select %eq3A_1916, %select_n3A_1889, %select_n3A_1905 : vector<256x128xi1>, vector<256x128xi32>
    %and3A_1919 = arith.constant 16 : i32
    %and3A_1920 = vector.broadcast %and3A_1919 : i32 to vector<256x128xi32>
    %and3A_1921 = arith.andi %add3A_83, %and3A_1920 : vector<256x128xi32>
    %eq3A_1922 = arith.constant 0 : i32
    %eq3A_1923 = vector.broadcast %eq3A_1922 : i32 to vector<256x128xi32>
    %eq3A_1924 = arith.cmpi eq, %and3A_1921, %eq3A_1923 : vector<256x128xi32>
    %roll3A_1925 = arith.constant 112 : i32
    %roll3A_1926 = tpu.dynamic_rotate %select_n3A_1917 by %roll3A_1925 dim 1 : vector<256x128xf32>, i32 -> vector<256x128xf32>
    %roll3A_1927 = arith.constant 16 : i32
    %roll3A_1928 = tpu.dynamic_rotate %select_n3A_1917 by %roll3A_1927 dim 1 : vector<256x128xf32>, i32 -> vector<256x128xf32>
    %select_n3A_1929 = arith.select %eq3A_1924, %roll3A_1926, %roll3A_1928 : vector<256x128xi1>, vector<256x128xf32>
    %roll3A_1930 = arith.constant 112 : i32
    %roll3A_1931 = tpu.dynamic_rotate %select_n3A_1918 by %roll3A_1930 dim 1 : vector<256x128xi32>, i32 -> vector<256x128xi32>
    %roll3A_1932 = arith.constant 16 : i32
    %roll3A_1933 = tpu.dynamic_rotate %select_n3A_1918 by %roll3A_1932 dim 1 : vector<256x128xi32>, i32 -> vector<256x128xi32>
    %select_n3A_1934 = arith.select %eq3A_1924, %roll3A_1931, %roll3A_1933 : vector<256x128xi1>, vector<256x128xi32>
    %gt3A_1935 = arith.cmpf ogt, %select_n3A_1917, %select_n3A_1929 : vector<256x128xf32>
    %eq3A_1936 = arith.cmpf oeq, %select_n3A_1917, %select_n3A_1929 : vector<256x128xf32>
    %lt3A_1937 = arith.cmpi slt, %select_n3A_1918, %select_n3A_1934 : vector<256x128xi32>
    %and3A_1938 = arith.andi %eq3A_1936, %lt3A_1937 : vector<256x128xi1>
    %or3A_1939 = arith.ori %gt3A_1935, %and3A_1938 : vector<256x128xi1>
    %eq3A_1940 = arith.xori %eq3A_1744, %eq3A_1924 : vector<256x128xi1>
    %eq3A_1941 = arith.constant dense<true> : vector<256x128xi1>
    %eq3A_1942 = arith.xori %eq3A_1940, %eq3A_1941 : vector<256x128xi1>
    %eq3A_1943 = arith.xori %or3A_1939, %eq3A_1942 : vector<256x128xi1>
    %eq3A_1944 = arith.constant dense<true> : vector<256x128xi1>
    %eq3A_1945 = arith.xori %eq3A_1943, %eq3A_1944 : vector<256x128xi1>
    %select_n3A_1946 = arith.select %eq3A_1945, %select_n3A_1917, %select_n3A_1929 : vector<256x128xi1>, vector<256x128xf32>
    %select_n3A_1947 = arith.select %eq3A_1945, %select_n3A_1918, %select_n3A_1934 : vector<256x128xi1>, vector<256x128xi32>
    %and3A_1948 = arith.constant 8 : i32
    %and3A_1949 = vector.broadcast %and3A_1948 : i32 to vector<256x128xi32>
    %and3A_1950 = arith.andi %add3A_83, %and3A_1949 : vector<256x128xi32>
    %eq3A_1951 = arith.constant 0 : i32
    %eq3A_1952 = vector.broadcast %eq3A_1951 : i32 to vector<256x128xi32>
    %eq3A_1953 = arith.cmpi eq, %and3A_1950, %eq3A_1952 : vector<256x128xi32>
    %roll3A_1954 = arith.constant 120 : i32
    %roll3A_1955 = tpu.dynamic_rotate %select_n3A_1946 by %roll3A_1954 dim 1 : vector<256x128xf32>, i32 -> vector<256x128xf32>
    %roll3A_1956 = arith.constant 8 : i32
    %roll3A_1957 = tpu.dynamic_rotate %select_n3A_1946 by %roll3A_1956 dim 1 : vector<256x128xf32>, i32 -> vector<256x128xf32>
    %select_n3A_1958 = arith.select %eq3A_1953, %roll3A_1955, %roll3A_1957 : vector<256x128xi1>, vector<256x128xf32>
    %roll3A_1959 = arith.constant 120 : i32
    %roll3A_1960 = tpu.dynamic_rotate %select_n3A_1947 by %roll3A_1959 dim 1 : vector<256x128xi32>, i32 -> vector<256x128xi32>
    %roll3A_1961 = arith.constant 8 : i32
    %roll3A_1962 = tpu.dynamic_rotate %select_n3A_1947 by %roll3A_1961 dim 1 : vector<256x128xi32>, i32 -> vector<256x128xi32>
    %select_n3A_1963 = arith.select %eq3A_1953, %roll3A_1960, %roll3A_1962 : vector<256x128xi1>, vector<256x128xi32>
    %gt3A_1964 = arith.cmpf ogt, %select_n3A_1946, %select_n3A_1958 : vector<256x128xf32>
    %eq3A_1965 = arith.cmpf oeq, %select_n3A_1946, %select_n3A_1958 : vector<256x128xf32>
    %lt3A_1966 = arith.cmpi slt, %select_n3A_1947, %select_n3A_1963 : vector<256x128xi32>
    %and3A_1967 = arith.andi %eq3A_1965, %lt3A_1966 : vector<256x128xi1>
    %or3A_1968 = arith.ori %gt3A_1964, %and3A_1967 : vector<256x128xi1>
    %eq3A_1969 = arith.xori %eq3A_1744, %eq3A_1953 : vector<256x128xi1>
    %eq3A_1970 = arith.constant dense<true> : vector<256x128xi1>
    %eq3A_1971 = arith.xori %eq3A_1969, %eq3A_1970 : vector<256x128xi1>
    %eq3A_1972 = arith.xori %or3A_1968, %eq3A_1971 : vector<256x128xi1>
    %eq3A_1973 = arith.constant dense<true> : vector<256x128xi1>
    %eq3A_1974 = arith.xori %eq3A_1972, %eq3A_1973 : vector<256x128xi1>
    %select_n3A_1975 = arith.select %eq3A_1974, %select_n3A_1946, %select_n3A_1958 : vector<256x128xi1>, vector<256x128xf32>
    %select_n3A_1976 = arith.select %eq3A_1974, %select_n3A_1947, %select_n3A_1963 : vector<256x128xi1>, vector<256x128xi32>
    %and3A_1977 = arith.constant 4 : i32
    %and3A_1978 = vector.broadcast %and3A_1977 : i32 to vector<256x128xi32>
    %and3A_1979 = arith.andi %add3A_83, %and3A_1978 : vector<256x128xi32>
    %eq3A_1980 = arith.constant 0 : i32
    %eq3A_1981 = vector.broadcast %eq3A_1980 : i32 to vector<256x128xi32>
    %eq3A_1982 = arith.cmpi eq, %and3A_1979, %eq3A_1981 : vector<256x128xi32>
    %roll3A_1983 = arith.constant 124 : i32
    %roll3A_1984 = tpu.dynamic_rotate %select_n3A_1975 by %roll3A_1983 dim 1 : vector<256x128xf32>, i32 -> vector<256x128xf32>
    %roll3A_1985 = arith.constant 4 : i32
    %roll3A_1986 = tpu.dynamic_rotate %select_n3A_1975 by %roll3A_1985 dim 1 : vector<256x128xf32>, i32 -> vector<256x128xf32>
    %select_n3A_1987 = arith.select %eq3A_1982, %roll3A_1984, %roll3A_1986 : vector<256x128xi1>, vector<256x128xf32>
    %roll3A_1988 = arith.constant 124 : i32
    %roll3A_1989 = tpu.dynamic_rotate %select_n3A_1976 by %roll3A_1988 dim 1 : vector<256x128xi32>, i32 -> vector<256x128xi32>
    %roll3A_1990 = arith.constant 4 : i32
    %roll3A_1991 = tpu.dynamic_rotate %select_n3A_1976 by %roll3A_1990 dim 1 : vector<256x128xi32>, i32 -> vector<256x128xi32>
    %select_n3A_1992 = arith.select %eq3A_1982, %roll3A_1989, %roll3A_1991 : vector<256x128xi1>, vector<256x128xi32>
    %gt3A_1993 = arith.cmpf ogt, %select_n3A_1975, %select_n3A_1987 : vector<256x128xf32>
    %eq3A_1994 = arith.cmpf oeq, %select_n3A_1975, %select_n3A_1987 : vector<256x128xf32>
    %lt3A_1995 = arith.cmpi slt, %select_n3A_1976, %select_n3A_1992 : vector<256x128xi32>
    %and3A_1996 = arith.andi %eq3A_1994, %lt3A_1995 : vector<256x128xi1>
    %or3A_1997 = arith.ori %gt3A_1993, %and3A_1996 : vector<256x128xi1>
    %eq3A_1998 = arith.xori %eq3A_1744, %eq3A_1982 : vector<256x128xi1>
    %eq3A_1999 = arith.constant dense<true> : vector<256x128xi1>
    %eq3A_2000 = arith.xori %eq3A_1998, %eq3A_1999 : vector<256x128xi1>
    %eq3A_2001 = arith.xori %or3A_1997, %eq3A_2000 : vector<256x128xi1>
    %eq3A_2002 = arith.constant dense<true> : vector<256x128xi1>
    %eq3A_2003 = arith.xori %eq3A_2001, %eq3A_2002 : vector<256x128xi1>
    %select_n3A_2004 = arith.select %eq3A_2003, %select_n3A_1975, %select_n3A_1987 : vector<256x128xi1>, vector<256x128xf32>
    %select_n3A_2005 = arith.select %eq3A_2003, %select_n3A_1976, %select_n3A_1992 : vector<256x128xi1>, vector<256x128xi32>
    %and3A_2006 = arith.constant 2 : i32
    %and3A_2007 = vector.broadcast %and3A_2006 : i32 to vector<256x128xi32>
    %and3A_2008 = arith.andi %add3A_83, %and3A_2007 : vector<256x128xi32>
    %eq3A_2009 = arith.constant 0 : i32
    %eq3A_2010 = vector.broadcast %eq3A_2009 : i32 to vector<256x128xi32>
    %eq3A_2011 = arith.cmpi eq, %and3A_2008, %eq3A_2010 : vector<256x128xi32>
    %roll3A_2012 = arith.constant 126 : i32
    %roll3A_2013 = tpu.dynamic_rotate %select_n3A_2004 by %roll3A_2012 dim 1 : vector<256x128xf32>, i32 -> vector<256x128xf32>
    %roll3A_2014 = arith.constant 2 : i32
    %roll3A_2015 = tpu.dynamic_rotate %select_n3A_2004 by %roll3A_2014 dim 1 : vector<256x128xf32>, i32 -> vector<256x128xf32>
    %select_n3A_2016 = arith.select %eq3A_2011, %roll3A_2013, %roll3A_2015 : vector<256x128xi1>, vector<256x128xf32>
    %roll3A_2017 = arith.constant 126 : i32
    %roll3A_2018 = tpu.dynamic_rotate %select_n3A_2005 by %roll3A_2017 dim 1 : vector<256x128xi32>, i32 -> vector<256x128xi32>
    %roll3A_2019 = arith.constant 2 : i32
    %roll3A_2020 = tpu.dynamic_rotate %select_n3A_2005 by %roll3A_2019 dim 1 : vector<256x128xi32>, i32 -> vector<256x128xi32>
    %select_n3A_2021 = arith.select %eq3A_2011, %roll3A_2018, %roll3A_2020 : vector<256x128xi1>, vector<256x128xi32>
    %gt3A_2022 = arith.cmpf ogt, %select_n3A_2004, %select_n3A_2016 : vector<256x128xf32>
    %eq3A_2023 = arith.cmpf oeq, %select_n3A_2004, %select_n3A_2016 : vector<256x128xf32>
    %lt3A_2024 = arith.cmpi slt, %select_n3A_2005, %select_n3A_2021 : vector<256x128xi32>
    %and3A_2025 = arith.andi %eq3A_2023, %lt3A_2024 : vector<256x128xi1>
    %or3A_2026 = arith.ori %gt3A_2022, %and3A_2025 : vector<256x128xi1>
    %eq3A_2027 = arith.xori %eq3A_1744, %eq3A_2011 : vector<256x128xi1>
    %eq3A_2028 = arith.constant dense<true> : vector<256x128xi1>
    %eq3A_2029 = arith.xori %eq3A_2027, %eq3A_2028 : vector<256x128xi1>
    %eq3A_2030 = arith.xori %or3A_2026, %eq3A_2029 : vector<256x128xi1>
    %eq3A_2031 = arith.constant dense<true> : vector<256x128xi1>
    %eq3A_2032 = arith.xori %eq3A_2030, %eq3A_2031 : vector<256x128xi1>
    %select_n3A_2033 = arith.select %eq3A_2032, %select_n3A_2004, %select_n3A_2016 : vector<256x128xi1>, vector<256x128xf32>
    %select_n3A_2034 = arith.select %eq3A_2032, %select_n3A_2005, %select_n3A_2021 : vector<256x128xi1>, vector<256x128xi32>
    %and3A_2035 = arith.constant 1 : i32
    %and3A_2036 = vector.broadcast %and3A_2035 : i32 to vector<256x128xi32>
    %and3A_2037 = arith.andi %add3A_83, %and3A_2036 : vector<256x128xi32>
    %eq3A_2038 = arith.constant 0 : i32
    %eq3A_2039 = vector.broadcast %eq3A_2038 : i32 to vector<256x128xi32>
    %eq3A_2040 = arith.cmpi eq, %and3A_2037, %eq3A_2039 : vector<256x128xi32>
    %roll3A_2041 = arith.constant 127 : i32
    %roll3A_2042 = tpu.dynamic_rotate %select_n3A_2033 by %roll3A_2041 dim 1 : vector<256x128xf32>, i32 -> vector<256x128xf32>
    %roll3A_2043 = arith.constant 1 : i32
    %roll3A_2044 = tpu.dynamic_rotate %select_n3A_2033 by %roll3A_2043 dim 1 : vector<256x128xf32>, i32 -> vector<256x128xf32>
    %select_n3A_2045 = arith.select %eq3A_2040, %roll3A_2042, %roll3A_2044 : vector<256x128xi1>, vector<256x128xf32>
    %roll3A_2046 = arith.constant 127 : i32
    %roll3A_2047 = tpu.dynamic_rotate %select_n3A_2034 by %roll3A_2046 dim 1 : vector<256x128xi32>, i32 -> vector<256x128xi32>
    %roll3A_2048 = arith.constant 1 : i32
    %roll3A_2049 = tpu.dynamic_rotate %select_n3A_2034 by %roll3A_2048 dim 1 : vector<256x128xi32>, i32 -> vector<256x128xi32>
    %select_n3A_2050 = arith.select %eq3A_2040, %roll3A_2047, %roll3A_2049 : vector<256x128xi1>, vector<256x128xi32>
    %gt3A_2051 = arith.cmpf ogt, %select_n3A_2033, %select_n3A_2045 : vector<256x128xf32>
    %eq3A_2052 = arith.cmpf oeq, %select_n3A_2033, %select_n3A_2045 : vector<256x128xf32>
    %lt3A_2053 = arith.cmpi slt, %select_n3A_2034, %select_n3A_2050 : vector<256x128xi32>
    %and3A_2054 = arith.andi %eq3A_2052, %lt3A_2053 : vector<256x128xi1>
    %or3A_2055 = arith.ori %gt3A_2051, %and3A_2054 : vector<256x128xi1>
    %eq3A_2056 = arith.xori %eq3A_1744, %eq3A_2040 : vector<256x128xi1>
    %eq3A_2057 = arith.constant dense<true> : vector<256x128xi1>
    %eq3A_2058 = arith.xori %eq3A_2056, %eq3A_2057 : vector<256x128xi1>
    %eq3A_2059 = arith.xori %or3A_2055, %eq3A_2058 : vector<256x128xi1>
    %eq3A_2060 = arith.constant dense<true> : vector<256x128xi1>
    %eq3A_2061 = arith.xori %eq3A_2059, %eq3A_2060 : vector<256x128xi1>
    %select_n3A_2062 = arith.select %eq3A_2061, %select_n3A_2033, %select_n3A_2045 : vector<256x128xi1>, vector<256x128xf32>
    %select_n3A_2063 = arith.select %eq3A_2061, %select_n3A_2034, %select_n3A_2050 : vector<256x128xi1>, vector<256x128xi32>
    %and3A_2064 = arith.constant 4096 : i32
    %and3A_2065 = vector.broadcast %and3A_2064 : i32 to vector<256x128xi32>
    %and3A_2066 = arith.andi %add3A_83, %and3A_2065 : vector<256x128xi32>
    %eq3A_2067 = arith.constant 0 : i32
    %eq3A_2068 = vector.broadcast %eq3A_2067 : i32 to vector<256x128xi32>
    %eq3A_2069 = arith.cmpi eq, %and3A_2066, %eq3A_2068 : vector<256x128xi32>
    %and3A_2070 = arith.constant 2048 : i32
    %and3A_2071 = vector.broadcast %and3A_2070 : i32 to vector<256x128xi32>
    %and3A_2072 = arith.andi %add3A_83, %and3A_2071 : vector<256x128xi32>
    %eq3A_2073 = arith.constant 0 : i32
    %eq3A_2074 = vector.broadcast %eq3A_2073 : i32 to vector<256x128xi32>
    %eq3A_2075 = arith.cmpi eq, %and3A_2072, %eq3A_2074 : vector<256x128xi32>
    %roll3A_2076 = arith.constant 240 : i32
    %roll3A_2077 = tpu.dynamic_rotate %select_n3A_2062 by %roll3A_2076 dim 0 : vector<256x128xf32>, i32 -> vector<256x128xf32>
    %roll3A_2078 = arith.constant 16 : i32
    %roll3A_2079 = tpu.dynamic_rotate %select_n3A_2062 by %roll3A_2078 dim 0 : vector<256x128xf32>, i32 -> vector<256x128xf32>
    %select_n3A_2080 = arith.select %eq3A_2075, %roll3A_2077, %roll3A_2079 : vector<256x128xi1>, vector<256x128xf32>
    %roll3A_2081 = arith.constant 240 : i32
    %roll3A_2082 = tpu.dynamic_rotate %select_n3A_2063 by %roll3A_2081 dim 0 : vector<256x128xi32>, i32 -> vector<256x128xi32>
    %roll3A_2083 = arith.constant 16 : i32
    %roll3A_2084 = tpu.dynamic_rotate %select_n3A_2063 by %roll3A_2083 dim 0 : vector<256x128xi32>, i32 -> vector<256x128xi32>
    %select_n3A_2085 = arith.select %eq3A_2075, %roll3A_2082, %roll3A_2084 : vector<256x128xi1>, vector<256x128xi32>
    %gt3A_2086 = arith.cmpf ogt, %select_n3A_2062, %select_n3A_2080 : vector<256x128xf32>
    %eq3A_2087 = arith.cmpf oeq, %select_n3A_2062, %select_n3A_2080 : vector<256x128xf32>
    %lt3A_2088 = arith.cmpi slt, %select_n3A_2063, %select_n3A_2085 : vector<256x128xi32>
    %and3A_2089 = arith.andi %eq3A_2087, %lt3A_2088 : vector<256x128xi1>
    %or3A_2090 = arith.ori %gt3A_2086, %and3A_2089 : vector<256x128xi1>
    %eq3A_2091 = arith.xori %eq3A_2069, %eq3A_2075 : vector<256x128xi1>
    %eq3A_2092 = arith.constant dense<true> : vector<256x128xi1>
    %eq3A_2093 = arith.xori %eq3A_2091, %eq3A_2092 : vector<256x128xi1>
    %eq3A_2094 = arith.xori %or3A_2090, %eq3A_2093 : vector<256x128xi1>
    %eq3A_2095 = arith.constant dense<true> : vector<256x128xi1>
    %eq3A_2096 = arith.xori %eq3A_2094, %eq3A_2095 : vector<256x128xi1>
    %select_n3A_2097 = arith.select %eq3A_2096, %select_n3A_2062, %select_n3A_2080 : vector<256x128xi1>, vector<256x128xf32>
    %select_n3A_2098 = arith.select %eq3A_2096, %select_n3A_2063, %select_n3A_2085 : vector<256x128xi1>, vector<256x128xi32>
    %and3A_2099 = arith.constant 1024 : i32
    %and3A_2100 = vector.broadcast %and3A_2099 : i32 to vector<256x128xi32>
    %and3A_2101 = arith.andi %add3A_83, %and3A_2100 : vector<256x128xi32>
    %eq3A_2102 = arith.constant 0 : i32
    %eq3A_2103 = vector.broadcast %eq3A_2102 : i32 to vector<256x128xi32>
    %eq3A_2104 = arith.cmpi eq, %and3A_2101, %eq3A_2103 : vector<256x128xi32>
    %roll3A_2105 = arith.constant 248 : i32
    %roll3A_2106 = tpu.dynamic_rotate %select_n3A_2097 by %roll3A_2105 dim 0 : vector<256x128xf32>, i32 -> vector<256x128xf32>
    %roll3A_2107 = arith.constant 8 : i32
    %roll3A_2108 = tpu.dynamic_rotate %select_n3A_2097 by %roll3A_2107 dim 0 : vector<256x128xf32>, i32 -> vector<256x128xf32>
    %select_n3A_2109 = arith.select %eq3A_2104, %roll3A_2106, %roll3A_2108 : vector<256x128xi1>, vector<256x128xf32>
    %roll3A_2110 = arith.constant 248 : i32
    %roll3A_2111 = tpu.dynamic_rotate %select_n3A_2098 by %roll3A_2110 dim 0 : vector<256x128xi32>, i32 -> vector<256x128xi32>
    %roll3A_2112 = arith.constant 8 : i32
    %roll3A_2113 = tpu.dynamic_rotate %select_n3A_2098 by %roll3A_2112 dim 0 : vector<256x128xi32>, i32 -> vector<256x128xi32>
    %select_n3A_2114 = arith.select %eq3A_2104, %roll3A_2111, %roll3A_2113 : vector<256x128xi1>, vector<256x128xi32>
    %gt3A_2115 = arith.cmpf ogt, %select_n3A_2097, %select_n3A_2109 : vector<256x128xf32>
    %eq3A_2116 = arith.cmpf oeq, %select_n3A_2097, %select_n3A_2109 : vector<256x128xf32>
    %lt3A_2117 = arith.cmpi slt, %select_n3A_2098, %select_n3A_2114 : vector<256x128xi32>
    %and3A_2118 = arith.andi %eq3A_2116, %lt3A_2117 : vector<256x128xi1>
    %or3A_2119 = arith.ori %gt3A_2115, %and3A_2118 : vector<256x128xi1>
    %eq3A_2120 = arith.xori %eq3A_2069, %eq3A_2104 : vector<256x128xi1>
    %eq3A_2121 = arith.constant dense<true> : vector<256x128xi1>
    %eq3A_2122 = arith.xori %eq3A_2120, %eq3A_2121 : vector<256x128xi1>
    %eq3A_2123 = arith.xori %or3A_2119, %eq3A_2122 : vector<256x128xi1>
    %eq3A_2124 = arith.constant dense<true> : vector<256x128xi1>
    %eq3A_2125 = arith.xori %eq3A_2123, %eq3A_2124 : vector<256x128xi1>
    %select_n3A_2126 = arith.select %eq3A_2125, %select_n3A_2097, %select_n3A_2109 : vector<256x128xi1>, vector<256x128xf32>
    %select_n3A_2127 = arith.select %eq3A_2125, %select_n3A_2098, %select_n3A_2114 : vector<256x128xi1>, vector<256x128xi32>
    %and3A_2128 = arith.constant 512 : i32
    %and3A_2129 = vector.broadcast %and3A_2128 : i32 to vector<256x128xi32>
    %and3A_2130 = arith.andi %add3A_83, %and3A_2129 : vector<256x128xi32>
    %eq3A_2131 = arith.constant 0 : i32
    %eq3A_2132 = vector.broadcast %eq3A_2131 : i32 to vector<256x128xi32>
    %eq3A_2133 = arith.cmpi eq, %and3A_2130, %eq3A_2132 : vector<256x128xi32>
    %roll3A_2134 = arith.constant 252 : i32
    %roll3A_2135 = tpu.dynamic_rotate %select_n3A_2126 by %roll3A_2134 dim 0 : vector<256x128xf32>, i32 -> vector<256x128xf32>
    %roll3A_2136 = arith.constant 4 : i32
    %roll3A_2137 = tpu.dynamic_rotate %select_n3A_2126 by %roll3A_2136 dim 0 : vector<256x128xf32>, i32 -> vector<256x128xf32>
    %select_n3A_2138 = arith.select %eq3A_2133, %roll3A_2135, %roll3A_2137 : vector<256x128xi1>, vector<256x128xf32>
    %roll3A_2139 = arith.constant 252 : i32
    %roll3A_2140 = tpu.dynamic_rotate %select_n3A_2127 by %roll3A_2139 dim 0 : vector<256x128xi32>, i32 -> vector<256x128xi32>
    %roll3A_2141 = arith.constant 4 : i32
    %roll3A_2142 = tpu.dynamic_rotate %select_n3A_2127 by %roll3A_2141 dim 0 : vector<256x128xi32>, i32 -> vector<256x128xi32>
    %select_n3A_2143 = arith.select %eq3A_2133, %roll3A_2140, %roll3A_2142 : vector<256x128xi1>, vector<256x128xi32>
    %gt3A_2144 = arith.cmpf ogt, %select_n3A_2126, %select_n3A_2138 : vector<256x128xf32>
    %eq3A_2145 = arith.cmpf oeq, %select_n3A_2126, %select_n3A_2138 : vector<256x128xf32>
    %lt3A_2146 = arith.cmpi slt, %select_n3A_2127, %select_n3A_2143 : vector<256x128xi32>
    %and3A_2147 = arith.andi %eq3A_2145, %lt3A_2146 : vector<256x128xi1>
    %or3A_2148 = arith.ori %gt3A_2144, %and3A_2147 : vector<256x128xi1>
    %eq3A_2149 = arith.xori %eq3A_2069, %eq3A_2133 : vector<256x128xi1>
    %eq3A_2150 = arith.constant dense<true> : vector<256x128xi1>
    %eq3A_2151 = arith.xori %eq3A_2149, %eq3A_2150 : vector<256x128xi1>
    %eq3A_2152 = arith.xori %or3A_2148, %eq3A_2151 : vector<256x128xi1>
    %eq3A_2153 = arith.constant dense<true> : vector<256x128xi1>
    %eq3A_2154 = arith.xori %eq3A_2152, %eq3A_2153 : vector<256x128xi1>
    %select_n3A_2155 = arith.select %eq3A_2154, %select_n3A_2126, %select_n3A_2138 : vector<256x128xi1>, vector<256x128xf32>
    %select_n3A_2156 = arith.select %eq3A_2154, %select_n3A_2127, %select_n3A_2143 : vector<256x128xi1>, vector<256x128xi32>
    %and3A_2157 = arith.constant 256 : i32
    %and3A_2158 = vector.broadcast %and3A_2157 : i32 to vector<256x128xi32>
    %and3A_2159 = arith.andi %add3A_83, %and3A_2158 : vector<256x128xi32>
    %eq3A_2160 = arith.constant 0 : i32
    %eq3A_2161 = vector.broadcast %eq3A_2160 : i32 to vector<256x128xi32>
    %eq3A_2162 = arith.cmpi eq, %and3A_2159, %eq3A_2161 : vector<256x128xi32>
    %roll3A_2163 = arith.constant 254 : i32
    %roll3A_2164 = tpu.dynamic_rotate %select_n3A_2155 by %roll3A_2163 dim 0 : vector<256x128xf32>, i32 -> vector<256x128xf32>
    %roll3A_2165 = arith.constant 2 : i32
    %roll3A_2166 = tpu.dynamic_rotate %select_n3A_2155 by %roll3A_2165 dim 0 : vector<256x128xf32>, i32 -> vector<256x128xf32>
    %select_n3A_2167 = arith.select %eq3A_2162, %roll3A_2164, %roll3A_2166 : vector<256x128xi1>, vector<256x128xf32>
    %roll3A_2168 = arith.constant 254 : i32
    %roll3A_2169 = tpu.dynamic_rotate %select_n3A_2156 by %roll3A_2168 dim 0 : vector<256x128xi32>, i32 -> vector<256x128xi32>
    %roll3A_2170 = arith.constant 2 : i32
    %roll3A_2171 = tpu.dynamic_rotate %select_n3A_2156 by %roll3A_2170 dim 0 : vector<256x128xi32>, i32 -> vector<256x128xi32>
    %select_n3A_2172 = arith.select %eq3A_2162, %roll3A_2169, %roll3A_2171 : vector<256x128xi1>, vector<256x128xi32>
    %gt3A_2173 = arith.cmpf ogt, %select_n3A_2155, %select_n3A_2167 : vector<256x128xf32>
    %eq3A_2174 = arith.cmpf oeq, %select_n3A_2155, %select_n3A_2167 : vector<256x128xf32>
    %lt3A_2175 = arith.cmpi slt, %select_n3A_2156, %select_n3A_2172 : vector<256x128xi32>
    %and3A_2176 = arith.andi %eq3A_2174, %lt3A_2175 : vector<256x128xi1>
    %or3A_2177 = arith.ori %gt3A_2173, %and3A_2176 : vector<256x128xi1>
    %eq3A_2178 = arith.xori %eq3A_2069, %eq3A_2162 : vector<256x128xi1>
    %eq3A_2179 = arith.constant dense<true> : vector<256x128xi1>
    %eq3A_2180 = arith.xori %eq3A_2178, %eq3A_2179 : vector<256x128xi1>
    %eq3A_2181 = arith.xori %or3A_2177, %eq3A_2180 : vector<256x128xi1>
    %eq3A_2182 = arith.constant dense<true> : vector<256x128xi1>
    %eq3A_2183 = arith.xori %eq3A_2181, %eq3A_2182 : vector<256x128xi1>
    %select_n3A_2184 = arith.select %eq3A_2183, %select_n3A_2155, %select_n3A_2167 : vector<256x128xi1>, vector<256x128xf32>
    %select_n3A_2185 = arith.select %eq3A_2183, %select_n3A_2156, %select_n3A_2172 : vector<256x128xi1>, vector<256x128xi32>
    %and3A_2186 = arith.constant 128 : i32
    %and3A_2187 = vector.broadcast %and3A_2186 : i32 to vector<256x128xi32>
    %and3A_2188 = arith.andi %add3A_83, %and3A_2187 : vector<256x128xi32>
    %eq3A_2189 = arith.constant 0 : i32
    %eq3A_2190 = vector.broadcast %eq3A_2189 : i32 to vector<256x128xi32>
    %eq3A_2191 = arith.cmpi eq, %and3A_2188, %eq3A_2190 : vector<256x128xi32>
    %roll3A_2192 = arith.constant 255 : i32
    %roll3A_2193 = tpu.dynamic_rotate %select_n3A_2184 by %roll3A_2192 dim 0 : vector<256x128xf32>, i32 -> vector<256x128xf32>
    %roll3A_2194 = arith.constant 1 : i32
    %roll3A_2195 = tpu.dynamic_rotate %select_n3A_2184 by %roll3A_2194 dim 0 : vector<256x128xf32>, i32 -> vector<256x128xf32>
    %select_n3A_2196 = arith.select %eq3A_2191, %roll3A_2193, %roll3A_2195 : vector<256x128xi1>, vector<256x128xf32>
    %roll3A_2197 = arith.constant 255 : i32
    %roll3A_2198 = tpu.dynamic_rotate %select_n3A_2185 by %roll3A_2197 dim 0 : vector<256x128xi32>, i32 -> vector<256x128xi32>
    %roll3A_2199 = arith.constant 1 : i32
    %roll3A_2200 = tpu.dynamic_rotate %select_n3A_2185 by %roll3A_2199 dim 0 : vector<256x128xi32>, i32 -> vector<256x128xi32>
    %select_n3A_2201 = arith.select %eq3A_2191, %roll3A_2198, %roll3A_2200 : vector<256x128xi1>, vector<256x128xi32>
    %gt3A_2202 = arith.cmpf ogt, %select_n3A_2184, %select_n3A_2196 : vector<256x128xf32>
    %eq3A_2203 = arith.cmpf oeq, %select_n3A_2184, %select_n3A_2196 : vector<256x128xf32>
    %lt3A_2204 = arith.cmpi slt, %select_n3A_2185, %select_n3A_2201 : vector<256x128xi32>
    %and3A_2205 = arith.andi %eq3A_2203, %lt3A_2204 : vector<256x128xi1>
    %or3A_2206 = arith.ori %gt3A_2202, %and3A_2205 : vector<256x128xi1>
    %eq3A_2207 = arith.xori %eq3A_2069, %eq3A_2191 : vector<256x128xi1>
    %eq3A_2208 = arith.constant dense<true> : vector<256x128xi1>
    %eq3A_2209 = arith.xori %eq3A_2207, %eq3A_2208 : vector<256x128xi1>
    %eq3A_2210 = arith.xori %or3A_2206, %eq3A_2209 : vector<256x128xi1>
    %eq3A_2211 = arith.constant dense<true> : vector<256x128xi1>
    %eq3A_2212 = arith.xori %eq3A_2210, %eq3A_2211 : vector<256x128xi1>
    %select_n3A_2213 = arith.select %eq3A_2212, %select_n3A_2184, %select_n3A_2196 : vector<256x128xi1>, vector<256x128xf32>
    %select_n3A_2214 = arith.select %eq3A_2212, %select_n3A_2185, %select_n3A_2201 : vector<256x128xi1>, vector<256x128xi32>
    %and3A_2215 = arith.constant 64 : i32
    %and3A_2216 = vector.broadcast %and3A_2215 : i32 to vector<256x128xi32>
    %and3A_2217 = arith.andi %add3A_83, %and3A_2216 : vector<256x128xi32>
    %eq3A_2218 = arith.constant 0 : i32
    %eq3A_2219 = vector.broadcast %eq3A_2218 : i32 to vector<256x128xi32>
    %eq3A_2220 = arith.cmpi eq, %and3A_2217, %eq3A_2219 : vector<256x128xi32>
    %roll3A_2221 = arith.constant 64 : i32
    %roll3A_2222 = tpu.dynamic_rotate %select_n3A_2213 by %roll3A_2221 dim 1 : vector<256x128xf32>, i32 -> vector<256x128xf32>
    %roll3A_2223 = arith.constant 64 : i32
    %roll3A_2224 = tpu.dynamic_rotate %select_n3A_2213 by %roll3A_2223 dim 1 : vector<256x128xf32>, i32 -> vector<256x128xf32>
    %select_n3A_2225 = arith.select %eq3A_2220, %roll3A_2222, %roll3A_2224 : vector<256x128xi1>, vector<256x128xf32>
    %roll3A_2226 = arith.constant 64 : i32
    %roll3A_2227 = tpu.dynamic_rotate %select_n3A_2214 by %roll3A_2226 dim 1 : vector<256x128xi32>, i32 -> vector<256x128xi32>
    %roll3A_2228 = arith.constant 64 : i32
    %roll3A_2229 = tpu.dynamic_rotate %select_n3A_2214 by %roll3A_2228 dim 1 : vector<256x128xi32>, i32 -> vector<256x128xi32>
    %select_n3A_2230 = arith.select %eq3A_2220, %roll3A_2227, %roll3A_2229 : vector<256x128xi1>, vector<256x128xi32>
    %gt3A_2231 = arith.cmpf ogt, %select_n3A_2213, %select_n3A_2225 : vector<256x128xf32>
    %eq3A_2232 = arith.cmpf oeq, %select_n3A_2213, %select_n3A_2225 : vector<256x128xf32>
    %lt3A_2233 = arith.cmpi slt, %select_n3A_2214, %select_n3A_2230 : vector<256x128xi32>
    %and3A_2234 = arith.andi %eq3A_2232, %lt3A_2233 : vector<256x128xi1>
    %or3A_2235 = arith.ori %gt3A_2231, %and3A_2234 : vector<256x128xi1>
    %eq3A_2236 = arith.xori %eq3A_2069, %eq3A_2220 : vector<256x128xi1>
    %eq3A_2237 = arith.constant dense<true> : vector<256x128xi1>
    %eq3A_2238 = arith.xori %eq3A_2236, %eq3A_2237 : vector<256x128xi1>
    %eq3A_2239 = arith.xori %or3A_2235, %eq3A_2238 : vector<256x128xi1>
    %eq3A_2240 = arith.constant dense<true> : vector<256x128xi1>
    %eq3A_2241 = arith.xori %eq3A_2239, %eq3A_2240 : vector<256x128xi1>
    %select_n3A_2242 = arith.select %eq3A_2241, %select_n3A_2213, %select_n3A_2225 : vector<256x128xi1>, vector<256x128xf32>
    %select_n3A_2243 = arith.select %eq3A_2241, %select_n3A_2214, %select_n3A_2230 : vector<256x128xi1>, vector<256x128xi32>
    %and3A_2244 = arith.constant 32 : i32
    %and3A_2245 = vector.broadcast %and3A_2244 : i32 to vector<256x128xi32>
    %and3A_2246 = arith.andi %add3A_83, %and3A_2245 : vector<256x128xi32>
    %eq3A_2247 = arith.constant 0 : i32
    %eq3A_2248 = vector.broadcast %eq3A_2247 : i32 to vector<256x128xi32>
    %eq3A_2249 = arith.cmpi eq, %and3A_2246, %eq3A_2248 : vector<256x128xi32>
    %roll3A_2250 = arith.constant 96 : i32
    %roll3A_2251 = tpu.dynamic_rotate %select_n3A_2242 by %roll3A_2250 dim 1 : vector<256x128xf32>, i32 -> vector<256x128xf32>
    %roll3A_2252 = arith.constant 32 : i32
    %roll3A_2253 = tpu.dynamic_rotate %select_n3A_2242 by %roll3A_2252 dim 1 : vector<256x128xf32>, i32 -> vector<256x128xf32>
    %select_n3A_2254 = arith.select %eq3A_2249, %roll3A_2251, %roll3A_2253 : vector<256x128xi1>, vector<256x128xf32>
    %roll3A_2255 = arith.constant 96 : i32
    %roll3A_2256 = tpu.dynamic_rotate %select_n3A_2243 by %roll3A_2255 dim 1 : vector<256x128xi32>, i32 -> vector<256x128xi32>
    %roll3A_2257 = arith.constant 32 : i32
    %roll3A_2258 = tpu.dynamic_rotate %select_n3A_2243 by %roll3A_2257 dim 1 : vector<256x128xi32>, i32 -> vector<256x128xi32>
    %select_n3A_2259 = arith.select %eq3A_2249, %roll3A_2256, %roll3A_2258 : vector<256x128xi1>, vector<256x128xi32>
    %gt3A_2260 = arith.cmpf ogt, %select_n3A_2242, %select_n3A_2254 : vector<256x128xf32>
    %eq3A_2261 = arith.cmpf oeq, %select_n3A_2242, %select_n3A_2254 : vector<256x128xf32>
    %lt3A_2262 = arith.cmpi slt, %select_n3A_2243, %select_n3A_2259 : vector<256x128xi32>
    %and3A_2263 = arith.andi %eq3A_2261, %lt3A_2262 : vector<256x128xi1>
    %or3A_2264 = arith.ori %gt3A_2260, %and3A_2263 : vector<256x128xi1>
    %eq3A_2265 = arith.xori %eq3A_2069, %eq3A_2249 : vector<256x128xi1>
    %eq3A_2266 = arith.constant dense<true> : vector<256x128xi1>
    %eq3A_2267 = arith.xori %eq3A_2265, %eq3A_2266 : vector<256x128xi1>
    %eq3A_2268 = arith.xori %or3A_2264, %eq3A_2267 : vector<256x128xi1>
    %eq3A_2269 = arith.constant dense<true> : vector<256x128xi1>
    %eq3A_2270 = arith.xori %eq3A_2268, %eq3A_2269 : vector<256x128xi1>
    %select_n3A_2271 = arith.select %eq3A_2270, %select_n3A_2242, %select_n3A_2254 : vector<256x128xi1>, vector<256x128xf32>
    %select_n3A_2272 = arith.select %eq3A_2270, %select_n3A_2243, %select_n3A_2259 : vector<256x128xi1>, vector<256x128xi32>
    %and3A_2273 = arith.constant 16 : i32
    %and3A_2274 = vector.broadcast %and3A_2273 : i32 to vector<256x128xi32>
    %and3A_2275 = arith.andi %add3A_83, %and3A_2274 : vector<256x128xi32>
    %eq3A_2276 = arith.constant 0 : i32
    %eq3A_2277 = vector.broadcast %eq3A_2276 : i32 to vector<256x128xi32>
    %eq3A_2278 = arith.cmpi eq, %and3A_2275, %eq3A_2277 : vector<256x128xi32>
    %roll3A_2279 = arith.constant 112 : i32
    %roll3A_2280 = tpu.dynamic_rotate %select_n3A_2271 by %roll3A_2279 dim 1 : vector<256x128xf32>, i32 -> vector<256x128xf32>
    %roll3A_2281 = arith.constant 16 : i32
    %roll3A_2282 = tpu.dynamic_rotate %select_n3A_2271 by %roll3A_2281 dim 1 : vector<256x128xf32>, i32 -> vector<256x128xf32>
    %select_n3A_2283 = arith.select %eq3A_2278, %roll3A_2280, %roll3A_2282 : vector<256x128xi1>, vector<256x128xf32>
    %roll3A_2284 = arith.constant 112 : i32
    %roll3A_2285 = tpu.dynamic_rotate %select_n3A_2272 by %roll3A_2284 dim 1 : vector<256x128xi32>, i32 -> vector<256x128xi32>
    %roll3A_2286 = arith.constant 16 : i32
    %roll3A_2287 = tpu.dynamic_rotate %select_n3A_2272 by %roll3A_2286 dim 1 : vector<256x128xi32>, i32 -> vector<256x128xi32>
    %select_n3A_2288 = arith.select %eq3A_2278, %roll3A_2285, %roll3A_2287 : vector<256x128xi1>, vector<256x128xi32>
    %gt3A_2289 = arith.cmpf ogt, %select_n3A_2271, %select_n3A_2283 : vector<256x128xf32>
    %eq3A_2290 = arith.cmpf oeq, %select_n3A_2271, %select_n3A_2283 : vector<256x128xf32>
    %lt3A_2291 = arith.cmpi slt, %select_n3A_2272, %select_n3A_2288 : vector<256x128xi32>
    %and3A_2292 = arith.andi %eq3A_2290, %lt3A_2291 : vector<256x128xi1>
    %or3A_2293 = arith.ori %gt3A_2289, %and3A_2292 : vector<256x128xi1>
    %eq3A_2294 = arith.xori %eq3A_2069, %eq3A_2278 : vector<256x128xi1>
    %eq3A_2295 = arith.constant dense<true> : vector<256x128xi1>
    %eq3A_2296 = arith.xori %eq3A_2294, %eq3A_2295 : vector<256x128xi1>
    %eq3A_2297 = arith.xori %or3A_2293, %eq3A_2296 : vector<256x128xi1>
    %eq3A_2298 = arith.constant dense<true> : vector<256x128xi1>
    %eq3A_2299 = arith.xori %eq3A_2297, %eq3A_2298 : vector<256x128xi1>
    %select_n3A_2300 = arith.select %eq3A_2299, %select_n3A_2271, %select_n3A_2283 : vector<256x128xi1>, vector<256x128xf32>
    %select_n3A_2301 = arith.select %eq3A_2299, %select_n3A_2272, %select_n3A_2288 : vector<256x128xi1>, vector<256x128xi32>
    %and3A_2302 = arith.constant 8 : i32
    %and3A_2303 = vector.broadcast %and3A_2302 : i32 to vector<256x128xi32>
    %and3A_2304 = arith.andi %add3A_83, %and3A_2303 : vector<256x128xi32>
    %eq3A_2305 = arith.constant 0 : i32
    %eq3A_2306 = vector.broadcast %eq3A_2305 : i32 to vector<256x128xi32>
    %eq3A_2307 = arith.cmpi eq, %and3A_2304, %eq3A_2306 : vector<256x128xi32>
    %roll3A_2308 = arith.constant 120 : i32
    %roll3A_2309 = tpu.dynamic_rotate %select_n3A_2300 by %roll3A_2308 dim 1 : vector<256x128xf32>, i32 -> vector<256x128xf32>
    %roll3A_2310 = arith.constant 8 : i32
    %roll3A_2311 = tpu.dynamic_rotate %select_n3A_2300 by %roll3A_2310 dim 1 : vector<256x128xf32>, i32 -> vector<256x128xf32>
    %select_n3A_2312 = arith.select %eq3A_2307, %roll3A_2309, %roll3A_2311 : vector<256x128xi1>, vector<256x128xf32>
    %roll3A_2313 = arith.constant 120 : i32
    %roll3A_2314 = tpu.dynamic_rotate %select_n3A_2301 by %roll3A_2313 dim 1 : vector<256x128xi32>, i32 -> vector<256x128xi32>
    %roll3A_2315 = arith.constant 8 : i32
    %roll3A_2316 = tpu.dynamic_rotate %select_n3A_2301 by %roll3A_2315 dim 1 : vector<256x128xi32>, i32 -> vector<256x128xi32>
    %select_n3A_2317 = arith.select %eq3A_2307, %roll3A_2314, %roll3A_2316 : vector<256x128xi1>, vector<256x128xi32>
    %gt3A_2318 = arith.cmpf ogt, %select_n3A_2300, %select_n3A_2312 : vector<256x128xf32>
    %eq3A_2319 = arith.cmpf oeq, %select_n3A_2300, %select_n3A_2312 : vector<256x128xf32>
    %lt3A_2320 = arith.cmpi slt, %select_n3A_2301, %select_n3A_2317 : vector<256x128xi32>
    %and3A_2321 = arith.andi %eq3A_2319, %lt3A_2320 : vector<256x128xi1>
    %or3A_2322 = arith.ori %gt3A_2318, %and3A_2321 : vector<256x128xi1>
    %eq3A_2323 = arith.xori %eq3A_2069, %eq3A_2307 : vector<256x128xi1>
    %eq3A_2324 = arith.constant dense<true> : vector<256x128xi1>
    %eq3A_2325 = arith.xori %eq3A_2323, %eq3A_2324 : vector<256x128xi1>
    %eq3A_2326 = arith.xori %or3A_2322, %eq3A_2325 : vector<256x128xi1>
    %eq3A_2327 = arith.constant dense<true> : vector<256x128xi1>
    %eq3A_2328 = arith.xori %eq3A_2326, %eq3A_2327 : vector<256x128xi1>
    %select_n3A_2329 = arith.select %eq3A_2328, %select_n3A_2300, %select_n3A_2312 : vector<256x128xi1>, vector<256x128xf32>
    %select_n3A_2330 = arith.select %eq3A_2328, %select_n3A_2301, %select_n3A_2317 : vector<256x128xi1>, vector<256x128xi32>
    %and3A_2331 = arith.constant 4 : i32
    %and3A_2332 = vector.broadcast %and3A_2331 : i32 to vector<256x128xi32>
    %and3A_2333 = arith.andi %add3A_83, %and3A_2332 : vector<256x128xi32>
    %eq3A_2334 = arith.constant 0 : i32
    %eq3A_2335 = vector.broadcast %eq3A_2334 : i32 to vector<256x128xi32>
    %eq3A_2336 = arith.cmpi eq, %and3A_2333, %eq3A_2335 : vector<256x128xi32>
    %roll3A_2337 = arith.constant 124 : i32
    %roll3A_2338 = tpu.dynamic_rotate %select_n3A_2329 by %roll3A_2337 dim 1 : vector<256x128xf32>, i32 -> vector<256x128xf32>
    %roll3A_2339 = arith.constant 4 : i32
    %roll3A_2340 = tpu.dynamic_rotate %select_n3A_2329 by %roll3A_2339 dim 1 : vector<256x128xf32>, i32 -> vector<256x128xf32>
    %select_n3A_2341 = arith.select %eq3A_2336, %roll3A_2338, %roll3A_2340 : vector<256x128xi1>, vector<256x128xf32>
    %roll3A_2342 = arith.constant 124 : i32
    %roll3A_2343 = tpu.dynamic_rotate %select_n3A_2330 by %roll3A_2342 dim 1 : vector<256x128xi32>, i32 -> vector<256x128xi32>
    %roll3A_2344 = arith.constant 4 : i32
    %roll3A_2345 = tpu.dynamic_rotate %select_n3A_2330 by %roll3A_2344 dim 1 : vector<256x128xi32>, i32 -> vector<256x128xi32>
    %select_n3A_2346 = arith.select %eq3A_2336, %roll3A_2343, %roll3A_2345 : vector<256x128xi1>, vector<256x128xi32>
    %gt3A_2347 = arith.cmpf ogt, %select_n3A_2329, %select_n3A_2341 : vector<256x128xf32>
    %eq3A_2348 = arith.cmpf oeq, %select_n3A_2329, %select_n3A_2341 : vector<256x128xf32>
    %lt3A_2349 = arith.cmpi slt, %select_n3A_2330, %select_n3A_2346 : vector<256x128xi32>
    %and3A_2350 = arith.andi %eq3A_2348, %lt3A_2349 : vector<256x128xi1>
    %or3A_2351 = arith.ori %gt3A_2347, %and3A_2350 : vector<256x128xi1>
    %eq3A_2352 = arith.xori %eq3A_2069, %eq3A_2336 : vector<256x128xi1>
    %eq3A_2353 = arith.constant dense<true> : vector<256x128xi1>
    %eq3A_2354 = arith.xori %eq3A_2352, %eq3A_2353 : vector<256x128xi1>
    %eq3A_2355 = arith.xori %or3A_2351, %eq3A_2354 : vector<256x128xi1>
    %eq3A_2356 = arith.constant dense<true> : vector<256x128xi1>
    %eq3A_2357 = arith.xori %eq3A_2355, %eq3A_2356 : vector<256x128xi1>
    %select_n3A_2358 = arith.select %eq3A_2357, %select_n3A_2329, %select_n3A_2341 : vector<256x128xi1>, vector<256x128xf32>
    %select_n3A_2359 = arith.select %eq3A_2357, %select_n3A_2330, %select_n3A_2346 : vector<256x128xi1>, vector<256x128xi32>
    %and3A_2360 = arith.constant 2 : i32
    %and3A_2361 = vector.broadcast %and3A_2360 : i32 to vector<256x128xi32>
    %and3A_2362 = arith.andi %add3A_83, %and3A_2361 : vector<256x128xi32>
    %eq3A_2363 = arith.constant 0 : i32
    %eq3A_2364 = vector.broadcast %eq3A_2363 : i32 to vector<256x128xi32>
    %eq3A_2365 = arith.cmpi eq, %and3A_2362, %eq3A_2364 : vector<256x128xi32>
    %roll3A_2366 = arith.constant 126 : i32
    %roll3A_2367 = tpu.dynamic_rotate %select_n3A_2358 by %roll3A_2366 dim 1 : vector<256x128xf32>, i32 -> vector<256x128xf32>
    %roll3A_2368 = arith.constant 2 : i32
    %roll3A_2369 = tpu.dynamic_rotate %select_n3A_2358 by %roll3A_2368 dim 1 : vector<256x128xf32>, i32 -> vector<256x128xf32>
    %select_n3A_2370 = arith.select %eq3A_2365, %roll3A_2367, %roll3A_2369 : vector<256x128xi1>, vector<256x128xf32>
    %roll3A_2371 = arith.constant 126 : i32
    %roll3A_2372 = tpu.dynamic_rotate %select_n3A_2359 by %roll3A_2371 dim 1 : vector<256x128xi32>, i32 -> vector<256x128xi32>
    %roll3A_2373 = arith.constant 2 : i32
    %roll3A_2374 = tpu.dynamic_rotate %select_n3A_2359 by %roll3A_2373 dim 1 : vector<256x128xi32>, i32 -> vector<256x128xi32>
    %select_n3A_2375 = arith.select %eq3A_2365, %roll3A_2372, %roll3A_2374 : vector<256x128xi1>, vector<256x128xi32>
    %gt3A_2376 = arith.cmpf ogt, %select_n3A_2358, %select_n3A_2370 : vector<256x128xf32>
    %eq3A_2377 = arith.cmpf oeq, %select_n3A_2358, %select_n3A_2370 : vector<256x128xf32>
    %lt3A_2378 = arith.cmpi slt, %select_n3A_2359, %select_n3A_2375 : vector<256x128xi32>
    %and3A_2379 = arith.andi %eq3A_2377, %lt3A_2378 : vector<256x128xi1>
    %or3A_2380 = arith.ori %gt3A_2376, %and3A_2379 : vector<256x128xi1>
    %eq3A_2381 = arith.xori %eq3A_2069, %eq3A_2365 : vector<256x128xi1>
    %eq3A_2382 = arith.constant dense<true> : vector<256x128xi1>
    %eq3A_2383 = arith.xori %eq3A_2381, %eq3A_2382 : vector<256x128xi1>
    %eq3A_2384 = arith.xori %or3A_2380, %eq3A_2383 : vector<256x128xi1>
    %eq3A_2385 = arith.constant dense<true> : vector<256x128xi1>
    %eq3A_2386 = arith.xori %eq3A_2384, %eq3A_2385 : vector<256x128xi1>
    %select_n3A_2387 = arith.select %eq3A_2386, %select_n3A_2358, %select_n3A_2370 : vector<256x128xi1>, vector<256x128xf32>
    %select_n3A_2388 = arith.select %eq3A_2386, %select_n3A_2359, %select_n3A_2375 : vector<256x128xi1>, vector<256x128xi32>
    %and3A_2389 = arith.constant 1 : i32
    %and3A_2390 = vector.broadcast %and3A_2389 : i32 to vector<256x128xi32>
    %and3A_2391 = arith.andi %add3A_83, %and3A_2390 : vector<256x128xi32>
    %eq3A_2392 = arith.constant 0 : i32
    %eq3A_2393 = vector.broadcast %eq3A_2392 : i32 to vector<256x128xi32>
    %eq3A_2394 = arith.cmpi eq, %and3A_2391, %eq3A_2393 : vector<256x128xi32>
    %roll3A_2395 = arith.constant 127 : i32
    %roll3A_2396 = tpu.dynamic_rotate %select_n3A_2387 by %roll3A_2395 dim 1 : vector<256x128xf32>, i32 -> vector<256x128xf32>
    %roll3A_2397 = arith.constant 1 : i32
    %roll3A_2398 = tpu.dynamic_rotate %select_n3A_2387 by %roll3A_2397 dim 1 : vector<256x128xf32>, i32 -> vector<256x128xf32>
    %select_n3A_2399 = arith.select %eq3A_2394, %roll3A_2396, %roll3A_2398 : vector<256x128xi1>, vector<256x128xf32>
    %roll3A_2400 = arith.constant 127 : i32
    %roll3A_2401 = tpu.dynamic_rotate %select_n3A_2388 by %roll3A_2400 dim 1 : vector<256x128xi32>, i32 -> vector<256x128xi32>
    %roll3A_2402 = arith.constant 1 : i32
    %roll3A_2403 = tpu.dynamic_rotate %select_n3A_2388 by %roll3A_2402 dim 1 : vector<256x128xi32>, i32 -> vector<256x128xi32>
    %select_n3A_2404 = arith.select %eq3A_2394, %roll3A_2401, %roll3A_2403 : vector<256x128xi1>, vector<256x128xi32>
    %gt3A_2405 = arith.cmpf ogt, %select_n3A_2387, %select_n3A_2399 : vector<256x128xf32>
    %eq3A_2406 = arith.cmpf oeq, %select_n3A_2387, %select_n3A_2399 : vector<256x128xf32>
    %lt3A_2407 = arith.cmpi slt, %select_n3A_2388, %select_n3A_2404 : vector<256x128xi32>
    %and3A_2408 = arith.andi %eq3A_2406, %lt3A_2407 : vector<256x128xi1>
    %or3A_2409 = arith.ori %gt3A_2405, %and3A_2408 : vector<256x128xi1>
    %eq3A_2410 = arith.xori %eq3A_2069, %eq3A_2394 : vector<256x128xi1>
    %eq3A_2411 = arith.constant dense<true> : vector<256x128xi1>
    %eq3A_2412 = arith.xori %eq3A_2410, %eq3A_2411 : vector<256x128xi1>
    %eq3A_2413 = arith.xori %or3A_2409, %eq3A_2412 : vector<256x128xi1>
    %eq3A_2414 = arith.constant dense<true> : vector<256x128xi1>
    %eq3A_2415 = arith.xori %eq3A_2413, %eq3A_2414 : vector<256x128xi1>
    %select_n3A_2416 = arith.select %eq3A_2415, %select_n3A_2387, %select_n3A_2399 : vector<256x128xi1>, vector<256x128xf32>
    %select_n3A_2417 = arith.select %eq3A_2415, %select_n3A_2388, %select_n3A_2404 : vector<256x128xi1>, vector<256x128xi32>
    %and3A_2418 = arith.constant 8192 : i32
    %and3A_2419 = vector.broadcast %and3A_2418 : i32 to vector<256x128xi32>
    %and3A_2420 = arith.andi %add3A_83, %and3A_2419 : vector<256x128xi32>
    %eq3A_2421 = arith.constant 0 : i32
    %eq3A_2422 = vector.broadcast %eq3A_2421 : i32 to vector<256x128xi32>
    %eq3A_2423 = arith.cmpi eq, %and3A_2420, %eq3A_2422 : vector<256x128xi32>
    %and3A_2424 = arith.constant 4096 : i32
    %and3A_2425 = vector.broadcast %and3A_2424 : i32 to vector<256x128xi32>
    %and3A_2426 = arith.andi %add3A_83, %and3A_2425 : vector<256x128xi32>
    %eq3A_2427 = arith.constant 0 : i32
    %eq3A_2428 = vector.broadcast %eq3A_2427 : i32 to vector<256x128xi32>
    %eq3A_2429 = arith.cmpi eq, %and3A_2426, %eq3A_2428 : vector<256x128xi32>
    %roll3A_2430 = arith.constant 224 : i32
    %roll3A_2431 = tpu.dynamic_rotate %select_n3A_2416 by %roll3A_2430 dim 0 : vector<256x128xf32>, i32 -> vector<256x128xf32>
    %roll3A_2432 = arith.constant 32 : i32
    %roll3A_2433 = tpu.dynamic_rotate %select_n3A_2416 by %roll3A_2432 dim 0 : vector<256x128xf32>, i32 -> vector<256x128xf32>
    %select_n3A_2434 = arith.select %eq3A_2429, %roll3A_2431, %roll3A_2433 : vector<256x128xi1>, vector<256x128xf32>
    %roll3A_2435 = arith.constant 224 : i32
    %roll3A_2436 = tpu.dynamic_rotate %select_n3A_2417 by %roll3A_2435 dim 0 : vector<256x128xi32>, i32 -> vector<256x128xi32>
    %roll3A_2437 = arith.constant 32 : i32
    %roll3A_2438 = tpu.dynamic_rotate %select_n3A_2417 by %roll3A_2437 dim 0 : vector<256x128xi32>, i32 -> vector<256x128xi32>
    %select_n3A_2439 = arith.select %eq3A_2429, %roll3A_2436, %roll3A_2438 : vector<256x128xi1>, vector<256x128xi32>
    %gt3A_2440 = arith.cmpf ogt, %select_n3A_2416, %select_n3A_2434 : vector<256x128xf32>
    %eq3A_2441 = arith.cmpf oeq, %select_n3A_2416, %select_n3A_2434 : vector<256x128xf32>
    %lt3A_2442 = arith.cmpi slt, %select_n3A_2417, %select_n3A_2439 : vector<256x128xi32>
    %and3A_2443 = arith.andi %eq3A_2441, %lt3A_2442 : vector<256x128xi1>
    %or3A_2444 = arith.ori %gt3A_2440, %and3A_2443 : vector<256x128xi1>
    %eq3A_2445 = arith.xori %eq3A_2423, %eq3A_2429 : vector<256x128xi1>
    %eq3A_2446 = arith.constant dense<true> : vector<256x128xi1>
    %eq3A_2447 = arith.xori %eq3A_2445, %eq3A_2446 : vector<256x128xi1>
    %eq3A_2448 = arith.xori %or3A_2444, %eq3A_2447 : vector<256x128xi1>
    %eq3A_2449 = arith.constant dense<true> : vector<256x128xi1>
    %eq3A_2450 = arith.xori %eq3A_2448, %eq3A_2449 : vector<256x128xi1>
    %select_n3A_2451 = arith.select %eq3A_2450, %select_n3A_2416, %select_n3A_2434 : vector<256x128xi1>, vector<256x128xf32>
    %select_n3A_2452 = arith.select %eq3A_2450, %select_n3A_2417, %select_n3A_2439 : vector<256x128xi1>, vector<256x128xi32>
    %and3A_2453 = arith.constant 2048 : i32
    %and3A_2454 = vector.broadcast %and3A_2453 : i32 to vector<256x128xi32>
    %and3A_2455 = arith.andi %add3A_83, %and3A_2454 : vector<256x128xi32>
    %eq3A_2456 = arith.constant 0 : i32
    %eq3A_2457 = vector.broadcast %eq3A_2456 : i32 to vector<256x128xi32>
    %eq3A_2458 = arith.cmpi eq, %and3A_2455, %eq3A_2457 : vector<256x128xi32>
    %roll3A_2459 = arith.constant 240 : i32
    %roll3A_2460 = tpu.dynamic_rotate %select_n3A_2451 by %roll3A_2459 dim 0 : vector<256x128xf32>, i32 -> vector<256x128xf32>
    %roll3A_2461 = arith.constant 16 : i32
    %roll3A_2462 = tpu.dynamic_rotate %select_n3A_2451 by %roll3A_2461 dim 0 : vector<256x128xf32>, i32 -> vector<256x128xf32>
    %select_n3A_2463 = arith.select %eq3A_2458, %roll3A_2460, %roll3A_2462 : vector<256x128xi1>, vector<256x128xf32>
    %roll3A_2464 = arith.constant 240 : i32
    %roll3A_2465 = tpu.dynamic_rotate %select_n3A_2452 by %roll3A_2464 dim 0 : vector<256x128xi32>, i32 -> vector<256x128xi32>
    %roll3A_2466 = arith.constant 16 : i32
    %roll3A_2467 = tpu.dynamic_rotate %select_n3A_2452 by %roll3A_2466 dim 0 : vector<256x128xi32>, i32 -> vector<256x128xi32>
    %select_n3A_2468 = arith.select %eq3A_2458, %roll3A_2465, %roll3A_2467 : vector<256x128xi1>, vector<256x128xi32>
    %gt3A_2469 = arith.cmpf ogt, %select_n3A_2451, %select_n3A_2463 : vector<256x128xf32>
    %eq3A_2470 = arith.cmpf oeq, %select_n3A_2451, %select_n3A_2463 : vector<256x128xf32>
    %lt3A_2471 = arith.cmpi slt, %select_n3A_2452, %select_n3A_2468 : vector<256x128xi32>
    %and3A_2472 = arith.andi %eq3A_2470, %lt3A_2471 : vector<256x128xi1>
    %or3A_2473 = arith.ori %gt3A_2469, %and3A_2472 : vector<256x128xi1>
    %eq3A_2474 = arith.xori %eq3A_2423, %eq3A_2458 : vector<256x128xi1>
    %eq3A_2475 = arith.constant dense<true> : vector<256x128xi1>
    %eq3A_2476 = arith.xori %eq3A_2474, %eq3A_2475 : vector<256x128xi1>
    %eq3A_2477 = arith.xori %or3A_2473, %eq3A_2476 : vector<256x128xi1>
    %eq3A_2478 = arith.constant dense<true> : vector<256x128xi1>
    %eq3A_2479 = arith.xori %eq3A_2477, %eq3A_2478 : vector<256x128xi1>
    %select_n3A_2480 = arith.select %eq3A_2479, %select_n3A_2451, %select_n3A_2463 : vector<256x128xi1>, vector<256x128xf32>
    %select_n3A_2481 = arith.select %eq3A_2479, %select_n3A_2452, %select_n3A_2468 : vector<256x128xi1>, vector<256x128xi32>
    %and3A_2482 = arith.constant 1024 : i32
    %and3A_2483 = vector.broadcast %and3A_2482 : i32 to vector<256x128xi32>
    %and3A_2484 = arith.andi %add3A_83, %and3A_2483 : vector<256x128xi32>
    %eq3A_2485 = arith.constant 0 : i32
    %eq3A_2486 = vector.broadcast %eq3A_2485 : i32 to vector<256x128xi32>
    %eq3A_2487 = arith.cmpi eq, %and3A_2484, %eq3A_2486 : vector<256x128xi32>
    %roll3A_2488 = arith.constant 248 : i32
    %roll3A_2489 = tpu.dynamic_rotate %select_n3A_2480 by %roll3A_2488 dim 0 : vector<256x128xf32>, i32 -> vector<256x128xf32>
    %roll3A_2490 = arith.constant 8 : i32
    %roll3A_2491 = tpu.dynamic_rotate %select_n3A_2480 by %roll3A_2490 dim 0 : vector<256x128xf32>, i32 -> vector<256x128xf32>
    %select_n3A_2492 = arith.select %eq3A_2487, %roll3A_2489, %roll3A_2491 : vector<256x128xi1>, vector<256x128xf32>
    %roll3A_2493 = arith.constant 248 : i32
    %roll3A_2494 = tpu.dynamic_rotate %select_n3A_2481 by %roll3A_2493 dim 0 : vector<256x128xi32>, i32 -> vector<256x128xi32>
    %roll3A_2495 = arith.constant 8 : i32
    %roll3A_2496 = tpu.dynamic_rotate %select_n3A_2481 by %roll3A_2495 dim 0 : vector<256x128xi32>, i32 -> vector<256x128xi32>
    %select_n3A_2497 = arith.select %eq3A_2487, %roll3A_2494, %roll3A_2496 : vector<256x128xi1>, vector<256x128xi32>
    %gt3A_2498 = arith.cmpf ogt, %select_n3A_2480, %select_n3A_2492 : vector<256x128xf32>
    %eq3A_2499 = arith.cmpf oeq, %select_n3A_2480, %select_n3A_2492 : vector<256x128xf32>
    %lt3A_2500 = arith.cmpi slt, %select_n3A_2481, %select_n3A_2497 : vector<256x128xi32>
    %and3A_2501 = arith.andi %eq3A_2499, %lt3A_2500 : vector<256x128xi1>
    %or3A_2502 = arith.ori %gt3A_2498, %and3A_2501 : vector<256x128xi1>
    %eq3A_2503 = arith.xori %eq3A_2423, %eq3A_2487 : vector<256x128xi1>
    %eq3A_2504 = arith.constant dense<true> : vector<256x128xi1>
    %eq3A_2505 = arith.xori %eq3A_2503, %eq3A_2504 : vector<256x128xi1>
    %eq3A_2506 = arith.xori %or3A_2502, %eq3A_2505 : vector<256x128xi1>
    %eq3A_2507 = arith.constant dense<true> : vector<256x128xi1>
    %eq3A_2508 = arith.xori %eq3A_2506, %eq3A_2507 : vector<256x128xi1>
    %select_n3A_2509 = arith.select %eq3A_2508, %select_n3A_2480, %select_n3A_2492 : vector<256x128xi1>, vector<256x128xf32>
    %select_n3A_2510 = arith.select %eq3A_2508, %select_n3A_2481, %select_n3A_2497 : vector<256x128xi1>, vector<256x128xi32>
    %and3A_2511 = arith.constant 512 : i32
    %and3A_2512 = vector.broadcast %and3A_2511 : i32 to vector<256x128xi32>
    %and3A_2513 = arith.andi %add3A_83, %and3A_2512 : vector<256x128xi32>
    %eq3A_2514 = arith.constant 0 : i32
    %eq3A_2515 = vector.broadcast %eq3A_2514 : i32 to vector<256x128xi32>
    %eq3A_2516 = arith.cmpi eq, %and3A_2513, %eq3A_2515 : vector<256x128xi32>
    %roll3A_2517 = arith.constant 252 : i32
    %roll3A_2518 = tpu.dynamic_rotate %select_n3A_2509 by %roll3A_2517 dim 0 : vector<256x128xf32>, i32 -> vector<256x128xf32>
    %roll3A_2519 = arith.constant 4 : i32
    %roll3A_2520 = tpu.dynamic_rotate %select_n3A_2509 by %roll3A_2519 dim 0 : vector<256x128xf32>, i32 -> vector<256x128xf32>
    %select_n3A_2521 = arith.select %eq3A_2516, %roll3A_2518, %roll3A_2520 : vector<256x128xi1>, vector<256x128xf32>
    %roll3A_2522 = arith.constant 252 : i32
    %roll3A_2523 = tpu.dynamic_rotate %select_n3A_2510 by %roll3A_2522 dim 0 : vector<256x128xi32>, i32 -> vector<256x128xi32>
    %roll3A_2524 = arith.constant 4 : i32
    %roll3A_2525 = tpu.dynamic_rotate %select_n3A_2510 by %roll3A_2524 dim 0 : vector<256x128xi32>, i32 -> vector<256x128xi32>
    %select_n3A_2526 = arith.select %eq3A_2516, %roll3A_2523, %roll3A_2525 : vector<256x128xi1>, vector<256x128xi32>
    %gt3A_2527 = arith.cmpf ogt, %select_n3A_2509, %select_n3A_2521 : vector<256x128xf32>
    %eq3A_2528 = arith.cmpf oeq, %select_n3A_2509, %select_n3A_2521 : vector<256x128xf32>
    %lt3A_2529 = arith.cmpi slt, %select_n3A_2510, %select_n3A_2526 : vector<256x128xi32>
    %and3A_2530 = arith.andi %eq3A_2528, %lt3A_2529 : vector<256x128xi1>
    %or3A_2531 = arith.ori %gt3A_2527, %and3A_2530 : vector<256x128xi1>
    %eq3A_2532 = arith.xori %eq3A_2423, %eq3A_2516 : vector<256x128xi1>
    %eq3A_2533 = arith.constant dense<true> : vector<256x128xi1>
    %eq3A_2534 = arith.xori %eq3A_2532, %eq3A_2533 : vector<256x128xi1>
    %eq3A_2535 = arith.xori %or3A_2531, %eq3A_2534 : vector<256x128xi1>
    %eq3A_2536 = arith.constant dense<true> : vector<256x128xi1>
    %eq3A_2537 = arith.xori %eq3A_2535, %eq3A_2536 : vector<256x128xi1>
    %select_n3A_2538 = arith.select %eq3A_2537, %select_n3A_2509, %select_n3A_2521 : vector<256x128xi1>, vector<256x128xf32>
    %select_n3A_2539 = arith.select %eq3A_2537, %select_n3A_2510, %select_n3A_2526 : vector<256x128xi1>, vector<256x128xi32>
    %and3A_2540 = arith.constant 256 : i32
    %and3A_2541 = vector.broadcast %and3A_2540 : i32 to vector<256x128xi32>
    %and3A_2542 = arith.andi %add3A_83, %and3A_2541 : vector<256x128xi32>
    %eq3A_2543 = arith.constant 0 : i32
    %eq3A_2544 = vector.broadcast %eq3A_2543 : i32 to vector<256x128xi32>
    %eq3A_2545 = arith.cmpi eq, %and3A_2542, %eq3A_2544 : vector<256x128xi32>
    %roll3A_2546 = arith.constant 254 : i32
    %roll3A_2547 = tpu.dynamic_rotate %select_n3A_2538 by %roll3A_2546 dim 0 : vector<256x128xf32>, i32 -> vector<256x128xf32>
    %roll3A_2548 = arith.constant 2 : i32
    %roll3A_2549 = tpu.dynamic_rotate %select_n3A_2538 by %roll3A_2548 dim 0 : vector<256x128xf32>, i32 -> vector<256x128xf32>
    %select_n3A_2550 = arith.select %eq3A_2545, %roll3A_2547, %roll3A_2549 : vector<256x128xi1>, vector<256x128xf32>
    %roll3A_2551 = arith.constant 254 : i32
    %roll3A_2552 = tpu.dynamic_rotate %select_n3A_2539 by %roll3A_2551 dim 0 : vector<256x128xi32>, i32 -> vector<256x128xi32>
    %roll3A_2553 = arith.constant 2 : i32
    %roll3A_2554 = tpu.dynamic_rotate %select_n3A_2539 by %roll3A_2553 dim 0 : vector<256x128xi32>, i32 -> vector<256x128xi32>
    %select_n3A_2555 = arith.select %eq3A_2545, %roll3A_2552, %roll3A_2554 : vector<256x128xi1>, vector<256x128xi32>
    %gt3A_2556 = arith.cmpf ogt, %select_n3A_2538, %select_n3A_2550 : vector<256x128xf32>
    %eq3A_2557 = arith.cmpf oeq, %select_n3A_2538, %select_n3A_2550 : vector<256x128xf32>
    %lt3A_2558 = arith.cmpi slt, %select_n3A_2539, %select_n3A_2555 : vector<256x128xi32>
    %and3A_2559 = arith.andi %eq3A_2557, %lt3A_2558 : vector<256x128xi1>
    %or3A_2560 = arith.ori %gt3A_2556, %and3A_2559 : vector<256x128xi1>
    %eq3A_2561 = arith.xori %eq3A_2423, %eq3A_2545 : vector<256x128xi1>
    %eq3A_2562 = arith.constant dense<true> : vector<256x128xi1>
    %eq3A_2563 = arith.xori %eq3A_2561, %eq3A_2562 : vector<256x128xi1>
    %eq3A_2564 = arith.xori %or3A_2560, %eq3A_2563 : vector<256x128xi1>
    %eq3A_2565 = arith.constant dense<true> : vector<256x128xi1>
    %eq3A_2566 = arith.xori %eq3A_2564, %eq3A_2565 : vector<256x128xi1>
    %select_n3A_2567 = arith.select %eq3A_2566, %select_n3A_2538, %select_n3A_2550 : vector<256x128xi1>, vector<256x128xf32>
    %select_n3A_2568 = arith.select %eq3A_2566, %select_n3A_2539, %select_n3A_2555 : vector<256x128xi1>, vector<256x128xi32>
    %and3A_2569 = arith.constant 128 : i32
    %and3A_2570 = vector.broadcast %and3A_2569 : i32 to vector<256x128xi32>
    %and3A_2571 = arith.andi %add3A_83, %and3A_2570 : vector<256x128xi32>
    %eq3A_2572 = arith.constant 0 : i32
    %eq3A_2573 = vector.broadcast %eq3A_2572 : i32 to vector<256x128xi32>
    %eq3A_2574 = arith.cmpi eq, %and3A_2571, %eq3A_2573 : vector<256x128xi32>
    %roll3A_2575 = arith.constant 255 : i32
    %roll3A_2576 = tpu.dynamic_rotate %select_n3A_2567 by %roll3A_2575 dim 0 : vector<256x128xf32>, i32 -> vector<256x128xf32>
    %roll3A_2577 = arith.constant 1 : i32
    %roll3A_2578 = tpu.dynamic_rotate %select_n3A_2567 by %roll3A_2577 dim 0 : vector<256x128xf32>, i32 -> vector<256x128xf32>
    %select_n3A_2579 = arith.select %eq3A_2574, %roll3A_2576, %roll3A_2578 : vector<256x128xi1>, vector<256x128xf32>
    %roll3A_2580 = arith.constant 255 : i32
    %roll3A_2581 = tpu.dynamic_rotate %select_n3A_2568 by %roll3A_2580 dim 0 : vector<256x128xi32>, i32 -> vector<256x128xi32>
    %roll3A_2582 = arith.constant 1 : i32
    %roll3A_2583 = tpu.dynamic_rotate %select_n3A_2568 by %roll3A_2582 dim 0 : vector<256x128xi32>, i32 -> vector<256x128xi32>
    %select_n3A_2584 = arith.select %eq3A_2574, %roll3A_2581, %roll3A_2583 : vector<256x128xi1>, vector<256x128xi32>
    %gt3A_2585 = arith.cmpf ogt, %select_n3A_2567, %select_n3A_2579 : vector<256x128xf32>
    %eq3A_2586 = arith.cmpf oeq, %select_n3A_2567, %select_n3A_2579 : vector<256x128xf32>
    %lt3A_2587 = arith.cmpi slt, %select_n3A_2568, %select_n3A_2584 : vector<256x128xi32>
    %and3A_2588 = arith.andi %eq3A_2586, %lt3A_2587 : vector<256x128xi1>
    %or3A_2589 = arith.ori %gt3A_2585, %and3A_2588 : vector<256x128xi1>
    %eq3A_2590 = arith.xori %eq3A_2423, %eq3A_2574 : vector<256x128xi1>
    %eq3A_2591 = arith.constant dense<true> : vector<256x128xi1>
    %eq3A_2592 = arith.xori %eq3A_2590, %eq3A_2591 : vector<256x128xi1>
    %eq3A_2593 = arith.xori %or3A_2589, %eq3A_2592 : vector<256x128xi1>
    %eq3A_2594 = arith.constant dense<true> : vector<256x128xi1>
    %eq3A_2595 = arith.xori %eq3A_2593, %eq3A_2594 : vector<256x128xi1>
    %select_n3A_2596 = arith.select %eq3A_2595, %select_n3A_2567, %select_n3A_2579 : vector<256x128xi1>, vector<256x128xf32>
    %select_n3A_2597 = arith.select %eq3A_2595, %select_n3A_2568, %select_n3A_2584 : vector<256x128xi1>, vector<256x128xi32>
    %and3A_2598 = arith.constant 64 : i32
    %and3A_2599 = vector.broadcast %and3A_2598 : i32 to vector<256x128xi32>
    %and3A_2600 = arith.andi %add3A_83, %and3A_2599 : vector<256x128xi32>
    %eq3A_2601 = arith.constant 0 : i32
    %eq3A_2602 = vector.broadcast %eq3A_2601 : i32 to vector<256x128xi32>
    %eq3A_2603 = arith.cmpi eq, %and3A_2600, %eq3A_2602 : vector<256x128xi32>
    %roll3A_2604 = arith.constant 64 : i32
    %roll3A_2605 = tpu.dynamic_rotate %select_n3A_2596 by %roll3A_2604 dim 1 : vector<256x128xf32>, i32 -> vector<256x128xf32>
    %roll3A_2606 = arith.constant 64 : i32
    %roll3A_2607 = tpu.dynamic_rotate %select_n3A_2596 by %roll3A_2606 dim 1 : vector<256x128xf32>, i32 -> vector<256x128xf32>
    %select_n3A_2608 = arith.select %eq3A_2603, %roll3A_2605, %roll3A_2607 : vector<256x128xi1>, vector<256x128xf32>
    %roll3A_2609 = arith.constant 64 : i32
    %roll3A_2610 = tpu.dynamic_rotate %select_n3A_2597 by %roll3A_2609 dim 1 : vector<256x128xi32>, i32 -> vector<256x128xi32>
    %roll3A_2611 = arith.constant 64 : i32
    %roll3A_2612 = tpu.dynamic_rotate %select_n3A_2597 by %roll3A_2611 dim 1 : vector<256x128xi32>, i32 -> vector<256x128xi32>
    %select_n3A_2613 = arith.select %eq3A_2603, %roll3A_2610, %roll3A_2612 : vector<256x128xi1>, vector<256x128xi32>
    %gt3A_2614 = arith.cmpf ogt, %select_n3A_2596, %select_n3A_2608 : vector<256x128xf32>
    %eq3A_2615 = arith.cmpf oeq, %select_n3A_2596, %select_n3A_2608 : vector<256x128xf32>
    %lt3A_2616 = arith.cmpi slt, %select_n3A_2597, %select_n3A_2613 : vector<256x128xi32>
    %and3A_2617 = arith.andi %eq3A_2615, %lt3A_2616 : vector<256x128xi1>
    %or3A_2618 = arith.ori %gt3A_2614, %and3A_2617 : vector<256x128xi1>
    %eq3A_2619 = arith.xori %eq3A_2423, %eq3A_2603 : vector<256x128xi1>
    %eq3A_2620 = arith.constant dense<true> : vector<256x128xi1>
    %eq3A_2621 = arith.xori %eq3A_2619, %eq3A_2620 : vector<256x128xi1>
    %eq3A_2622 = arith.xori %or3A_2618, %eq3A_2621 : vector<256x128xi1>
    %eq3A_2623 = arith.constant dense<true> : vector<256x128xi1>
    %eq3A_2624 = arith.xori %eq3A_2622, %eq3A_2623 : vector<256x128xi1>
    %select_n3A_2625 = arith.select %eq3A_2624, %select_n3A_2596, %select_n3A_2608 : vector<256x128xi1>, vector<256x128xf32>
    %select_n3A_2626 = arith.select %eq3A_2624, %select_n3A_2597, %select_n3A_2613 : vector<256x128xi1>, vector<256x128xi32>
    %and3A_2627 = arith.constant 32 : i32
    %and3A_2628 = vector.broadcast %and3A_2627 : i32 to vector<256x128xi32>
    %and3A_2629 = arith.andi %add3A_83, %and3A_2628 : vector<256x128xi32>
    %eq3A_2630 = arith.constant 0 : i32
    %eq3A_2631 = vector.broadcast %eq3A_2630 : i32 to vector<256x128xi32>
    %eq3A_2632 = arith.cmpi eq, %and3A_2629, %eq3A_2631 : vector<256x128xi32>
    %roll3A_2633 = arith.constant 96 : i32
    %roll3A_2634 = tpu.dynamic_rotate %select_n3A_2625 by %roll3A_2633 dim 1 : vector<256x128xf32>, i32 -> vector<256x128xf32>
    %roll3A_2635 = arith.constant 32 : i32
    %roll3A_2636 = tpu.dynamic_rotate %select_n3A_2625 by %roll3A_2635 dim 1 : vector<256x128xf32>, i32 -> vector<256x128xf32>
    %select_n3A_2637 = arith.select %eq3A_2632, %roll3A_2634, %roll3A_2636 : vector<256x128xi1>, vector<256x128xf32>
    %roll3A_2638 = arith.constant 96 : i32
    %roll3A_2639 = tpu.dynamic_rotate %select_n3A_2626 by %roll3A_2638 dim 1 : vector<256x128xi32>, i32 -> vector<256x128xi32>
    %roll3A_2640 = arith.constant 32 : i32
    %roll3A_2641 = tpu.dynamic_rotate %select_n3A_2626 by %roll3A_2640 dim 1 : vector<256x128xi32>, i32 -> vector<256x128xi32>
    %select_n3A_2642 = arith.select %eq3A_2632, %roll3A_2639, %roll3A_2641 : vector<256x128xi1>, vector<256x128xi32>
    %gt3A_2643 = arith.cmpf ogt, %select_n3A_2625, %select_n3A_2637 : vector<256x128xf32>
    %eq3A_2644 = arith.cmpf oeq, %select_n3A_2625, %select_n3A_2637 : vector<256x128xf32>
    %lt3A_2645 = arith.cmpi slt, %select_n3A_2626, %select_n3A_2642 : vector<256x128xi32>
    %and3A_2646 = arith.andi %eq3A_2644, %lt3A_2645 : vector<256x128xi1>
    %or3A_2647 = arith.ori %gt3A_2643, %and3A_2646 : vector<256x128xi1>
    %eq3A_2648 = arith.xori %eq3A_2423, %eq3A_2632 : vector<256x128xi1>
    %eq3A_2649 = arith.constant dense<true> : vector<256x128xi1>
    %eq3A_2650 = arith.xori %eq3A_2648, %eq3A_2649 : vector<256x128xi1>
    %eq3A_2651 = arith.xori %or3A_2647, %eq3A_2650 : vector<256x128xi1>
    %eq3A_2652 = arith.constant dense<true> : vector<256x128xi1>
    %eq3A_2653 = arith.xori %eq3A_2651, %eq3A_2652 : vector<256x128xi1>
    %select_n3A_2654 = arith.select %eq3A_2653, %select_n3A_2625, %select_n3A_2637 : vector<256x128xi1>, vector<256x128xf32>
    %select_n3A_2655 = arith.select %eq3A_2653, %select_n3A_2626, %select_n3A_2642 : vector<256x128xi1>, vector<256x128xi32>
    %and3A_2656 = arith.constant 16 : i32
    %and3A_2657 = vector.broadcast %and3A_2656 : i32 to vector<256x128xi32>
    %and3A_2658 = arith.andi %add3A_83, %and3A_2657 : vector<256x128xi32>
    %eq3A_2659 = arith.constant 0 : i32
    %eq3A_2660 = vector.broadcast %eq3A_2659 : i32 to vector<256x128xi32>
    %eq3A_2661 = arith.cmpi eq, %and3A_2658, %eq3A_2660 : vector<256x128xi32>
    %roll3A_2662 = arith.constant 112 : i32
    %roll3A_2663 = tpu.dynamic_rotate %select_n3A_2654 by %roll3A_2662 dim 1 : vector<256x128xf32>, i32 -> vector<256x128xf32>
    %roll3A_2664 = arith.constant 16 : i32
    %roll3A_2665 = tpu.dynamic_rotate %select_n3A_2654 by %roll3A_2664 dim 1 : vector<256x128xf32>, i32 -> vector<256x128xf32>
    %select_n3A_2666 = arith.select %eq3A_2661, %roll3A_2663, %roll3A_2665 : vector<256x128xi1>, vector<256x128xf32>
    %roll3A_2667 = arith.constant 112 : i32
    %roll3A_2668 = tpu.dynamic_rotate %select_n3A_2655 by %roll3A_2667 dim 1 : vector<256x128xi32>, i32 -> vector<256x128xi32>
    %roll3A_2669 = arith.constant 16 : i32
    %roll3A_2670 = tpu.dynamic_rotate %select_n3A_2655 by %roll3A_2669 dim 1 : vector<256x128xi32>, i32 -> vector<256x128xi32>
    %select_n3A_2671 = arith.select %eq3A_2661, %roll3A_2668, %roll3A_2670 : vector<256x128xi1>, vector<256x128xi32>
    %gt3A_2672 = arith.cmpf ogt, %select_n3A_2654, %select_n3A_2666 : vector<256x128xf32>
    %eq3A_2673 = arith.cmpf oeq, %select_n3A_2654, %select_n3A_2666 : vector<256x128xf32>
    %lt3A_2674 = arith.cmpi slt, %select_n3A_2655, %select_n3A_2671 : vector<256x128xi32>
    %and3A_2675 = arith.andi %eq3A_2673, %lt3A_2674 : vector<256x128xi1>
    %or3A_2676 = arith.ori %gt3A_2672, %and3A_2675 : vector<256x128xi1>
    %eq3A_2677 = arith.xori %eq3A_2423, %eq3A_2661 : vector<256x128xi1>
    %eq3A_2678 = arith.constant dense<true> : vector<256x128xi1>
    %eq3A_2679 = arith.xori %eq3A_2677, %eq3A_2678 : vector<256x128xi1>
    %eq3A_2680 = arith.xori %or3A_2676, %eq3A_2679 : vector<256x128xi1>
    %eq3A_2681 = arith.constant dense<true> : vector<256x128xi1>
    %eq3A_2682 = arith.xori %eq3A_2680, %eq3A_2681 : vector<256x128xi1>
    %select_n3A_2683 = arith.select %eq3A_2682, %select_n3A_2654, %select_n3A_2666 : vector<256x128xi1>, vector<256x128xf32>
    %select_n3A_2684 = arith.select %eq3A_2682, %select_n3A_2655, %select_n3A_2671 : vector<256x128xi1>, vector<256x128xi32>
    %and3A_2685 = arith.constant 8 : i32
    %and3A_2686 = vector.broadcast %and3A_2685 : i32 to vector<256x128xi32>
    %and3A_2687 = arith.andi %add3A_83, %and3A_2686 : vector<256x128xi32>
    %eq3A_2688 = arith.constant 0 : i32
    %eq3A_2689 = vector.broadcast %eq3A_2688 : i32 to vector<256x128xi32>
    %eq3A_2690 = arith.cmpi eq, %and3A_2687, %eq3A_2689 : vector<256x128xi32>
    %roll3A_2691 = arith.constant 120 : i32
    %roll3A_2692 = tpu.dynamic_rotate %select_n3A_2683 by %roll3A_2691 dim 1 : vector<256x128xf32>, i32 -> vector<256x128xf32>
    %roll3A_2693 = arith.constant 8 : i32
    %roll3A_2694 = tpu.dynamic_rotate %select_n3A_2683 by %roll3A_2693 dim 1 : vector<256x128xf32>, i32 -> vector<256x128xf32>
    %select_n3A_2695 = arith.select %eq3A_2690, %roll3A_2692, %roll3A_2694 : vector<256x128xi1>, vector<256x128xf32>
    %roll3A_2696 = arith.constant 120 : i32
    %roll3A_2697 = tpu.dynamic_rotate %select_n3A_2684 by %roll3A_2696 dim 1 : vector<256x128xi32>, i32 -> vector<256x128xi32>
    %roll3A_2698 = arith.constant 8 : i32
    %roll3A_2699 = tpu.dynamic_rotate %select_n3A_2684 by %roll3A_2698 dim 1 : vector<256x128xi32>, i32 -> vector<256x128xi32>
    %select_n3A_2700 = arith.select %eq3A_2690, %roll3A_2697, %roll3A_2699 : vector<256x128xi1>, vector<256x128xi32>
    %gt3A_2701 = arith.cmpf ogt, %select_n3A_2683, %select_n3A_2695 : vector<256x128xf32>
    %eq3A_2702 = arith.cmpf oeq, %select_n3A_2683, %select_n3A_2695 : vector<256x128xf32>
    %lt3A_2703 = arith.cmpi slt, %select_n3A_2684, %select_n3A_2700 : vector<256x128xi32>
    %and3A_2704 = arith.andi %eq3A_2702, %lt3A_2703 : vector<256x128xi1>
    %or3A_2705 = arith.ori %gt3A_2701, %and3A_2704 : vector<256x128xi1>
    %eq3A_2706 = arith.xori %eq3A_2423, %eq3A_2690 : vector<256x128xi1>
    %eq3A_2707 = arith.constant dense<true> : vector<256x128xi1>
    %eq3A_2708 = arith.xori %eq3A_2706, %eq3A_2707 : vector<256x128xi1>
    %eq3A_2709 = arith.xori %or3A_2705, %eq3A_2708 : vector<256x128xi1>
    %eq3A_2710 = arith.constant dense<true> : vector<256x128xi1>
    %eq3A_2711 = arith.xori %eq3A_2709, %eq3A_2710 : vector<256x128xi1>
    %select_n3A_2712 = arith.select %eq3A_2711, %select_n3A_2683, %select_n3A_2695 : vector<256x128xi1>, vector<256x128xf32>
    %select_n3A_2713 = arith.select %eq3A_2711, %select_n3A_2684, %select_n3A_2700 : vector<256x128xi1>, vector<256x128xi32>
    %and3A_2714 = arith.constant 4 : i32
    %and3A_2715 = vector.broadcast %and3A_2714 : i32 to vector<256x128xi32>
    %and3A_2716 = arith.andi %add3A_83, %and3A_2715 : vector<256x128xi32>
    %eq3A_2717 = arith.constant 0 : i32
    %eq3A_2718 = vector.broadcast %eq3A_2717 : i32 to vector<256x128xi32>
    %eq3A_2719 = arith.cmpi eq, %and3A_2716, %eq3A_2718 : vector<256x128xi32>
    %roll3A_2720 = arith.constant 124 : i32
    %roll3A_2721 = tpu.dynamic_rotate %select_n3A_2712 by %roll3A_2720 dim 1 : vector<256x128xf32>, i32 -> vector<256x128xf32>
    %roll3A_2722 = arith.constant 4 : i32
    %roll3A_2723 = tpu.dynamic_rotate %select_n3A_2712 by %roll3A_2722 dim 1 : vector<256x128xf32>, i32 -> vector<256x128xf32>
    %select_n3A_2724 = arith.select %eq3A_2719, %roll3A_2721, %roll3A_2723 : vector<256x128xi1>, vector<256x128xf32>
    %roll3A_2725 = arith.constant 124 : i32
    %roll3A_2726 = tpu.dynamic_rotate %select_n3A_2713 by %roll3A_2725 dim 1 : vector<256x128xi32>, i32 -> vector<256x128xi32>
    %roll3A_2727 = arith.constant 4 : i32
    %roll3A_2728 = tpu.dynamic_rotate %select_n3A_2713 by %roll3A_2727 dim 1 : vector<256x128xi32>, i32 -> vector<256x128xi32>
    %select_n3A_2729 = arith.select %eq3A_2719, %roll3A_2726, %roll3A_2728 : vector<256x128xi1>, vector<256x128xi32>
    %gt3A_2730 = arith.cmpf ogt, %select_n3A_2712, %select_n3A_2724 : vector<256x128xf32>
    %eq3A_2731 = arith.cmpf oeq, %select_n3A_2712, %select_n3A_2724 : vector<256x128xf32>
    %lt3A_2732 = arith.cmpi slt, %select_n3A_2713, %select_n3A_2729 : vector<256x128xi32>
    %and3A_2733 = arith.andi %eq3A_2731, %lt3A_2732 : vector<256x128xi1>
    %or3A_2734 = arith.ori %gt3A_2730, %and3A_2733 : vector<256x128xi1>
    %eq3A_2735 = arith.xori %eq3A_2423, %eq3A_2719 : vector<256x128xi1>
    %eq3A_2736 = arith.constant dense<true> : vector<256x128xi1>
    %eq3A_2737 = arith.xori %eq3A_2735, %eq3A_2736 : vector<256x128xi1>
    %eq3A_2738 = arith.xori %or3A_2734, %eq3A_2737 : vector<256x128xi1>
    %eq3A_2739 = arith.constant dense<true> : vector<256x128xi1>
    %eq3A_2740 = arith.xori %eq3A_2738, %eq3A_2739 : vector<256x128xi1>
    %select_n3A_2741 = arith.select %eq3A_2740, %select_n3A_2712, %select_n3A_2724 : vector<256x128xi1>, vector<256x128xf32>
    %select_n3A_2742 = arith.select %eq3A_2740, %select_n3A_2713, %select_n3A_2729 : vector<256x128xi1>, vector<256x128xi32>
    %and3A_2743 = arith.constant 2 : i32
    %and3A_2744 = vector.broadcast %and3A_2743 : i32 to vector<256x128xi32>
    %and3A_2745 = arith.andi %add3A_83, %and3A_2744 : vector<256x128xi32>
    %eq3A_2746 = arith.constant 0 : i32
    %eq3A_2747 = vector.broadcast %eq3A_2746 : i32 to vector<256x128xi32>
    %eq3A_2748 = arith.cmpi eq, %and3A_2745, %eq3A_2747 : vector<256x128xi32>
    %roll3A_2749 = arith.constant 126 : i32
    %roll3A_2750 = tpu.dynamic_rotate %select_n3A_2741 by %roll3A_2749 dim 1 : vector<256x128xf32>, i32 -> vector<256x128xf32>
    %roll3A_2751 = arith.constant 2 : i32
    %roll3A_2752 = tpu.dynamic_rotate %select_n3A_2741 by %roll3A_2751 dim 1 : vector<256x128xf32>, i32 -> vector<256x128xf32>
    %select_n3A_2753 = arith.select %eq3A_2748, %roll3A_2750, %roll3A_2752 : vector<256x128xi1>, vector<256x128xf32>
    %roll3A_2754 = arith.constant 126 : i32
    %roll3A_2755 = tpu.dynamic_rotate %select_n3A_2742 by %roll3A_2754 dim 1 : vector<256x128xi32>, i32 -> vector<256x128xi32>
    %roll3A_2756 = arith.constant 2 : i32
    %roll3A_2757 = tpu.dynamic_rotate %select_n3A_2742 by %roll3A_2756 dim 1 : vector<256x128xi32>, i32 -> vector<256x128xi32>
    %select_n3A_2758 = arith.select %eq3A_2748, %roll3A_2755, %roll3A_2757 : vector<256x128xi1>, vector<256x128xi32>
    %gt3A_2759 = arith.cmpf ogt, %select_n3A_2741, %select_n3A_2753 : vector<256x128xf32>
    %eq3A_2760 = arith.cmpf oeq, %select_n3A_2741, %select_n3A_2753 : vector<256x128xf32>
    %lt3A_2761 = arith.cmpi slt, %select_n3A_2742, %select_n3A_2758 : vector<256x128xi32>
    %and3A_2762 = arith.andi %eq3A_2760, %lt3A_2761 : vector<256x128xi1>
    %or3A_2763 = arith.ori %gt3A_2759, %and3A_2762 : vector<256x128xi1>
    %eq3A_2764 = arith.xori %eq3A_2423, %eq3A_2748 : vector<256x128xi1>
    %eq3A_2765 = arith.constant dense<true> : vector<256x128xi1>
    %eq3A_2766 = arith.xori %eq3A_2764, %eq3A_2765 : vector<256x128xi1>
    %eq3A_2767 = arith.xori %or3A_2763, %eq3A_2766 : vector<256x128xi1>
    %eq3A_2768 = arith.constant dense<true> : vector<256x128xi1>
    %eq3A_2769 = arith.xori %eq3A_2767, %eq3A_2768 : vector<256x128xi1>
    %select_n3A_2770 = arith.select %eq3A_2769, %select_n3A_2741, %select_n3A_2753 : vector<256x128xi1>, vector<256x128xf32>
    %select_n3A_2771 = arith.select %eq3A_2769, %select_n3A_2742, %select_n3A_2758 : vector<256x128xi1>, vector<256x128xi32>
    %and3A_2772 = arith.constant 1 : i32
    %and3A_2773 = vector.broadcast %and3A_2772 : i32 to vector<256x128xi32>
    %and3A_2774 = arith.andi %add3A_83, %and3A_2773 : vector<256x128xi32>
    %eq3A_2775 = arith.constant 0 : i32
    %eq3A_2776 = vector.broadcast %eq3A_2775 : i32 to vector<256x128xi32>
    %eq3A_2777 = arith.cmpi eq, %and3A_2774, %eq3A_2776 : vector<256x128xi32>
    %roll3A_2778 = arith.constant 127 : i32
    %roll3A_2779 = tpu.dynamic_rotate %select_n3A_2770 by %roll3A_2778 dim 1 : vector<256x128xf32>, i32 -> vector<256x128xf32>
    %roll3A_2780 = arith.constant 1 : i32
    %roll3A_2781 = tpu.dynamic_rotate %select_n3A_2770 by %roll3A_2780 dim 1 : vector<256x128xf32>, i32 -> vector<256x128xf32>
    %select_n3A_2782 = arith.select %eq3A_2777, %roll3A_2779, %roll3A_2781 : vector<256x128xi1>, vector<256x128xf32>
    %roll3A_2783 = arith.constant 127 : i32
    %roll3A_2784 = tpu.dynamic_rotate %select_n3A_2771 by %roll3A_2783 dim 1 : vector<256x128xi32>, i32 -> vector<256x128xi32>
    %roll3A_2785 = arith.constant 1 : i32
    %roll3A_2786 = tpu.dynamic_rotate %select_n3A_2771 by %roll3A_2785 dim 1 : vector<256x128xi32>, i32 -> vector<256x128xi32>
    %select_n3A_2787 = arith.select %eq3A_2777, %roll3A_2784, %roll3A_2786 : vector<256x128xi1>, vector<256x128xi32>
    %gt3A_2788 = arith.cmpf ogt, %select_n3A_2770, %select_n3A_2782 : vector<256x128xf32>
    %eq3A_2789 = arith.cmpf oeq, %select_n3A_2770, %select_n3A_2782 : vector<256x128xf32>
    %lt3A_2790 = arith.cmpi slt, %select_n3A_2771, %select_n3A_2787 : vector<256x128xi32>
    %and3A_2791 = arith.andi %eq3A_2789, %lt3A_2790 : vector<256x128xi1>
    %or3A_2792 = arith.ori %gt3A_2788, %and3A_2791 : vector<256x128xi1>
    %eq3A_2793 = arith.xori %eq3A_2423, %eq3A_2777 : vector<256x128xi1>
    %eq3A_2794 = arith.constant dense<true> : vector<256x128xi1>
    %eq3A_2795 = arith.xori %eq3A_2793, %eq3A_2794 : vector<256x128xi1>
    %eq3A_2796 = arith.xori %or3A_2792, %eq3A_2795 : vector<256x128xi1>
    %eq3A_2797 = arith.constant dense<true> : vector<256x128xi1>
    %eq3A_2798 = arith.xori %eq3A_2796, %eq3A_2797 : vector<256x128xi1>
    %select_n3A_2799 = arith.select %eq3A_2798, %select_n3A_2771, %select_n3A_2787 : vector<256x128xi1>, vector<256x128xi32>
    %jit3A_2800 = arith.constant 64 : i32
    %div3A_2801 = vector.broadcast %jit3A_2800 : i32 to vector<256x128xi32>
    %div3A_2802 = arith.divsi %iota3A_66, %div3A_2801 : vector<256x128xi32>
    %sign3A = arith.constant 0 : i32
    %sign3A_2803 = vector.broadcast %sign3A : i32 to vector<256x128xi32>
    %sign3A_2804 = arith.cmpi sgt, %iota3A_66, %sign3A_2803 : vector<256x128xi32>
    %sign3A_2805 = arith.extui %sign3A_2804 : vector<256x128xi1> to vector<256x128xi32>
    %sign3A_2806 = arith.constant 0 : i32
    %sign3A_2807 = vector.broadcast %sign3A_2806 : i32 to vector<256x128xi32>
    %sign3A_2808 = arith.cmpi slt, %iota3A_66, %sign3A_2807 : vector<256x128xi32>
    %sign3A_2809 = arith.extui %sign3A_2808 : vector<256x128xi1> to vector<256x128xi32>
    %sign3A_2810 = arith.subi %sign3A_2805, %sign3A_2809 : vector<256x128xi32>
    %sign3A_2811 = arith.constant 0 : i32
    %sign3A_2812 = arith.cmpi sgt, %jit3A_2800, %sign3A_2811 : i32
    %sign3A_2813 = arith.extui %sign3A_2812 : i1 to i32
    %sign3A_2814 = arith.constant 0 : i32
    %sign3A_2815 = arith.cmpi slt, %jit3A_2800, %sign3A_2814 : i32
    %sign3A_2816 = arith.extui %sign3A_2815 : i1 to i32
    %sign3A_2817 = arith.subi %sign3A_2813, %sign3A_2816 : i32
    %ne3A_2818 = vector.broadcast %sign3A_2817 : i32 to vector<256x128xi32>
    %ne3A_2819 = arith.cmpi ne, %sign3A_2810, %ne3A_2818 : vector<256x128xi32>
    %rem3A_2820 = vector.broadcast %jit3A_2800 : i32 to vector<256x128xi32>
    %rem3A_2821 = arith.remsi %iota3A_66, %rem3A_2820 : vector<256x128xi32>
    %ne3A_2822 = arith.constant 0 : i32
    %ne3A_2823 = vector.broadcast %ne3A_2822 : i32 to vector<256x128xi32>
    %ne3A_2824 = arith.cmpi ne, %rem3A_2821, %ne3A_2823 : vector<256x128xi32>
    %and3A_2825 = arith.andi %ne3A_2819, %ne3A_2824 : vector<256x128xi1>
    %sub3A_2826 = arith.constant 1 : i32
    %sub3A_2827 = vector.broadcast %sub3A_2826 : i32 to vector<256x128xi32>
    %sub3A_2828 = arith.subi %div3A_2802, %sub3A_2827 : vector<256x128xi32>
    %select_n3A_2829 = arith.select %and3A_2825, %sub3A_2828, %div3A_2802 : vector<256x128xi1>, vector<256x128xi32>
    %mul3A_2830 = arith.constant 8192 : i32
    %mul3A_2831 = vector.broadcast %mul3A_2830 : i32 to vector<256x128xi32>
    %mul3A_2832 = arith.muli %select_n3A_2829, %mul3A_2831 : vector<256x128xi32>
    %add3A_2833 = arith.addi %select_n3A_2799, %mul3A_2832 : vector<256x128xi32>
    %swap3A = arith.constant 0 : index
    %swap3A_2834 = arith.constant 0 : index
    %swap3A_2835 = vector.load %arg2[%swap3A, %swap3A_2834] : memref<256x128xi32, #tpu.memory_space<vmem>>, vector<256x128xi32>
    tpu.vector_store %arg2[%swap3A, %swap3A_2834], %add3A_2833 {strides = array<i32>} : memref<256x128xi32, #tpu.memory_space<vmem>>, vector<256x128xi32>,
    %add3A_2836 = arith.constant 1.000000e+00 : f32
    %add3A_2837 = vector.broadcast %add3A_2836 : f32 to vector<256x128xf32>
    %add3A_2838 = arith.addf %add3A_2837, %concatenate3A : vector<256x128xf32>
    %swap3A_2839 = arith.constant 0 : index
    %swap3A_2840 = arith.constant 0 : index
    %swap3A_2841 = vector.load %arg3[%swap3A_2839, %swap3A_2840] : memref<256x128xf32, #tpu.memory_space<vmem>>, vector<256x128xf32>
    tpu.vector_store %arg3[%swap3A_2839, %swap3A_2840], %add3A_2838 {strides = array<i32>} : memref<256x128xf32, #tpu.memory_space<vmem>>, vector<256x128xf32>,
    return
  }
}

</mosaic_0001>

<sc_bundles>
// kernel: kernel.5.cloned.1.call-start
scs
__scs_entry_jumppad:
0x0: {  	(pc) =	sbr.rel $0x88, $3  }
0x1: {  	(tag) =	ssettag $0x0;
	lr =	simm.s32 $0x1  }
0x2: {  	[smem:$0x3F9C] =	sst lr;
	_ =	strace $0xD0000000  }
0x3: {  	_ = 	snop  }
0x4: {  	_ = 	snop  }
0x5: {  	_ = 	snop  }
0x6: {  	_ = 	snop  }
0x7: {  	_ = 	snop  }
__scs_overlays_trampoline_lowered:
0x8: {  	[smem:$0x3FAB] =	sst s0  }
0x9: {  	[smem:$0x3FAC] =	sst s1  }
0xa: {  	[smem:$0x3FAD] =	sst s2  }
0xb: {  	[smem:$0x3FAE] =	sst s3  }
0xc: {  	[smem:$0x3FAF] =	sst s4  }
0xd: {  	[smem:$0x3FB0] =	sst s5  }
0xe: {  	[smem:$0x3FB1] =	sst s6  }
0xf: {  	[smem:$0x3FB2] =	sst s7  }
0x10: {  	[smem:$0x3FB3] =	sst s8  }
0x11: {  	[smem:$0x3FB4] =	sst s9;
	s0 =	simm.s32 @!p0 $0x0  }
0x12: {  	s1 =	sld [smem:$0x3F9A];
	s0 =	simm.s32 @p0 $0x1  }
0x13: {  	[smem:$0x3FB5] =	sst s0;
	s0 =	simm.s32 @!p1 $0x0  }
0x14: {  	s2 =	sld [smem:$0x3F99];
	s0 =	simm.s32 @p1 $0x1  }
0x15: {  	[smem:$0x3FB6] =	sst s0;
	s0 =	simm.s32 @!p2 $0x0  }
0x16: {  	s3 =	sld [smem:$0x3FDB];
	s0 =	simm.s32 @p2 $0x1  }
0x17: {  	s4 =	simm.s32 $0x1BF5;
	[smem:$0x3FB8] =	sst s0  }
0x18: {  	s0 =	sld [smem:$0x3F9B];
	_ =	swait.ge [sflag:s4], $0x0  }
0x19: {  	s7 =	sld [smem:$0x3F9C]  }
0x1a: {  	s8 =	sadd.s32 $0xFFFFE003, lr  }
0x1b: {  	s9 =	sadd.s32 $0xFFFFFEF7, lr;
	s5 =	simm.s32 $0xFFFFFFFF;
	p2 =	slt.u32 s8, $0xFFFFF086  }
0x1c: {  	p1 =	slt.u32 s9, $0xF7A;
	s5 =	simm.s32 @!p2 $0x0  }
0x1d: {  	s5 =	simm.s32 @p1 $0x1;
	p0 =	seq.s32 s7, s2  }
0x1e: {  	s7 =	smul.u32 @!p0 $0xF7A, s2;
	p2 =	seq.s32 @!p0 s5, $0x0  }
0x1f: {  	s9 =	smul.u32 $0xF7A, s1;
	s8 =	simm.s32 @!p0 $0x1BF5;
	p2 =	por !p2, p0  }
0x20: {  	[sflag:s8] =	ssyncset.s32 @!p0 $0xFFFFF086;
	s6 =	sadd.s32 @!p0 s3, s7;
	s7 =	simm.s32 @!p0 $0x108  }
0x21: {  	s3 =	sadd.s32 s3, s9;
	s6 =	sadd.s32 @!p0 $0x88, s6;
	s7 =	simm.s32 @p2 $0x1082  }
0x22: {  	[simem:s7], [sflag:s8] =	dma.local @!p0 [hbm:s6], $0xF7A  }
0x23: {  	s9 =	sor.u32 $0xD0000000, s2;
	s6 =	simm.s32 $0x108;
	_ =	swait.ge @!p0 [sflag:s8], $0x0  }
0x24: {  	s3 =	sadd.s32 $0x88, s3;
	s6 =	simm.s32 @!p1 $0x1082;
	[sflag:s4] =	ssyncset.s32 $0xFFFFF086  }
0x25: {  	[simem:s6], [sflag:s4] =	dma.local [hbm:s3], $0xF7A  }
0x26: {  	[smem:$0x3F9C] =	sst s1;
	(tag) =	ssettag s2;
	_ =	strace s9  }
0x27: {  	s1 =	sld [smem:$0x3FAC]  }
0x28: {  	s2 =	sld [smem:$0x3FAD]  }
0x29: {  	s4 =	sld [smem:$0x3FAF]  }
0x2a: {  	p0 =	seq.s32 s5, $0x0;
	s5 =	sld [smem:$0x3FB0]  }
0x2b: {  	s6 =	sld [smem:$0x3FB1]  }
0x2c: {  	s7 =	sld [smem:$0x3FB2]  }
0x2d: {  	s3 =	simm.s32 $0x108;
	s8 =	sld [smem:$0x3FB3]  }
0x2e: {  	s3 =	simm.s32 @!p0 $0x1082;
	s9 =	sld [smem:$0x3FB4]  }
0x2f: {  	lr =	sadd.s32 s0, s3;
	s0 =	sld [smem:$0x3FAB]  }
0x30: {  	s3 =	sld [smem:$0x3FAE]  }
0x31: {  	[smem:$0x3FB7] =	sst s10  }
0x32: {  	s10 =	sld [smem:$0x3FB5];
	_ =	sdelay $0x3  }
0x33: {  	p0 =	seq.s32 s10, $0x1;
	s10 =	sld [smem:$0x3FB7];
	_ =	sdelay $0x3  }
0x34: {  	[smem:$0x3FB7] =	sst s10  }
0x35: {  	s10 =	sld [smem:$0x3FB6];
	_ =	sdelay $0x3  }
0x36: {  	p1 =	seq.s32 s10, $0x1;
	s10 =	sld [smem:$0x3FB7];
	_ =	sdelay $0x3  }
0x37: {  	[smem:$0x3FB7] =	sst s10  }
0x38: {  	s10 =	sld [smem:$0x3FB8]  }
0x39: {  	_ = 	snop;
	(pc) =	sbr.ind lr, $3  }
0x3a: {  	_ = 	snop  }
0x3b: {  	_ = 	snop  }
0x3c: {  	p2 =	seq.s32 s10, $0x1;
	s10 =	sld [smem:$0x3FB7]  }
0x3d: {  	_ =	shalt  }
0x3e: {  	_ =	shalt  }
0x3f: {  	_ =	shalt  }
0x40: {  	_ =	shalt  }
0x41: {  	_ =	shalt  }
0x42: {  	_ =	shalt  }
0x43: {  	_ =	shalt  }
0x44: {  	_ =	shalt  }
0x45: {  	_ =	shalt  }
0x46: {  	_ =	shalt  }
0x47: {  	_ =	shalt  }
0x48: {  	_ =	shalt  }
0x49: {  	_ =	shalt  }
0x4a: {  	_ =	shalt  }
0x4b: {  	_ =	shalt  }
0x4c: {  	_ =	shalt  }
0x4d: {  	_ =	shalt  }
0x4e: {  	_ =	shalt  }
0x4f: {  	_ =	shalt  }
0x50: {  	_ =	shalt  }
0x51: {  	_ =	shalt  }
0x52: {  	_ =	shalt  }
0x53: {  	_ =	shalt  }
0x54: {  	_ =	shalt  }
0x55: {  	_ =	shalt  }
0x56: {  	_ =	shalt  }
0x57: {  	_ =	shalt  }
0x58: {  	_ =	shalt  }
0x59: {  	_ =	shalt  }
0x5a: {  	_ =	shalt  }
0x5b: {  	_ =	shalt  }
0x5c: {  	_ =	shalt  }
0x5d: {  	_ =	shalt  }
0x5e: {  	_ =	shalt  }
0x5f: {  	_ =	shalt  }
0x60: {  	_ =	shalt  }
0x61: {  	_ =	shalt  }
0x62: {  	_ =	shalt  }
0x63: {  	_ =	shalt  }
0x64: {  	_ =	shalt  }
0x65: {  	_ =	shalt  }
0x66: {  	_ =	shalt  }
0x67: {  	_ =	shalt  }
0x68: {  	_ =	shalt  }
0x69: {  	_ =	shalt  }
0x6a: {  	_ =	shalt  }
0x6b: {  	_ =	shalt  }
0x6c: {  	_ =	shalt  }
0x6d: {  	_ =	shalt  }
0x6e: {  	_ =	shalt  }
0x6f: {  	_ =	shalt  }
0x70: {  	_ =	shalt  }
0x71: {  	_ =	shalt  }
0x72: {  	_ =	shalt  }
0x73: {  	_ =	shalt  }
0x74: {  	_ =	shalt  }
0x75: {  	_ =	shalt  }
0x76: {  	_ =	shalt  }
0x77: {  	_ =	shalt  }
0x78: {  	_ =	shalt  }
0x79: {  	_ =	shalt  }
0x7a: {  	_ =	shalt  }
0x7b: {  	_ =	shalt  }
0x7c: {  	_ =	shalt  }
0x7d: {  	_ =	shalt  }
0x7e: {  	_ =	shalt  }
0x7f: {  	_ =	shalt  }
0x80: {  	_ =	shalt  }
0x81: {  	_ =	shalt  }
0x82: {  	_ =	shalt  }
0x83: {  	_ =	shalt  }
0x84: {  	_ =	shalt  }
0x85: {  	_ =	shalt  }
0x86: {  	_ =	shalt  }
0x87: {  	_ =	shalt  }
.Lfunc_end0:
.L_simem_size_0:
called_computation_lowered:
.L_overlay_start_0:
0x88: {  	s2 =	sld [smem:$0x3FD9]  }
0x89: {  	s3 =	sld [smem:$0x3FFE];
	_ =	sdelay $0x1  }
0x8a: {  	s1 =	srdreg.scid  }
0x8b: {  	s0 =	sand.u32 $0x1, s1  }
0x8c: {  	s17 =	sshll.u32 s0, $0xA;
	s2 =	sadd.s32 s3, s2  }
0x8d: {  	s2 =	sadd.s32 s2, s17  }
0x8e: {  	[smem:$0x3FC3] =	sst s2  }
0x8f: {  	_ = 	snop  }
0x90: {  	s2 =	sld [smem:$0x3FD0];
	(tm) =	ssettm $0x1  }
0x91: {  	s18 =	sld [smem:$0x3FFB];
	_ =	sdelay $0x3  }
0x92: {  	_ =	strace s18  }
0x93: {  	s3 =	sld [smem:$0x3FFC];
	_ =	sdelay $0x3  }
0x94: {  	_ =	strace s3  }
0x95: {  	s3 =	sld [smem:$0x3FFD];
	_ =	sdelay $0x3  }
0x96: {  	_ =	strace s3  }
0x97: {  	_ =	strace $0x8FFFFFFF  }
0x98: {  	s19 =	sld [smem:$0x3FDB];
	_ =	sdelay $0x1  }
0x99: {  	s4 =	simm.s32 $_scs_section_size  }
0x9a: {  	s5 =	simm.s32 $_size__tile_overlayer_lowered;
	s6 =	simm.s32 $_tile_overlayer_lowered  }
0x9b: {  	s22 =	simm.s32 $0x1BFF;
	s21 =	sshll.u32 s6, $0x1;
	s3 =	sadd.s32 s4, s19  }
0x9c: {  	s7 =	simm.s32 $0x0;
	s20 =	sshll.u32 s5, $0x1;
	s5 =	sadd.s32 s21, s3  }
0x9d: {  	[timem:s7], [sflag:s22] =	dma.local [hbm:s5], s20  }
0x9e: {  	_ =	swait.ge [sflag:s22], s20  }
0x9f: {  	s4 =	ssub.s32 $0x0, s20;
	[sflag:s22] =	ssyncset.done $0x0  }
0xa0: {  	[sflag:s22] =	ssyncadd.s32 s4;
	_ =	sdelay $0x1  }
0xa1: {  	s23 =	simm.s32 $0x1B8B  }
0xa2: {  	_ =	swait.ge [sflag:s23], $0x1  }
0xa3: {  	[sflag:s23] =	ssyncset.done $0x0  }
0xa4: {  	s25 =	simm.s32 $0x1B8E;
	s24 =	sld [smem:$0x3FFE];
	[sflag:s23] =	ssyncadd.s32 $0xFFFFFFFF  }
0xa5: {  	s26 =	simm.s32 $execute0_lowered;
	[smem:$0x3FD2] =	sst s25  }
0xa6: {  	s5 =	sshll.u32 s26, $0x1;
	_ =	strace $0x80000046;
	[dreg:$0x1] =	wrdreg $0xFFFFFFFF  }
0xa7: {  	s28 =	simm.s32 $_size_execute0_lowered;
	s3 =	sadd.s32 s3, s5;
	[dreg:$0x0] =	wrdreg $0x0  }
0xa8: {  	s5 =	sshll.u32 s28, $0x1;
	[dreg:$0x2] =	wrdreg s3  }
0xa9: {  	[dreg:$0x3] =	wrdreg s5  }
0xaa: {  	[dreg:$0x4] =	wrdreg $0xC0  }
0xab: {  	_ =	task [dreg:s7], $0x5FFFF  }
0xac: {  	[dreg:$0x1] =	wrdreg $0xFFFFFFFF  }
0xad: {  	[dreg:$0x0] =	wrdreg $0x60  }
0xae: {  	[dreg:$0x2] =	wrdreg s24  }
0xaf: {  	[dreg:$0x3] =	wrdreg s2  }
0xb0: {  	[dreg:$0x4] =	wrdreg $0x9  }
0xb1: {  	_ =	task.clear_ibuf [dreg:s7], $0x5FFFF;
	_ =	strace $0x90000046  }
0xb2: {  	s29 =	simm.s32 $0x9;
	_ =	strace $0x80000048  }
0xb3: {  	_ =	swait.ge [sflag:s29], $0x1  }
0xb4: {  	[sflag:s29] =	ssyncadd.s32 $0xFFFFFFFF  }
0xb5: {  	_ =	strace $0x90000048  }
0xb6: {  	_ =	sfence  }
0xb7: {  	s30 =	sld [smem:$0x0];
	_ =	sdelay $0x2  }
0xb8: {  	s31 =	sshll.u32 s1, $0xD;
	s1 =	sshrl.u32 s1, $0x2  }
0xb9: {  	s3 =	sand.u32 $0x4000, s31;
	s1 =	sadd.s32 s1, s30  }
0xba: {  	s0 =	sor.u32 s3, s0;
	s1 =	sshll.u32 s1, $0x11  }
0xbb: {  	s0 =	sor.u32 s1, s0  }
0xbc: {  	s0 =	sadd.s32 $0x8F2B, s0  }
0xbd: {  	[sflag:s0] =	ssyncadd.remote.s32 $0x1  }
0xbe: {  	_ =	sfence.sel $0xFFFF  }
0xbf: {  	[dreg:$0x0] =	wrdreg $0xFFFFFFFF;
	(pc) =	sbr.abs _section_cstart, $3  }
0xc0: {  	[dreg:$0x1] =	wrdreg $0xFFFFFFFF  }
0xc1: {  	_ =	task.clear_ibuf [dreg:s7], $0x2FFFF;
	_ =	strace $0x9FFFFFFF  }
0xc2: {  	(tm) =	ssettm $0x7FFFFFFF  }
0xc3: {  	_ =	shalt  }
tec
execute0_lowered:
.L_overlay_start_1:
0x0: {  	(tag) =	ssettag $0x1  }
0x1: {  	s1 =	srdreg.scid  }
0x2: {  	s4 =	rddreg [dreg:$0x0];
	s0 =	stileid.u32;
	s23 =	sand.u32 $0x1, s1  }
0x3: {  	s2 =	rddreg [dreg:$0x1];
	s5 =	sshll.u32 s0, $0x8;
	s6 =	sshll.u32 s23, $0x7  }
0x4: {  	s3 =	simm.s32 $0x0;
	s1 =	rddreg [dreg:$0x2];
	s5 =	sor.u32 s6, s5  }
0x5: {  	[smem:$0x7FF] =	sst s3;
	s6 =	sadd.s32 s5, s4  }
0x6: {  	_ =	strace $0x80000047;
	s5 =	simm.s32 $0x2;
	s4 =	sadd.s32 $0x1000, s6  }
0x7: {  	[tilespmem:s3], [sflag:$0x2] =	stream.linear.gather [hbm4b:s4+s3], $0x400, $0x38;
	[tilespmem:$0x800] =	vst v63  }
0x8: {  	_ =	swait.ge [sflag:s5], $0x400  }
0x9: {  	[sflag:s5] =	ssyncset.done $0x0  }
0xa: {  	s7 =	simm.s32 $0x400;
	s6 =	sadd.s32 $0x2000, s6;
	[sflag:s5] =	ssyncadd.s32 $0xFFFFFC00  }
0xb: {  	[tilespmem:s7], [sflag:$0x2] =	stream.linear.gather [hbm4b:s6+s3], $0x400, $0x38;
	[tilespmem:$0x800] =	vst v63  }
0xc: {  	_ =	swait.ge [sflag:s5], $0x400  }
0xd: {  	[sflag:s5] =	ssyncset.done $0x0  }
0xe: {  	s8 =	simm.s32 $0x80;
	[sflag:s5] =	ssyncadd.s32 $0xFFFFFC00  }
0xf: {  	[hbm4b:s2+s8] =	stream.indirect.scatter [tilespmem:s7], [sflag:$0x1], $0x1, s3, s8, $0xb8;
	[tilespmem:$0x800] =	vst v63  }
0x10: {  	s9 =	simm.s32 $0x480  }
0x11: {  	[hbm4b:s2+s8] =	stream.indirect.scatter [tilespmem:s9], [sflag:$0x1], $0x1, s8, s8, $0xb8;
	[tilespmem:$0x800] =	vst v63  }
0x12: {  	s10 =	simm.s32 $0x100;
	s11 =	simm.s32 $0x500  }
0x13: {  	[hbm4b:s2+s8] =	stream.indirect.scatter [tilespmem:s11], [sflag:$0x1], $0x1, s10, s8, $0xb8;
	[tilespmem:$0x800] =	vst v63  }
0x14: {  	s12 =	simm.s32 $0x180;
	s13 =	simm.s32 $0x580  }
0x15: {  	[hbm4b:s2+s8] =	stream.indirect.scatter [tilespmem:s13], [sflag:$0x1], $0x1, s12, s8, $0xb8;
	[tilespmem:$0x800] =	vst v63  }
0x16: {  	s14 =	simm.s32 $0x200;
	s15 =	simm.s32 $0x600  }
0x17: {  	[hbm4b:s2+s8] =	stream.indirect.scatter [tilespmem:s15], [sflag:$0x1], $0x1, s14, s8, $0xb8;
	[tilespmem:$0x800] =	vst v63  }
0x18: {  	s16 =	simm.s32 $0x280;
	s17 =	simm.s32 $0x680  }
0x19: {  	[hbm4b:s2+s8] =	stream.indirect.scatter [tilespmem:s17], [sflag:$0x1], $0x1, s16, s8, $0xb8;
	[tilespmem:$0x800] =	vst v63  }
0x1a: {  	s18 =	simm.s32 $0x300;
	s19 =	simm.s32 $0x700  }
0x1b: {  	[hbm4b:s2+s8] =	stream.indirect.scatter [tilespmem:s19], [sflag:$0x1], $0x1, s18, s8, $0xb8;
	[tilespmem:$0x800] =	vst v63  }
0x1c: {  	s20 =	simm.s32 $0x380;
	s22 =	simm.s32 $0x780;
	s21 =	simm.s32 $0x1  }
0x1d: {  	[hbm4b:s2+s8] =	stream.indirect.scatter [tilespmem:s22], [sflag:$0x1], $0x1, s20, s8, $0xb8;
	[tilespmem:$0x800] =	vst v63  }
0x1e: {  	_ =	swait.ge [sflag:s21], $0x80  }
0x1f: {  	[sflag:s21] =	ssyncset.done $0x0  }
0x20: {  	[sflag:s21] =	ssyncadd.s32 $0xFFFFFF80  }
0x21: {  	_ =	swait.ge [sflag:s21], $0x80  }
0x22: {  	[sflag:s21] =	ssyncset.done $0x0  }
0x23: {  	[sflag:s21] =	ssyncadd.s32 $0xFFFFFF80  }
0x24: {  	_ =	swait.ge [sflag:s21], $0x80  }
0x25: {  	[sflag:s21] =	ssyncset.done $0x0  }
0x26: {  	[sflag:s21] =	ssyncadd.s32 $0xFFFFFF80  }
0x27: {  	_ =	swait.ge [sflag:s21], $0x80  }
0x28: {  	[sflag:s21] =	ssyncset.done $0x0  }
0x29: {  	[sflag:s21] =	ssyncadd.s32 $0xFFFFFF80  }
0x2a: {  	_ =	swait.ge [sflag:s21], $0x80  }
0x2b: {  	s23 =	ssub.s32 $0x2, s23;
	[sflag:s21] =	ssyncset.done $0x0  }
0x2c: {  	s24 =	sshrl.u32 s23, $0x1;
	[sflag:s21] =	ssyncadd.s32 $0xFFFFFF80  }
0x2d: {  	s23 =	ssub.s32 s23, s24;
	_ =	swait.ge [sflag:s21], $0x80  }
0x2e: {  	s23 =	smax.u32 s23, $0x1;
	[sflag:s21] =	ssyncset.done $0x0  }
0x2f: {  	p0 =	sne.s32 s23, $0x1;
	[sflag:s21] =	ssyncadd.s32 $0xFFFFFF80  }
.Ltmp0:
0x30: {  	_ =	swait.ge [sflag:s21], $0x80;
	(pc) =	sbr.rel @!p0 .LBB2_2-.Ltmp0, $4  }
0x31: {  	[sflag:s21] =	ssyncset.done $0x0  }
0x32: {  	[sflag:s21] =	ssyncadd.s32 $0xFFFFFF80  }
0x33: {  	_ =	swait.ge [sflag:s21], $0x80  }
0x34: {  	s23 =	sadd.s32 $0xFFFFFFFF, s23;
	[sflag:s21] =	ssyncset.done $0x0  }
.LBB2_1:
0x35: {  	p0 =	sne.s32 s23, $0x1;
	s23 =	sadd.s32 $0xFFFFFFFF, s23;
	[sflag:s21] =	ssyncadd.s32 $0xFFFFFF80  }
0x36: {  	[tilespmem:s3], [sflag:$0x2] =	stream.linear.gather [hbm4b:s4+s3], $0x400, $0x38;
	[tilespmem:$0x800] =	vst v63  }
0x37: {  	_ =	swait.ge [sflag:s5], $0x400  }
0x38: {  	[sflag:s5] =	ssyncset.done $0x0  }
0x39: {  	[sflag:s5] =	ssyncadd.s32 $0xFFFFFC00  }
0x3a: {  	[tilespmem:s7], [sflag:$0x2] =	stream.linear.gather [hbm4b:s6+s3], $0x400, $0x38;
	[tilespmem:$0x800] =	vst v63  }
0x3b: {  	_ =	swait.ge [sflag:s5], $0x400  }
0x3c: {  	[sflag:s5] =	ssyncset.done $0x0  }
0x3d: {  	[sflag:s5] =	ssyncadd.s32 $0xFFFFFC00  }
0x3e: {  	[hbm4b:s2+s8] =	stream.indirect.scatter [tilespmem:s7], [sflag:$0x1], $0x1, s3, s8, $0xb8;
	[tilespmem:$0x800] =	vst v63  }
0x3f: {  	_ = 	snop  }
0x40: {  	[hbm4b:s2+s8] =	stream.indirect.scatter [tilespmem:s9], [sflag:$0x1], $0x1, s8, s8, $0xb8;
	[tilespmem:$0x800] =	vst v63  }
0x41: {  	_ = 	snop  }
0x42: {  	[hbm4b:s2+s8] =	stream.indirect.scatter [tilespmem:s11], [sflag:$0x1], $0x1, s10, s8, $0xb8;
	[tilespmem:$0x800] =	vst v63  }
0x43: {  	_ = 	snop  }
0x44: {  	[hbm4b:s2+s8] =	stream.indirect.scatter [tilespmem:s13], [sflag:$0x1], $0x1, s12, s8, $0xb8;
	[tilespmem:$0x800] =	vst v63  }
0x45: {  	_ = 	snop  }
0x46: {  	[hbm4b:s2+s8] =	stream.indirect.scatter [tilespmem:s15], [sflag:$0x1], $0x1, s14, s8, $0xb8;
	[tilespmem:$0x800] =	vst v63  }
0x47: {  	_ = 	snop  }
0x48: {  	[hbm4b:s2+s8] =	stream.indirect.scatter [tilespmem:s17], [sflag:$0x1], $0x1, s16, s8, $0xb8;
	[tilespmem:$0x800] =	vst v63  }
0x49: {  	_ = 	snop  }
0x4a: {  	[hbm4b:s2+s8] =	stream.indirect.scatter [tilespmem:s19], [sflag:$0x1], $0x1, s18, s8, $0xb8;
	[tilespmem:$0x800] =	vst v63  }
0x4b: {  	_ = 	snop  }
0x4c: {  	[hbm4b:s2+s8] =	stream.indirect.scatter [tilespmem:s22], [sflag:$0x1], $0x1, s20, s8, $0xb8;
	[tilespmem:$0x800] =	vst v63  }
0x4d: {  	_ =	swait.ge [sflag:s21], $0x80  }
0x4e: {  	[sflag:s21] =	ssyncset.done $0x0  }
0x4f: {  	[sflag:s21] =	ssyncadd.s32 $0xFFFFFF80  }
0x50: {  	_ =	swait.ge [sflag:s21], $0x80  }
0x51: {  	[sflag:s21] =	ssyncset.done $0x0  }
0x52: {  	[sflag:s21] =	ssyncadd.s32 $0xFFFFFF80  }
0x53: {  	_ =	swait.ge [sflag:s21], $0x80  }
0x54: {  	[sflag:s21] =	ssyncset.done $0x0  }
0x55: {  	[sflag:s21] =	ssyncadd.s32 $0xFFFFFF80  }
0x56: {  	_ =	swait.ge [sflag:s21], $0x80  }
0x57: {  	[sflag:s21] =	ssyncset.done $0x0  }
0x58: {  	[sflag:s21] =	ssyncadd.s32 $0xFFFFFF80  }
0x59: {  	_ =	swait.ge [sflag:s21], $0x80  }
0x5a: {  	[sflag:s21] =	ssyncset.done $0x0  }
0x5b: {  	[sflag:s21] =	ssyncadd.s32 $0xFFFFFF80  }
0x5c: {  	_ =	swait.ge [sflag:s21], $0x80  }
0x5d: {  	[sflag:s21] =	ssyncset.done $0x0  }
0x5e: {  	[sflag:s21] =	ssyncadd.s32 $0xFFFFFF80  }
.Ltmp1:
0x5f: {  	_ =	swait.ge [sflag:s21], $0x80;
	(pc) =	sbr.rel @p0 .LBB2_1-.Ltmp1, $4  }
0x60: {  	[sflag:s21] =	ssyncset.done $0x0  }
0x61: {  	[sflag:s21] =	ssyncadd.s32 $0xFFFFFF80  }
0x62: {  	_ =	swait.ge [sflag:s21], $0x80  }
0x63: {  	[sflag:s21] =	ssyncset.done $0x0  }
.LBB2_2:
0x64: {  	[sflag:s21] =	ssyncadd.s32 $0xFFFFFF80  }
0x65: {  	_ =	sfence.sel $0x180000  }
0x66: {  	[bflag:$0x0] =	sbarrier.arrive $0xFFFF  }
0x67: {  	p0 =	sne.s32 s0, $0x0;
	_ =	strace $0x90000047  }
0x68: {  	s0 =	sadd.s32 @!p0 $0x100000, s1;
	[bflag:$0x2] =	sbarrier.arrive $0xFFFF  }
0x69: {  	[sflag:s0] =	ssyncadd.tile.s32 @!p0 $0x1;
	_ =	shalt  }
.Lfunc_end2:
_tile_overlayer_lowered:
.L_overlay_start_2:
0x6a: {  	(tag) =	ssettag $0x2  }
0x6b: {  	s0 =	rddreg [dreg:$0x0];
	s2 =	stileid.u32  }
0x6c: {  	s1 =	rddreg [dreg:$0x1];
	p0 =	sne.s32 s2, $0x0  }
0x6d: {  	s3 =	rddreg [dreg:$0x2];
	[bflag:$0x3] =	sbarrier.arrive $0xFFFF;
	s2 =	simm.s32 @!p0 $0x1C02  }
0x6e: {  	[timem:s3], [sflag:s2] =	dma.local @!p0 [hbm:s0], s1  }
0x6f: {  	s0 =	simm.s32 @!p0 $0x2  }
0x70: {  	_ =	swait.ge @!p0 [sflag:s0], s1  }
0x71: {  	s1 =	ssub.s32 @!p0 $0x0, s1;
	[sflag:s0] =	ssyncset.done @!p0 $0x0  }
0x72: {  	[sflag:s0] =	ssyncadd.s32 @!p0 s1  }
0x73: {  	[bflag:$0x3] =	sbarrier.arrive $0xFFFF  }
0x74: {  	_ =	shalt  }

</sc_bundles>
